<compile_context>
chip_gen: v7x
topology: tpu7x:2x2x1
jax: 0.10.2.dev20260603
libtpu: 0.0.44.dev20260713+nightly
codegen_flags: <defaults>
</compile_context>

<pallas_src>
import functools

import jax
import jax.numpy as jnp
from jax import lax
from jax.experimental import pallas as pl
from jax.experimental.pallas import tpu as pltpu
from jax.experimental.pallas import tpu_sc as plsc

N = 10000
E = 320000
D = 128

NC = 2
NS = 16
K = 128
E_PAD = 327680
CHUNKS = E_PAD // K
CPW = CHUNKS // (NC * NS)
NSB = 2
HB = CPW // NSB
ACC_ROWS = N + 64
RPT = 624

@functools.cache
def _get_sc_agg():
    mesh = plsc.VectorSubcoreMesh(core_axis_name="c", subcore_axis_name="s",
                                  num_cores=NC, num_subcores=NS)
    return functools.partial(
        pl.kernel,
        out_type=jax.ShapeDtypeStruct((NC * N, D), jnp.float32),
        mesh=mesh,
        scratch_types=[
            pltpu.VMEM((HB, K), jnp.int32),
            pltpu.VMEM((HB, K), jnp.int32),
            pltpu.VMEM((K, D), jnp.float32),
            pltpu.VMEM((K, D), jnp.float32),
            pltpu.VMEM_SHARED((ACC_ROWS, D), jnp.float32),
            pltpu.SemaphoreType.DMA,
            pltpu.SemaphoreType.DMA,
        ],
    )(_sc_agg_body)


def _sc_agg_body(x_hbm, srcdst_hbm, zz_hbm, out_hbm,
                 src_v, dst_v, rows0, rows1, acc, sem0, sem1):
    c = lax.axis_index("c")
    s = lax.axis_index("s")
    rows = (rows0, rows1)
    sems = (sem0, sem1)
    row0 = (c * NS + s) * CPW
    pltpu.sync_copy(srcdst_hbm.at[0, pl.ds(row0, HB)], src_v)
    pltpu.sync_copy(srcdst_hbm.at[1, pl.ds(row0, HB)], dst_v)
    pltpu.async_copy(x_hbm.at[src_v.at[0]], rows0, sem0)
    pltpu.async_copy(x_hbm.at[src_v.at[1]], rows1, sem1)
    pltpu.sync_copy(zz_hbm, acc.at[pl.ds(s * RPT, RPT)])
    @pl.when(s == NS - 1)
    def _():
        pltpu.sync_copy(zz_hbm.at[pl.ds(0, ACC_ROWS - NS * RPT)],
                        acc.at[pl.ds(NS * RPT, ACC_ROWS - NS * RPT)])
    plsc.subcore_barrier()

    for hblk in range(NSB):
        if hblk:
            base = row0 + hblk * HB
            pltpu.sync_copy(srcdst_hbm.at[0, pl.ds(base, HB)], src_v)
            pltpu.sync_copy(srcdst_hbm.at[1, pl.ds(base, HB)], dst_v)
            pltpu.async_copy(x_hbm.at[src_v.at[0]], rows0, sem0)
            pltpu.async_copy(x_hbm.at[src_v.at[1]], rows1, sem1)

        @pl.loop(0, HB - 2, step=2)
        def _(jj):
            for b in range(2):
                j = jj + b
                pltpu.make_async_copy(x_hbm.at[src_v.at[j]], rows[b],
                                      sems[b]).wait()
                pltpu.sync_copy(rows[b], acc.at[dst_v.at[j]], add=True)
                pltpu.async_copy(x_hbm.at[src_v.at[j + 2]], rows[b], sems[b])

        for b in range(2):
            j = HB - 2 + b
            pltpu.make_async_copy(x_hbm.at[src_v.at[j]], rows[b],
                                  sems[b]).wait()
            pltpu.sync_copy(rows[b], acc.at[dst_v.at[j]], add=True)
    plsc.subcore_barrier()
    pltpu.sync_copy(acc.at[pl.ds(s * RPT, RPT)],
                    out_hbm.at[pl.ds(c * N + s * RPT, RPT)])

    @pl.when(s == NS - 1)
    def _():
        pltpu.sync_copy(acc.at[pl.ds(NS * RPT, N - NS * RPT)],
                        out_hbm.at[pl.ds(c * N + NS * RPT, N - NS * RPT)])


def _bn_cols(z, g, b):
    m = jnp.mean(z, axis=0, keepdims=True)
    v = jnp.mean((z - m) * (z - m), axis=0, keepdims=True)
    return (z - m) * lax.rsqrt(v + 1e-5) * g + b


def _tc_layer_body(final, h_ref, p_ref, w1_ref, b1_ref, g1_ref, be1_ref,
                   w2_ref, b2_ref, gbn_ref, bbn_ref, out_ref):
    z = h_ref[...] + p_ref[0:N, :] + p_ref[N:2 * N, :]
    z = lax.dot_general(z, w1_ref[...], (((1,), (1,)), ((), ())),
                        preferred_element_type=jnp.float32)
    z = _bn_cols(z + b1_ref[...], g1_ref[...], be1_ref[...])
    z = jnp.maximum(z, 0.0)
    z = lax.dot_general(z, w2_ref[...], (((1,), (1,)), ((), ())),
                        preferred_element_type=jnp.float32)
    z = z + b2_ref[...]
    if final:
        nrm = jnp.maximum(jnp.sqrt(jnp.sum(z * z, axis=1, keepdims=True)), 1e-12)
        out_ref[...] = z / nrm
    else:
        out_ref[...] = jnp.maximum(_bn_cols(z, gbn_ref[...], bbn_ref[...]), 0.0)


def _make_tc_layer(final):
    return pl.pallas_call(
        functools.partial(_tc_layer_body, final),
        out_shape=jax.ShapeDtypeStruct((N, D), jnp.float32),
    )


_tc_mid = _make_tc_layer(False)
_tc_fin = _make_tc_layer(True)


def kernel(x, edge_index, W1_0, b1_0, g1_0, be1_0, W2_0, b2_0,
           W1_1, b1_1, g1_1, be1_1, W2_1, b2_1,
           W1_2, b1_2, g1_2, be1_2, W2_2, b2_2,
           gbn_0, bbn_0, gbn_1, bbn_1):
    nw = NC * NS
    epw = E // nw
    ppw = (E_PAD - E) // nw
    pad_src = jnp.broadcast_to(
        (jnp.arange(ppw, dtype=jnp.int32) * 41) % N, (nw, ppw))
    pad_dst = jnp.broadcast_to(
        N + (jnp.arange(ppw, dtype=jnp.int32) % (ACC_ROWS - N)), (nw, ppw))
    src = jnp.concatenate(
        [edge_index[0].reshape(nw, epw), pad_src], axis=1).reshape(CHUNKS, K)
    dst = jnp.concatenate(
        [edge_index[1].reshape(nw, epw), pad_dst], axis=1).reshape(CHUNKS, K)
    srcdst = jnp.stack([src, dst])
    zz = jnp.zeros((RPT, D), jnp.float32)

    def row(v):
        return v.reshape(1, D)

    h = x
    layers = (
        (W1_0, b1_0, g1_0, be1_0, W2_0, b2_0, gbn_0, bbn_0, _tc_mid),
        (W1_1, b1_1, g1_1, be1_1, W2_1, b2_1, gbn_1, bbn_1, _tc_mid),
        (W1_2, b1_2, g1_2, be1_2, W2_2, b2_2, gbn_0, bbn_0, _tc_fin),
    )
    sc_agg = _get_sc_agg()
    for (w1, b1, g1, be1, w2, b2, gbn, bbn, tc) in layers:
        parts = sc_agg(h, srcdst, zz)
        h = tc(h, parts, w1, row(b1), row(g1), row(be1),
               w2, row(b2), row(gbn), row(bbn))
    return h

# --- scband reference (transcript-rebuilt; emitter-appended) ---
"""Pipeline reference for scband-ginencoder-29291676959176 (READ-ONLY COPY).

The authoritative reference and input builder live on the scoring server;
editing this copy changes nothing except your own understanding.
"""

import jax, jax.numpy as jnp
import numpy as np

N = 10000
E = 320000
D = 128

def _bn(h, g, b):
    m = jnp.mean(h, axis=0, keepdims=True)
    v = jnp.var(h, axis=0, keepdims=True)
    return (h - m) / jnp.sqrt(v + 1e-5) * g + b

def setup_inputs(seed: int = 0) -> dict:
    key = jax.random.key(seed)
    inp = {}
    inp["x"] = jax.random.normal(jax.random.fold_in(key, 0), (N, D), dtype=jnp.float32)
    inp["edge_index"] = jax.random.randint(jax.random.fold_in(key, 1), (2, E), 0, N, dtype=jnp.int32)
    c = 2
    for i in range(3):
        inp["W1_%d" % i] = jax.random.normal(jax.random.fold_in(key, c), (D, D), dtype=jnp.float32) * 0.05; c += 1
        inp["b1_%d" % i] = jnp.zeros((D,), jnp.float32)
        inp["g1_%d" % i] = jnp.ones((D,), jnp.float32)
        inp["be1_%d" % i] = jnp.zeros((D,), jnp.float32)
        inp["W2_%d" % i] = jax.random.normal(jax.random.fold_in(key, c), (D, D), dtype=jnp.float32) * 0.05; c += 1
        inp["b2_%d" % i] = jnp.zeros((D,), jnp.float32)
    for i in range(2):
        inp["gbn_%d" % i] = jnp.ones((D,), jnp.float32)
        inp["bbn_%d" % i] = jnp.zeros((D,), jnp.float32)
    return inp

def reference(x, edge_index, W1_0, b1_0, g1_0, be1_0, W2_0, b2_0, W1_1, b1_1, g1_1, be1_1, W2_1, b2_1, W1_2, b1_2, g1_2, be1_2, W2_2, b2_2, gbn_0, bbn_0, gbn_1, bbn_1):
    src = edge_index[0]
    dst = edge_index[1]
    def gin(h, W1, b1, g1, be1, W2, b2):
        agg = jax.ops.segment_sum(h[src], dst, num_segments=N)
        z = h + agg  # GINConv with eps=0: (1+eps)*x + sum_agg
        z = z @ W1.T + b1
        z = _bn(z, g1, be1)
        z = jax.nn.relu(z)
        return z @ W2.T + b2
    h = gin(x, W1_0, b1_0, g1_0, be1_0, W2_0, b2_0)
    h = jax.nn.relu(_bn(h, gbn_0, bbn_0))
    h = gin(h, W1_1, b1_1, g1_1, be1_1, W2_1, b2_1)
    h = jax.nn.relu(_bn(h, gbn_1, bbn_1))
    h = gin(h, W1_2, b1_2, g1_2, be1_2, W2_2, b2_2)
    nrm = jnp.maximum(jnp.sqrt(jnp.sum(h * h, axis=-1, keepdims=True)), 1e-12)
    return h / nrm

if __name__ == "__main__":
    import jax
    _d = setup_inputs()
    print(jax.jit(kernel)(*tuple(_d.values())))

</pallas_src>

<mosaic_0001>
#map = affine_map<(d0, d1) -> (0, 0)>
#map1 = affine_map<(d0, d1) -> (0, 0, 0)>
module attributes {stable_mosaic.version = 14 : i64} {
  func.func @_sc_agg_body(%arg0: i32, %arg1: i32, %arg2: memref<10000x128xf32, #tpu.memory_space<hbm>>, %arg3: memref<2x2560x128xi32, #tpu.memory_space<hbm>>, %arg4: memref<624x128xf32, #tpu.memory_space<hbm>>, %arg5: memref<20000x128xf32, #tpu.memory_space<hbm>>, %arg6: memref<40x128xi32, #tpu.memory_space<vmem>>, %arg7: memref<40x128xi32, #tpu.memory_space<vmem>>, %arg8: memref<128x128xf32, #tpu.memory_space<vmem>>, %arg9: memref<128x128xf32, #tpu.memory_space<vmem>>, %arg10: memref<10064x128xf32, #tpu.memory_space<vmem_shared>>, %arg11: memref<!tpu.dma_semaphore, #tpu.memory_space<semaphore_mem>>, %arg12: memref<!tpu.dma_semaphore, #tpu.memory_space<semaphore_mem>>) attributes {dimension_semantics = [#tpu.dimension_semantics<core_parallel>, #tpu.dimension_semantics<subcore_parallel>], iteration_bounds = array<i64: 2, 16>, scalar_prefetch = 0 : i64, scratch_operands = 7 : i64, tpu.core_type = #tpu.core_type<sc_vector_subcore>, window_params = [{transform_indices = #map}, {transform_indices = #map1}, {transform_indices = #map}, {transform_indices = #map}]} {
    %mul3A = arith.constant 16 : i32
    %mul3A_0 = arith.muli %arg0, %mul3A : i32
    %add3A = arith.addi %mul3A_0, %arg1 : i32
    %mul3A_1 = arith.constant 80 : i32
    %mul3A_2 = arith.muli %add3A, %mul3A_1 : i32
    %run_scoped3A = arith.constant 0 : i32
    "tpu.region"() ({
      %run_scoped3A_92 = tpu.sem_alloc : memref<!tpu.dma_semaphore, #tpu.memory_space<semaphore_mem>>
      %dma_start3A_93 = arith.constant 0 : i32
      %dma_start3A_94 = tpu.memref_slice %arg3[%run_scoped3A, %mul3A_2, %dma_start3A_93] : memref<2x2560x128xi32, #tpu.memory_space<hbm>> -> memref<1x40x128xi32, #tpu.memory_space<hbm>>
      %dma_start3A_95 = tpu.memref_squeeze %dma_start3A_94 : memref<1x40x128xi32, #tpu.memory_space<hbm>> -> memref<40x128xi32, #tpu.memory_space<hbm>>
      %dma_start3A_96 = arith.constant 0 : i32
      %dma_start3A_97 = tpu.memref_slice %arg3[%run_scoped3A, %mul3A_2, %dma_start3A_96] : memref<2x2560x128xi32, #tpu.memory_space<hbm>> -> memref<1x40x128xi32, #tpu.memory_space<hbm>>
      %dma_start3A_98 = tpu.memref_squeeze %dma_start3A_97 : memref<1x40x128xi32, #tpu.memory_space<hbm>> -> memref<40x128xi32, #tpu.memory_space<hbm>>
      tpu.enqueue_dma source(%dma_start3A_98 : memref<40x128xi32, #tpu.memory_space<hbm>>) target(%arg6 : memref<40x128xi32, #tpu.memory_space<vmem>>) target_semaphore(%run_scoped3A_92 : memref<!tpu.dma_semaphore, #tpu.memory_space<semaphore_mem>>)
      %dma_wait3A_99 = arith.constant 0 : i32
      %dma_wait3A_100 = tpu.memref_slice %arg3[%run_scoped3A, %mul3A_2, %dma_wait3A_99] : memref<2x2560x128xi32, #tpu.memory_space<hbm>> -> memref<1x40x128xi32, #tpu.memory_space<hbm>>
      %dma_wait3A_101 = tpu.memref_squeeze %dma_wait3A_100 : memref<1x40x128xi32, #tpu.memory_space<hbm>> -> memref<40x128xi32, #tpu.memory_space<hbm>>
      %dma_wait3A_102 = arith.constant 0 : i32
      %dma_wait3A_103 = tpu.memref_slice %arg3[%run_scoped3A, %mul3A_2, %dma_wait3A_102] : memref<2x2560x128xi32, #tpu.memory_space<hbm>> -> memref<1x40x128xi32, #tpu.memory_space<hbm>>
      %dma_wait3A_104 = tpu.memref_squeeze %dma_wait3A_103 : memref<1x40x128xi32, #tpu.memory_space<hbm>> -> memref<40x128xi32, #tpu.memory_space<hbm>>
      tpu.wait_dma2 semaphore(%run_scoped3A_92 : memref<!tpu.dma_semaphore, #tpu.memory_space<semaphore_mem>>) src(%dma_wait3A_104 : memref<40x128xi32, #tpu.memory_space<hbm>>) dst(%arg6 : memref<40x128xi32, #tpu.memory_space<vmem>>)
      tpu.yield
    }) : () -> ()
    %run_scoped3A_3 = arith.constant 1 : i32
    "tpu.region"() ({
      %run_scoped3A_92 = tpu.sem_alloc : memref<!tpu.dma_semaphore, #tpu.memory_space<semaphore_mem>>
      %dma_start3A_93 = arith.constant 0 : i32
      %dma_start3A_94 = tpu.memref_slice %arg3[%run_scoped3A_3, %mul3A_2, %dma_start3A_93] : memref<2x2560x128xi32, #tpu.memory_space<hbm>> -> memref<1x40x128xi32, #tpu.memory_space<hbm>>
      %dma_start3A_95 = tpu.memref_squeeze %dma_start3A_94 : memref<1x40x128xi32, #tpu.memory_space<hbm>> -> memref<40x128xi32, #tpu.memory_space<hbm>>
      %dma_start3A_96 = arith.constant 0 : i32
      %dma_start3A_97 = tpu.memref_slice %arg3[%run_scoped3A_3, %mul3A_2, %dma_start3A_96] : memref<2x2560x128xi32, #tpu.memory_space<hbm>> -> memref<1x40x128xi32, #tpu.memory_space<hbm>>
      %dma_start3A_98 = tpu.memref_squeeze %dma_start3A_97 : memref<1x40x128xi32, #tpu.memory_space<hbm>> -> memref<40x128xi32, #tpu.memory_space<hbm>>
      tpu.enqueue_dma source(%dma_start3A_98 : memref<40x128xi32, #tpu.memory_space<hbm>>) target(%arg7 : memref<40x128xi32, #tpu.memory_space<vmem>>) target_semaphore(%run_scoped3A_92 : memref<!tpu.dma_semaphore, #tpu.memory_space<semaphore_mem>>)
      %dma_wait3A_99 = arith.constant 0 : i32
      %dma_wait3A_100 = tpu.memref_slice %arg3[%run_scoped3A_3, %mul3A_2, %dma_wait3A_99] : memref<2x2560x128xi32, #tpu.memory_space<hbm>> -> memref<1x40x128xi32, #tpu.memory_space<hbm>>
      %dma_wait3A_101 = tpu.memref_squeeze %dma_wait3A_100 : memref<1x40x128xi32, #tpu.memory_space<hbm>> -> memref<40x128xi32, #tpu.memory_space<hbm>>
      %dma_wait3A_102 = arith.constant 0 : i32
      %dma_wait3A_103 = tpu.memref_slice %arg3[%run_scoped3A_3, %mul3A_2, %dma_wait3A_102] : memref<2x2560x128xi32, #tpu.memory_space<hbm>> -> memref<1x40x128xi32, #tpu.memory_space<hbm>>
      %dma_wait3A_104 = tpu.memref_squeeze %dma_wait3A_103 : memref<1x40x128xi32, #tpu.memory_space<hbm>> -> memref<40x128xi32, #tpu.memory_space<hbm>>
      tpu.wait_dma2 semaphore(%run_scoped3A_92 : memref<!tpu.dma_semaphore, #tpu.memory_space<semaphore_mem>>) src(%dma_wait3A_104 : memref<40x128xi32, #tpu.memory_space<hbm>>) dst(%arg7 : memref<40x128xi32, #tpu.memory_space<vmem>>)
      tpu.yield
    }) : () -> ()
    %dma_start3A = arith.constant 0 : i32
    %dma_start3A_4 = arith.constant 0 : i32
    %dma_start3A_5 = tpu.memref_slice %arg6[%dma_start3A, %dma_start3A_4] : memref<40x128xi32, #tpu.memory_space<vmem>> -> memref<1x128xi32, #tpu.memory_space<vmem>>
    %dma_start3A_6 = tpu.memref_squeeze %dma_start3A_5 : memref<1x128xi32, #tpu.memory_space<vmem>> -> memref<128xi32, #tpu.memory_space<vmem>>
    %dma_start3A_7 = arith.constant 0 : i32
    %dma_start3A_8 = arith.constant 0 : i32
    %dma_start3A_9 = tpu.memref_slice %arg2[%dma_start3A_7, %dma_start3A_8] : memref<10000x128xf32, #tpu.memory_space<hbm>> -> memref<10000x128xf32, #tpu.memory_space<hbm>>
    tpu.enqueue_indirect_dma source(%dma_start3A_9 : memref<10000x128xf32, #tpu.memory_space<hbm>>) target(%arg8 : memref<128x128xf32, #tpu.memory_space<vmem>>) offsets(%dma_start3A_6 : memref<128xi32, #tpu.memory_space<vmem>>) semaphore(%arg11 : memref<!tpu.dma_semaphore, #tpu.memory_space<semaphore_mem>>)
    %dma_start3A_10 = arith.constant 1 : i32
    %dma_start3A_11 = arith.constant 0 : i32
    %dma_start3A_12 = tpu.memref_slice %arg6[%dma_start3A_10, %dma_start3A_11] : memref<40x128xi32, #tpu.memory_space<vmem>> -> memref<1x128xi32, #tpu.memory_space<vmem>>
    %dma_start3A_13 = tpu.memref_squeeze %dma_start3A_12 : memref<1x128xi32, #tpu.memory_space<vmem>> -> memref<128xi32, #tpu.memory_space<vmem>>
    %dma_start3A_14 = arith.constant 0 : i32
    %dma_start3A_15 = arith.constant 0 : i32
    %dma_start3A_16 = tpu.memref_slice %arg2[%dma_start3A_14, %dma_start3A_15] : memref<10000x128xf32, #tpu.memory_space<hbm>> -> memref<10000x128xf32, #tpu.memory_space<hbm>>
    tpu.enqueue_indirect_dma source(%dma_start3A_16 : memref<10000x128xf32, #tpu.memory_space<hbm>>) target(%arg9 : memref<128x128xf32, #tpu.memory_space<vmem>>) offsets(%dma_start3A_13 : memref<128xi32, #tpu.memory_space<vmem>>) semaphore(%arg12 : memref<!tpu.dma_semaphore, #tpu.memory_space<semaphore_mem>>)
    %mul3A_17 = arith.constant 624 : i32
    %mul3A_18 = arith.muli %arg1, %mul3A_17 : i32
    "tpu.region"() ({
      %run_scoped3A_92 = tpu.sem_alloc : memref<!tpu.dma_semaphore, #tpu.memory_space<semaphore_mem>>
      %dma_start3A_93 = arith.constant 0 : i32
      %dma_start3A_94 = tpu.memref_slice %arg10[%mul3A_18, %dma_start3A_93] : memref<10064x128xf32, #tpu.memory_space<vmem_shared>> -> memref<624x128xf32, #tpu.memory_space<vmem_shared>>
      tpu.enqueue_dma source(%arg4 : memref<624x128xf32, #tpu.memory_space<hbm>>) target(%dma_start3A_94 : memref<624x128xf32, #tpu.memory_space<vmem_shared>>) target_semaphore(%run_scoped3A_92 : memref<!tpu.dma_semaphore, #tpu.memory_space<semaphore_mem>>)
      %dma_wait3A_95 = arith.constant 0 : i32
      %dma_wait3A_96 = tpu.memref_slice %arg10[%mul3A_18, %dma_wait3A_95] : memref<10064x128xf32, #tpu.memory_space<vmem_shared>> -> memref<624x128xf32, #tpu.memory_space<vmem_shared>>
      tpu.wait_dma2 semaphore(%run_scoped3A_92 : memref<!tpu.dma_semaphore, #tpu.memory_space<semaphore_mem>>) src(%arg4 : memref<624x128xf32, #tpu.memory_space<hbm>>) dst(%dma_wait3A_96 : memref<624x128xf32, #tpu.memory_space<vmem_shared>>)
      tpu.yield
    }) : () -> ()
    %eq3A = arith.constant 15 : i32
    %eq3A_19 = arith.cmpi eq, %arg1, %eq3A : i32
    %convert_element_type3A = arith.extui %eq3A_19 : i1 to i32
    %cond3A = arith.constant 0 : i32
    %cond3A_20 = arith.cmpi ne, %convert_element_type3A, %cond3A : i32
    scf.if %cond3A_20 {
      "tpu.region"() ({
        %run_scoped3A_92 = tpu.sem_alloc : memref<!tpu.dma_semaphore, #tpu.memory_space<semaphore_mem>>
        %dma_start3A_93 = arith.constant 9984 : i32
        %dma_start3A_94 = arith.constant 0 : i32
        %dma_start3A_95 = tpu.memref_slice %arg10[%dma_start3A_93, %dma_start3A_94] : memref<10064x128xf32, #tpu.memory_space<vmem_shared>> -> memref<80x128xf32, #tpu.memory_space<vmem_shared>>
        %dma_start3A_96 = arith.constant 0 : i32
        %dma_start3A_97 = arith.constant 0 : i32
        %dma_start3A_98 = tpu.memref_slice %arg4[%dma_start3A_96, %dma_start3A_97] : memref<624x128xf32, #tpu.memory_space<hbm>> -> memref<80x128xf32, #tpu.memory_space<hbm>>
        tpu.enqueue_dma source(%dma_start3A_98 : memref<80x128xf32, #tpu.memory_space<hbm>>) target(%dma_start3A_95 : memref<80x128xf32, #tpu.memory_space<vmem_shared>>) target_semaphore(%run_scoped3A_92 : memref<!tpu.dma_semaphore, #tpu.memory_space<semaphore_mem>>)
        %dma_wait3A_99 = arith.constant 9984 : i32
        %dma_wait3A_100 = arith.constant 0 : i32
        %dma_wait3A_101 = tpu.memref_slice %arg10[%dma_wait3A_99, %dma_wait3A_100] : memref<10064x128xf32, #tpu.memory_space<vmem_shared>> -> memref<80x128xf32, #tpu.memory_space<vmem_shared>>
        %dma_wait3A_102 = arith.constant 0 : i32
        %dma_wait3A_103 = arith.constant 0 : i32
        %dma_wait3A_104 = tpu.memref_slice %arg4[%dma_wait3A_102, %dma_wait3A_103] : memref<624x128xf32, #tpu.memory_space<hbm>> -> memref<80x128xf32, #tpu.memory_space<hbm>>
        tpu.wait_dma2 semaphore(%run_scoped3A_92 : memref<!tpu.dma_semaphore, #tpu.memory_space<semaphore_mem>>) src(%dma_wait3A_104 : memref<80x128xf32, #tpu.memory_space<hbm>>) dst(%dma_wait3A_101 : memref<80x128xf32, #tpu.memory_space<vmem_shared>>)
        tpu.yield
      }) : () -> ()
    } else {
    }
    %barrier3A = arith.constant 0 : index
    tpu.barrier barrier_id(%barrier3A)
    %scan3A = arith.constant 0 : i32
    %scan3A_21 = arith.constant 19 : i32
    %scan3A_22 = arith.addi %scan3A, %scan3A_21 : i32
    %scan3A_23 = arith.constant 1 : i32
    scf.for %scan3A_92 = %scan3A to %scan3A_22 step %scan3A_23  : i32 {
      %mul3A_93 = arith.constant 2 : i32
      %mul3A_94 = arith.muli %scan3A_92, %mul3A_93 : i32
      %add3A_95 = arith.constant 0 : i32
      %add3A_96 = arith.addi %add3A_95, %mul3A_94 : i32
      %add3A_97 = arith.constant 0 : i32
      %add3A_98 = arith.addi %add3A_96, %add3A_97 : i32
      %dma_wait3A_99 = arith.constant 0 : i32
      %dma_wait3A_100 = tpu.memref_slice %arg6[%add3A_98, %dma_wait3A_99] : memref<40x128xi32, #tpu.memory_space<vmem>> -> memref<1x128xi32, #tpu.memory_space<vmem>>
      %dma_wait3A_101 = tpu.memref_squeeze %dma_wait3A_100 : memref<1x128xi32, #tpu.memory_space<vmem>> -> memref<128xi32, #tpu.memory_space<vmem>>
      %dma_wait3A_102 = arith.constant 0 : i32
      %dma_wait3A_103 = arith.constant 0 : i32
      %dma_wait3A_104 = tpu.memref_slice %arg2[%dma_wait3A_102, %dma_wait3A_103] : memref<10000x128xf32, #tpu.memory_space<hbm>> -> memref<10000x128xf32, #tpu.memory_space<hbm>>
      tpu.wait_indirect_dma semaphore(%arg11 : memref<!tpu.dma_semaphore, #tpu.memory_space<semaphore_mem>>) src(%dma_wait3A_104 : memref<10000x128xf32, #tpu.memory_space<hbm>>) dst(%arg8 : memref<128x128xf32, #tpu.memory_space<vmem>>)
      "tpu.region"() ({
        %run_scoped3A_129 = tpu.sem_alloc : memref<!tpu.dma_semaphore, #tpu.memory_space<semaphore_mem>>
        %dma_start3A_130 = arith.constant 0 : i32
        %dma_start3A_131 = tpu.memref_slice %arg7[%add3A_98, %dma_start3A_130] : memref<40x128xi32, #tpu.memory_space<vmem>> -> memref<1x128xi32, #tpu.memory_space<vmem>>
        %dma_start3A_132 = tpu.memref_squeeze %dma_start3A_131 : memref<1x128xi32, #tpu.memory_space<vmem>> -> memref<128xi32, #tpu.memory_space<vmem>>
        %dma_start3A_133 = arith.constant 0 : i32
        %dma_start3A_134 = arith.constant 0 : i32
        %dma_start3A_135 = tpu.memref_slice %arg10[%dma_start3A_133, %dma_start3A_134] : memref<10064x128xf32, #tpu.memory_space<vmem_shared>> -> memref<10064x128xf32, #tpu.memory_space<vmem_shared>>
        tpu.enqueue_indirect_dma source(%arg8 : memref<128x128xf32, #tpu.memory_space<vmem>>) target(%dma_start3A_135 : memref<10064x128xf32, #tpu.memory_space<vmem_shared>>) offsets(%dma_start3A_132 : memref<128xi32, #tpu.memory_space<vmem>>) semaphore(%run_scoped3A_129 : memref<!tpu.dma_semaphore, #tpu.memory_space<semaphore_mem>>) {add = true}
        %dma_wait3A_136 = arith.constant 0 : i32
        %dma_wait3A_137 = tpu.memref_slice %arg7[%add3A_98, %dma_wait3A_136] : memref<40x128xi32, #tpu.memory_space<vmem>> -> memref<1x128xi32, #tpu.memory_space<vmem>>
        %dma_wait3A_138 = tpu.memref_squeeze %dma_wait3A_137 : memref<1x128xi32, #tpu.memory_space<vmem>> -> memref<128xi32, #tpu.memory_space<vmem>>
        %dma_wait3A_139 = arith.constant 0 : i32
        %dma_wait3A_140 = arith.constant 0 : i32
        %dma_wait3A_141 = tpu.memref_slice %arg10[%dma_wait3A_139, %dma_wait3A_140] : memref<10064x128xf32, #tpu.memory_space<vmem_shared>> -> memref<10064x128xf32, #tpu.memory_space<vmem_shared>>
        tpu.wait_indirect_dma semaphore(%run_scoped3A_129 : memref<!tpu.dma_semaphore, #tpu.memory_space<semaphore_mem>>) src(%arg8 : memref<128x128xf32, #tpu.memory_space<vmem>>) dst(%dma_wait3A_141 : memref<10064x128xf32, #tpu.memory_space<vmem_shared>>)
        tpu.yield
      }) : () -> ()
      %add3A_105 = arith.constant 2 : i32
      %add3A_106 = arith.addi %add3A_98, %add3A_105 : i32
      %dma_start3A_107 = arith.constant 0 : i32
      %dma_start3A_108 = tpu.memref_slice %arg6[%add3A_106, %dma_start3A_107] : memref<40x128xi32, #tpu.memory_space<vmem>> -> memref<1x128xi32, #tpu.memory_space<vmem>>
      %dma_start3A_109 = tpu.memref_squeeze %dma_start3A_108 : memref<1x128xi32, #tpu.memory_space<vmem>> -> memref<128xi32, #tpu.memory_space<vmem>>
      %dma_start3A_110 = arith.constant 0 : i32
      %dma_start3A_111 = arith.constant 0 : i32
      %dma_start3A_112 = tpu.memref_slice %arg2[%dma_start3A_110, %dma_start3A_111] : memref<10000x128xf32, #tpu.memory_space<hbm>> -> memref<10000x128xf32, #tpu.memory_space<hbm>>
      tpu.enqueue_indirect_dma source(%dma_start3A_112 : memref<10000x128xf32, #tpu.memory_space<hbm>>) target(%arg8 : memref<128x128xf32, #tpu.memory_space<vmem>>) offsets(%dma_start3A_109 : memref<128xi32, #tpu.memory_space<vmem>>) semaphore(%arg11 : memref<!tpu.dma_semaphore, #tpu.memory_space<semaphore_mem>>)
      %add3A_113 = arith.constant 1 : i32
      %add3A_114 = arith.addi %add3A_96, %add3A_113 : i32
      %dma_wait3A_115 = arith.constant 0 : i32
      %dma_wait3A_116 = tpu.memref_slice %arg6[%add3A_114, %dma_wait3A_115] : memref<40x128xi32, #tpu.memory_space<vmem>> -> memref<1x128xi32, #tpu.memory_space<vmem>>
      %dma_wait3A_117 = tpu.memref_squeeze %dma_wait3A_116 : memref<1x128xi32, #tpu.memory_space<vmem>> -> memref<128xi32, #tpu.memory_space<vmem>>
      %dma_wait3A_118 = arith.constant 0 : i32
      %dma_wait3A_119 = arith.constant 0 : i32
      %dma_wait3A_120 = tpu.memref_slice %arg2[%dma_wait3A_118, %dma_wait3A_119] : memref<10000x128xf32, #tpu.memory_space<hbm>> -> memref<10000x128xf32, #tpu.memory_space<hbm>>
      tpu.wait_indirect_dma semaphore(%arg12 : memref<!tpu.dma_semaphore, #tpu.memory_space<semaphore_mem>>) src(%dma_wait3A_120 : memref<10000x128xf32, #tpu.memory_space<hbm>>) dst(%arg9 : memref<128x128xf32, #tpu.memory_space<vmem>>)
      "tpu.region"() ({
        %run_scoped3A_129 = tpu.sem_alloc : memref<!tpu.dma_semaphore, #tpu.memory_space<semaphore_mem>>
        %dma_start3A_130 = arith.constant 0 : i32
        %dma_start3A_131 = tpu.memref_slice %arg7[%add3A_114, %dma_start3A_130] : memref<40x128xi32, #tpu.memory_space<vmem>> -> memref<1x128xi32, #tpu.memory_space<vmem>>
        %dma_start3A_132 = tpu.memref_squeeze %dma_start3A_131 : memref<1x128xi32, #tpu.memory_space<vmem>> -> memref<128xi32, #tpu.memory_space<vmem>>
        %dma_start3A_133 = arith.constant 0 : i32
        %dma_start3A_134 = arith.constant 0 : i32
        %dma_start3A_135 = tpu.memref_slice %arg10[%dma_start3A_133, %dma_start3A_134] : memref<10064x128xf32, #tpu.memory_space<vmem_shared>> -> memref<10064x128xf32, #tpu.memory_space<vmem_shared>>
        tpu.enqueue_indirect_dma source(%arg9 : memref<128x128xf32, #tpu.memory_space<vmem>>) target(%dma_start3A_135 : memref<10064x128xf32, #tpu.memory_space<vmem_shared>>) offsets(%dma_start3A_132 : memref<128xi32, #tpu.memory_space<vmem>>) semaphore(%run_scoped3A_129 : memref<!tpu.dma_semaphore, #tpu.memory_space<semaphore_mem>>) {add = true}
        %dma_wait3A_136 = arith.constant 0 : i32
        %dma_wait3A_137 = tpu.memref_slice %arg7[%add3A_114, %dma_wait3A_136] : memref<40x128xi32, #tpu.memory_space<vmem>> -> memref<1x128xi32, #tpu.memory_space<vmem>>
        %dma_wait3A_138 = tpu.memref_squeeze %dma_wait3A_137 : memref<1x128xi32, #tpu.memory_space<vmem>> -> memref<128xi32, #tpu.memory_space<vmem>>
        %dma_wait3A_139 = arith.constant 0 : i32
        %dma_wait3A_140 = arith.constant 0 : i32
        %dma_wait3A_141 = tpu.memref_slice %arg10[%dma_wait3A_139, %dma_wait3A_140] : memref<10064x128xf32, #tpu.memory_space<vmem_shared>> -> memref<10064x128xf32, #tpu.memory_space<vmem_shared>>
        tpu.wait_indirect_dma semaphore(%run_scoped3A_129 : memref<!tpu.dma_semaphore, #tpu.memory_space<semaphore_mem>>) src(%arg9 : memref<128x128xf32, #tpu.memory_space<vmem>>) dst(%dma_wait3A_141 : memref<10064x128xf32, #tpu.memory_space<vmem_shared>>)
        tpu.yield
      }) : () -> ()
      %add3A_121 = arith.constant 2 : i32
      %add3A_122 = arith.addi %add3A_114, %add3A_121 : i32
      %dma_start3A_123 = arith.constant 0 : i32
      %dma_start3A_124 = tpu.memref_slice %arg6[%add3A_122, %dma_start3A_123] : memref<40x128xi32, #tpu.memory_space<vmem>> -> memref<1x128xi32, #tpu.memory_space<vmem>>
      %dma_start3A_125 = tpu.memref_squeeze %dma_start3A_124 : memref<1x128xi32, #tpu.memory_space<vmem>> -> memref<128xi32, #tpu.memory_space<vmem>>
      %dma_start3A_126 = arith.constant 0 : i32
      %dma_start3A_127 = arith.constant 0 : i32
      %dma_start3A_128 = tpu.memref_slice %arg2[%dma_start3A_126, %dma_start3A_127] : memref<10000x128xf32, #tpu.memory_space<hbm>> -> memref<10000x128xf32, #tpu.memory_space<hbm>>
      tpu.enqueue_indirect_dma source(%dma_start3A_128 : memref<10000x128xf32, #tpu.memory_space<hbm>>) target(%arg9 : memref<128x128xf32, #tpu.memory_space<vmem>>) offsets(%dma_start3A_125 : memref<128xi32, #tpu.memory_space<vmem>>) semaphore(%arg12 : memref<!tpu.dma_semaphore, #tpu.memory_space<semaphore_mem>>)
    }
    %scan3A_24 = arith.constant 19 : i32
    %dma_wait3A = arith.constant 38 : i32
    %dma_wait3A_25 = arith.constant 0 : i32
    %dma_wait3A_26 = tpu.memref_slice %arg6[%dma_wait3A, %dma_wait3A_25] : memref<40x128xi32, #tpu.memory_space<vmem>> -> memref<1x128xi32, #tpu.memory_space<vmem>>
    %dma_wait3A_27 = tpu.memref_squeeze %dma_wait3A_26 : memref<1x128xi32, #tpu.memory_space<vmem>> -> memref<128xi32, #tpu.memory_space<vmem>>
    %dma_wait3A_28 = arith.constant 0 : i32
    %dma_wait3A_29 = arith.constant 0 : i32
    %dma_wait3A_30 = tpu.memref_slice %arg2[%dma_wait3A_28, %dma_wait3A_29] : memref<10000x128xf32, #tpu.memory_space<hbm>> -> memref<10000x128xf32, #tpu.memory_space<hbm>>
    tpu.wait_indirect_dma semaphore(%arg11 : memref<!tpu.dma_semaphore, #tpu.memory_space<semaphore_mem>>) src(%dma_wait3A_30 : memref<10000x128xf32, #tpu.memory_space<hbm>>) dst(%arg8 : memref<128x128xf32, #tpu.memory_space<vmem>>)
    %run_scoped3A_31 = arith.constant 38 : i32
    "tpu.region"() ({
      %run_scoped3A_92 = tpu.sem_alloc : memref<!tpu.dma_semaphore, #tpu.memory_space<semaphore_mem>>
      %dma_start3A_93 = arith.constant 0 : i32
      %dma_start3A_94 = tpu.memref_slice %arg7[%run_scoped3A_31, %dma_start3A_93] : memref<40x128xi32, #tpu.memory_space<vmem>> -> memref<1x128xi32, #tpu.memory_space<vmem>>
      %dma_start3A_95 = tpu.memref_squeeze %dma_start3A_94 : memref<1x128xi32, #tpu.memory_space<vmem>> -> memref<128xi32, #tpu.memory_space<vmem>>
      %dma_start3A_96 = arith.constant 0 : i32
      %dma_start3A_97 = arith.constant 0 : i32
      %dma_start3A_98 = tpu.memref_slice %arg10[%dma_start3A_96, %dma_start3A_97] : memref<10064x128xf32, #tpu.memory_space<vmem_shared>> -> memref<10064x128xf32, #tpu.memory_space<vmem_shared>>
      tpu.enqueue_indirect_dma source(%arg8 : memref<128x128xf32, #tpu.memory_space<vmem>>) target(%dma_start3A_98 : memref<10064x128xf32, #tpu.memory_space<vmem_shared>>) offsets(%dma_start3A_95 : memref<128xi32, #tpu.memory_space<vmem>>) semaphore(%run_scoped3A_92 : memref<!tpu.dma_semaphore, #tpu.memory_space<semaphore_mem>>) {add = true}
      %dma_wait3A_99 = arith.constant 0 : i32
      %dma_wait3A_100 = tpu.memref_slice %arg7[%run_scoped3A_31, %dma_wait3A_99] : memref<40x128xi32, #tpu.memory_space<vmem>> -> memref<1x128xi32, #tpu.memory_space<vmem>>
      %dma_wait3A_101 = tpu.memref_squeeze %dma_wait3A_100 : memref<1x128xi32, #tpu.memory_space<vmem>> -> memref<128xi32, #tpu.memory_space<vmem>>
      %dma_wait3A_102 = arith.constant 0 : i32
      %dma_wait3A_103 = arith.constant 0 : i32
      %dma_wait3A_104 = tpu.memref_slice %arg10[%dma_wait3A_102, %dma_wait3A_103] : memref<10064x128xf32, #tpu.memory_space<vmem_shared>> -> memref<10064x128xf32, #tpu.memory_space<vmem_shared>>
      tpu.wait_indirect_dma semaphore(%run_scoped3A_92 : memref<!tpu.dma_semaphore, #tpu.memory_space<semaphore_mem>>) src(%arg8 : memref<128x128xf32, #tpu.memory_space<vmem>>) dst(%dma_wait3A_104 : memref<10064x128xf32, #tpu.memory_space<vmem_shared>>)
      tpu.yield
    }) : () -> ()
    %dma_wait3A_32 = arith.constant 39 : i32
    %dma_wait3A_33 = arith.constant 0 : i32
    %dma_wait3A_34 = tpu.memref_slice %arg6[%dma_wait3A_32, %dma_wait3A_33] : memref<40x128xi32, #tpu.memory_space<vmem>> -> memref<1x128xi32, #tpu.memory_space<vmem>>
    %dma_wait3A_35 = tpu.memref_squeeze %dma_wait3A_34 : memref<1x128xi32, #tpu.memory_space<vmem>> -> memref<128xi32, #tpu.memory_space<vmem>>
    %dma_wait3A_36 = arith.constant 0 : i32
    %dma_wait3A_37 = arith.constant 0 : i32
    %dma_wait3A_38 = tpu.memref_slice %arg2[%dma_wait3A_36, %dma_wait3A_37] : memref<10000x128xf32, #tpu.memory_space<hbm>> -> memref<10000x128xf32, #tpu.memory_space<hbm>>
    tpu.wait_indirect_dma semaphore(%arg12 : memref<!tpu.dma_semaphore, #tpu.memory_space<semaphore_mem>>) src(%dma_wait3A_38 : memref<10000x128xf32, #tpu.memory_space<hbm>>) dst(%arg9 : memref<128x128xf32, #tpu.memory_space<vmem>>)
    %run_scoped3A_39 = arith.constant 39 : i32
    "tpu.region"() ({
      %run_scoped3A_92 = tpu.sem_alloc : memref<!tpu.dma_semaphore, #tpu.memory_space<semaphore_mem>>
      %dma_start3A_93 = arith.constant 0 : i32
      %dma_start3A_94 = tpu.memref_slice %arg7[%run_scoped3A_39, %dma_start3A_93] : memref<40x128xi32, #tpu.memory_space<vmem>> -> memref<1x128xi32, #tpu.memory_space<vmem>>
      %dma_start3A_95 = tpu.memref_squeeze %dma_start3A_94 : memref<1x128xi32, #tpu.memory_space<vmem>> -> memref<128xi32, #tpu.memory_space<vmem>>
      %dma_start3A_96 = arith.constant 0 : i32
      %dma_start3A_97 = arith.constant 0 : i32
      %dma_start3A_98 = tpu.memref_slice %arg10[%dma_start3A_96, %dma_start3A_97] : memref<10064x128xf32, #tpu.memory_space<vmem_shared>> -> memref<10064x128xf32, #tpu.memory_space<vmem_shared>>
      tpu.enqueue_indirect_dma source(%arg9 : memref<128x128xf32, #tpu.memory_space<vmem>>) target(%dma_start3A_98 : memref<10064x128xf32, #tpu.memory_space<vmem_shared>>) offsets(%dma_start3A_95 : memref<128xi32, #tpu.memory_space<vmem>>) semaphore(%run_scoped3A_92 : memref<!tpu.dma_semaphore, #tpu.memory_space<semaphore_mem>>) {add = true}
      %dma_wait3A_99 = arith.constant 0 : i32
      %dma_wait3A_100 = tpu.memref_slice %arg7[%run_scoped3A_39, %dma_wait3A_99] : memref<40x128xi32, #tpu.memory_space<vmem>> -> memref<1x128xi32, #tpu.memory_space<vmem>>
      %dma_wait3A_101 = tpu.memref_squeeze %dma_wait3A_100 : memref<1x128xi32, #tpu.memory_space<vmem>> -> memref<128xi32, #tpu.memory_space<vmem>>
      %dma_wait3A_102 = arith.constant 0 : i32
      %dma_wait3A_103 = arith.constant 0 : i32
      %dma_wait3A_104 = tpu.memref_slice %arg10[%dma_wait3A_102, %dma_wait3A_103] : memref<10064x128xf32, #tpu.memory_space<vmem_shared>> -> memref<10064x128xf32, #tpu.memory_space<vmem_shared>>
      tpu.wait_indirect_dma semaphore(%run_scoped3A_92 : memref<!tpu.dma_semaphore, #tpu.memory_space<semaphore_mem>>) src(%arg9 : memref<128x128xf32, #tpu.memory_space<vmem>>) dst(%dma_wait3A_104 : memref<10064x128xf32, #tpu.memory_space<vmem_shared>>)
      tpu.yield
    }) : () -> ()
    %add3A_40 = arith.constant 40 : i32
    %add3A_41 = arith.addi %mul3A_2, %add3A_40 : i32
    %run_scoped3A_42 = arith.constant 0 : i32
    "tpu.region"() ({
      %run_scoped3A_92 = tpu.sem_alloc : memref<!tpu.dma_semaphore, #tpu.memory_space<semaphore_mem>>
      %dma_start3A_93 = arith.constant 0 : i32
      %dma_start3A_94 = tpu.memref_slice %arg3[%run_scoped3A_42, %add3A_41, %dma_start3A_93] : memref<2x2560x128xi32, #tpu.memory_space<hbm>> -> memref<1x40x128xi32, #tpu.memory_space<hbm>>
      %dma_start3A_95 = tpu.memref_squeeze %dma_start3A_94 : memref<1x40x128xi32, #tpu.memory_space<hbm>> -> memref<40x128xi32, #tpu.memory_space<hbm>>
      %dma_start3A_96 = arith.constant 0 : i32
      %dma_start3A_97 = tpu.memref_slice %arg3[%run_scoped3A_42, %add3A_41, %dma_start3A_96] : memref<2x2560x128xi32, #tpu.memory_space<hbm>> -> memref<1x40x128xi32, #tpu.memory_space<hbm>>
      %dma_start3A_98 = tpu.memref_squeeze %dma_start3A_97 : memref<1x40x128xi32, #tpu.memory_space<hbm>> -> memref<40x128xi32, #tpu.memory_space<hbm>>
      tpu.enqueue_dma source(%dma_start3A_98 : memref<40x128xi32, #tpu.memory_space<hbm>>) target(%arg6 : memref<40x128xi32, #tpu.memory_space<vmem>>) target_semaphore(%run_scoped3A_92 : memref<!tpu.dma_semaphore, #tpu.memory_space<semaphore_mem>>)
      %dma_wait3A_99 = arith.constant 0 : i32
      %dma_wait3A_100 = tpu.memref_slice %arg3[%run_scoped3A_42, %add3A_41, %dma_wait3A_99] : memref<2x2560x128xi32, #tpu.memory_space<hbm>> -> memref<1x40x128xi32, #tpu.memory_space<hbm>>
      %dma_wait3A_101 = tpu.memref_squeeze %dma_wait3A_100 : memref<1x40x128xi32, #tpu.memory_space<hbm>> -> memref<40x128xi32, #tpu.memory_space<hbm>>
      %dma_wait3A_102 = arith.constant 0 : i32
      %dma_wait3A_103 = tpu.memref_slice %arg3[%run_scoped3A_42, %add3A_41, %dma_wait3A_102] : memref<2x2560x128xi32, #tpu.memory_space<hbm>> -> memref<1x40x128xi32, #tpu.memory_space<hbm>>
      %dma_wait3A_104 = tpu.memref_squeeze %dma_wait3A_103 : memref<1x40x128xi32, #tpu.memory_space<hbm>> -> memref<40x128xi32, #tpu.memory_space<hbm>>
      tpu.wait_dma2 semaphore(%run_scoped3A_92 : memref<!tpu.dma_semaphore, #tpu.memory_space<semaphore_mem>>) src(%dma_wait3A_104 : memref<40x128xi32, #tpu.memory_space<hbm>>) dst(%arg6 : memref<40x128xi32, #tpu.memory_space<vmem>>)
      tpu.yield
    }) : () -> ()
    %run_scoped3A_43 = arith.constant 1 : i32
    "tpu.region"() ({
      %run_scoped3A_92 = tpu.sem_alloc : memref<!tpu.dma_semaphore, #tpu.memory_space<semaphore_mem>>
      %dma_start3A_93 = arith.constant 0 : i32
      %dma_start3A_94 = tpu.memref_slice %arg3[%run_scoped3A_43, %add3A_41, %dma_start3A_93] : memref<2x2560x128xi32, #tpu.memory_space<hbm>> -> memref<1x40x128xi32, #tpu.memory_space<hbm>>
      %dma_start3A_95 = tpu.memref_squeeze %dma_start3A_94 : memref<1x40x128xi32, #tpu.memory_space<hbm>> -> memref<40x128xi32, #tpu.memory_space<hbm>>
      %dma_start3A_96 = arith.constant 0 : i32
      %dma_start3A_97 = tpu.memref_slice %arg3[%run_scoped3A_43, %add3A_41, %dma_start3A_96] : memref<2x2560x128xi32, #tpu.memory_space<hbm>> -> memref<1x40x128xi32, #tpu.memory_space<hbm>>
      %dma_start3A_98 = tpu.memref_squeeze %dma_start3A_97 : memref<1x40x128xi32, #tpu.memory_space<hbm>> -> memref<40x128xi32, #tpu.memory_space<hbm>>
      tpu.enqueue_dma source(%dma_start3A_98 : memref<40x128xi32, #tpu.memory_space<hbm>>) target(%arg7 : memref<40x128xi32, #tpu.memory_space<vmem>>) target_semaphore(%run_scoped3A_92 : memref<!tpu.dma_semaphore, #tpu.memory_space<semaphore_mem>>)
      %dma_wait3A_99 = arith.constant 0 : i32
      %dma_wait3A_100 = tpu.memref_slice %arg3[%run_scoped3A_43, %add3A_41, %dma_wait3A_99] : memref<2x2560x128xi32, #tpu.memory_space<hbm>> -> memref<1x40x128xi32, #tpu.memory_space<hbm>>
      %dma_wait3A_101 = tpu.memref_squeeze %dma_wait3A_100 : memref<1x40x128xi32, #tpu.memory_space<hbm>> -> memref<40x128xi32, #tpu.memory_space<hbm>>
      %dma_wait3A_102 = arith.constant 0 : i32
      %dma_wait3A_103 = tpu.memref_slice %arg3[%run_scoped3A_43, %add3A_41, %dma_wait3A_102] : memref<2x2560x128xi32, #tpu.memory_space<hbm>> -> memref<1x40x128xi32, #tpu.memory_space<hbm>>
      %dma_wait3A_104 = tpu.memref_squeeze %dma_wait3A_103 : memref<1x40x128xi32, #tpu.memory_space<hbm>> -> memref<40x128xi32, #tpu.memory_space<hbm>>
      tpu.wait_dma2 semaphore(%run_scoped3A_92 : memref<!tpu.dma_semaphore, #tpu.memory_space<semaphore_mem>>) src(%dma_wait3A_104 : memref<40x128xi32, #tpu.memory_space<hbm>>) dst(%arg7 : memref<40x128xi32, #tpu.memory_space<vmem>>)
      tpu.yield
    }) : () -> ()
    %dma_start3A_44 = arith.constant 0 : i32
    %dma_start3A_45 = arith.constant 0 : i32
    %dma_start3A_46 = tpu.memref_slice %arg6[%dma_start3A_44, %dma_start3A_45] : memref<40x128xi32, #tpu.memory_space<vmem>> -> memref<1x128xi32, #tpu.memory_space<vmem>>
    %dma_start3A_47 = tpu.memref_squeeze %dma_start3A_46 : memref<1x128xi32, #tpu.memory_space<vmem>> -> memref<128xi32, #tpu.memory_space<vmem>>
    %dma_start3A_48 = arith.constant 0 : i32
    %dma_start3A_49 = arith.constant 0 : i32
    %dma_start3A_50 = tpu.memref_slice %arg2[%dma_start3A_48, %dma_start3A_49] : memref<10000x128xf32, #tpu.memory_space<hbm>> -> memref<10000x128xf32, #tpu.memory_space<hbm>>
    tpu.enqueue_indirect_dma source(%dma_start3A_50 : memref<10000x128xf32, #tpu.memory_space<hbm>>) target(%arg8 : memref<128x128xf32, #tpu.memory_space<vmem>>) offsets(%dma_start3A_47 : memref<128xi32, #tpu.memory_space<vmem>>) semaphore(%arg11 : memref<!tpu.dma_semaphore, #tpu.memory_space<semaphore_mem>>)
    %dma_start3A_51 = arith.constant 1 : i32
    %dma_start3A_52 = arith.constant 0 : i32
    %dma_start3A_53 = tpu.memref_slice %arg6[%dma_start3A_51, %dma_start3A_52] : memref<40x128xi32, #tpu.memory_space<vmem>> -> memref<1x128xi32, #tpu.memory_space<vmem>>
    %dma_start3A_54 = tpu.memref_squeeze %dma_start3A_53 : memref<1x128xi32, #tpu.memory_space<vmem>> -> memref<128xi32, #tpu.memory_space<vmem>>
    %dma_start3A_55 = arith.constant 0 : i32
    %dma_start3A_56 = arith.constant 0 : i32
    %dma_start3A_57 = tpu.memref_slice %arg2[%dma_start3A_55, %dma_start3A_56] : memref<10000x128xf32, #tpu.memory_space<hbm>> -> memref<10000x128xf32, #tpu.memory_space<hbm>>
    tpu.enqueue_indirect_dma source(%dma_start3A_57 : memref<10000x128xf32, #tpu.memory_space<hbm>>) target(%arg9 : memref<128x128xf32, #tpu.memory_space<vmem>>) offsets(%dma_start3A_54 : memref<128xi32, #tpu.memory_space<vmem>>) semaphore(%arg12 : memref<!tpu.dma_semaphore, #tpu.memory_space<semaphore_mem>>)
    %scan3A_58 = arith.constant 0 : i32
    %scan3A_59 = arith.constant 19 : i32
    %scan3A_60 = arith.addi %scan3A_58, %scan3A_59 : i32
    %scan3A_61 = arith.constant 1 : i32
    scf.for %scan3A_92 = %scan3A_58 to %scan3A_60 step %scan3A_61  : i32 {
      %mul3A_93 = arith.constant 2 : i32
      %mul3A_94 = arith.muli %scan3A_92, %mul3A_93 : i32
      %add3A_95 = arith.constant 0 : i32
      %add3A_96 = arith.addi %add3A_95, %mul3A_94 : i32
      %add3A_97 = arith.constant 0 : i32
      %add3A_98 = arith.addi %add3A_96, %add3A_97 : i32
      %dma_wait3A_99 = arith.constant 0 : i32
      %dma_wait3A_100 = tpu.memref_slice %arg6[%add3A_98, %dma_wait3A_99] : memref<40x128xi32, #tpu.memory_space<vmem>> -> memref<1x128xi32, #tpu.memory_space<vmem>>
      %dma_wait3A_101 = tpu.memref_squeeze %dma_wait3A_100 : memref<1x128xi32, #tpu.memory_space<vmem>> -> memref<128xi32, #tpu.memory_space<vmem>>
      %dma_wait3A_102 = arith.constant 0 : i32
      %dma_wait3A_103 = arith.constant 0 : i32
      %dma_wait3A_104 = tpu.memref_slice %arg2[%dma_wait3A_102, %dma_wait3A_103] : memref<10000x128xf32, #tpu.memory_space<hbm>> -> memref<10000x128xf32, #tpu.memory_space<hbm>>
      tpu.wait_indirect_dma semaphore(%arg11 : memref<!tpu.dma_semaphore, #tpu.memory_space<semaphore_mem>>) src(%dma_wait3A_104 : memref<10000x128xf32, #tpu.memory_space<hbm>>) dst(%arg8 : memref<128x128xf32, #tpu.memory_space<vmem>>)
      "tpu.region"() ({
        %run_scoped3A_129 = tpu.sem_alloc : memref<!tpu.dma_semaphore, #tpu.memory_space<semaphore_mem>>
        %dma_start3A_130 = arith.constant 0 : i32
        %dma_start3A_131 = tpu.memref_slice %arg7[%add3A_98, %dma_start3A_130] : memref<40x128xi32, #tpu.memory_space<vmem>> -> memref<1x128xi32, #tpu.memory_space<vmem>>
        %dma_start3A_132 = tpu.memref_squeeze %dma_start3A_131 : memref<1x128xi32, #tpu.memory_space<vmem>> -> memref<128xi32, #tpu.memory_space<vmem>>
        %dma_start3A_133 = arith.constant 0 : i32
        %dma_start3A_134 = arith.constant 0 : i32
        %dma_start3A_135 = tpu.memref_slice %arg10[%dma_start3A_133, %dma_start3A_134] : memref<10064x128xf32, #tpu.memory_space<vmem_shared>> -> memref<10064x128xf32, #tpu.memory_space<vmem_shared>>
        tpu.enqueue_indirect_dma source(%arg8 : memref<128x128xf32, #tpu.memory_space<vmem>>) target(%dma_start3A_135 : memref<10064x128xf32, #tpu.memory_space<vmem_shared>>) offsets(%dma_start3A_132 : memref<128xi32, #tpu.memory_space<vmem>>) semaphore(%run_scoped3A_129 : memref<!tpu.dma_semaphore, #tpu.memory_space<semaphore_mem>>) {add = true}
        %dma_wait3A_136 = arith.constant 0 : i32
        %dma_wait3A_137 = tpu.memref_slice %arg7[%add3A_98, %dma_wait3A_136] : memref<40x128xi32, #tpu.memory_space<vmem>> -> memref<1x128xi32, #tpu.memory_space<vmem>>
        %dma_wait3A_138 = tpu.memref_squeeze %dma_wait3A_137 : memref<1x128xi32, #tpu.memory_space<vmem>> -> memref<128xi32, #tpu.memory_space<vmem>>
        %dma_wait3A_139 = arith.constant 0 : i32
        %dma_wait3A_140 = arith.constant 0 : i32
        %dma_wait3A_141 = tpu.memref_slice %arg10[%dma_wait3A_139, %dma_wait3A_140] : memref<10064x128xf32, #tpu.memory_space<vmem_shared>> -> memref<10064x128xf32, #tpu.memory_space<vmem_shared>>
        tpu.wait_indirect_dma semaphore(%run_scoped3A_129 : memref<!tpu.dma_semaphore, #tpu.memory_space<semaphore_mem>>) src(%arg8 : memref<128x128xf32, #tpu.memory_space<vmem>>) dst(%dma_wait3A_141 : memref<10064x128xf32, #tpu.memory_space<vmem_shared>>)
        tpu.yield
      }) : () -> ()
      %add3A_105 = arith.constant 2 : i32
      %add3A_106 = arith.addi %add3A_98, %add3A_105 : i32
      %dma_start3A_107 = arith.constant 0 : i32
      %dma_start3A_108 = tpu.memref_slice %arg6[%add3A_106, %dma_start3A_107] : memref<40x128xi32, #tpu.memory_space<vmem>> -> memref<1x128xi32, #tpu.memory_space<vmem>>
      %dma_start3A_109 = tpu.memref_squeeze %dma_start3A_108 : memref<1x128xi32, #tpu.memory_space<vmem>> -> memref<128xi32, #tpu.memory_space<vmem>>
      %dma_start3A_110 = arith.constant 0 : i32
      %dma_start3A_111 = arith.constant 0 : i32
      %dma_start3A_112 = tpu.memref_slice %arg2[%dma_start3A_110, %dma_start3A_111] : memref<10000x128xf32, #tpu.memory_space<hbm>> -> memref<10000x128xf32, #tpu.memory_space<hbm>>
      tpu.enqueue_indirect_dma source(%dma_start3A_112 : memref<10000x128xf32, #tpu.memory_space<hbm>>) target(%arg8 : memref<128x128xf32, #tpu.memory_space<vmem>>) offsets(%dma_start3A_109 : memref<128xi32, #tpu.memory_space<vmem>>) semaphore(%arg11 : memref<!tpu.dma_semaphore, #tpu.memory_space<semaphore_mem>>)
      %add3A_113 = arith.constant 1 : i32
      %add3A_114 = arith.addi %add3A_96, %add3A_113 : i32
      %dma_wait3A_115 = arith.constant 0 : i32
      %dma_wait3A_116 = tpu.memref_slice %arg6[%add3A_114, %dma_wait3A_115] : memref<40x128xi32, #tpu.memory_space<vmem>> -> memref<1x128xi32, #tpu.memory_space<vmem>>
      %dma_wait3A_117 = tpu.memref_squeeze %dma_wait3A_116 : memref<1x128xi32, #tpu.memory_space<vmem>> -> memref<128xi32, #tpu.memory_space<vmem>>
      %dma_wait3A_118 = arith.constant 0 : i32
      %dma_wait3A_119 = arith.constant 0 : i32
      %dma_wait3A_120 = tpu.memref_slice %arg2[%dma_wait3A_118, %dma_wait3A_119] : memref<10000x128xf32, #tpu.memory_space<hbm>> -> memref<10000x128xf32, #tpu.memory_space<hbm>>
      tpu.wait_indirect_dma semaphore(%arg12 : memref<!tpu.dma_semaphore, #tpu.memory_space<semaphore_mem>>) src(%dma_wait3A_120 : memref<10000x128xf32, #tpu.memory_space<hbm>>) dst(%arg9 : memref<128x128xf32, #tpu.memory_space<vmem>>)
      "tpu.region"() ({
        %run_scoped3A_129 = tpu.sem_alloc : memref<!tpu.dma_semaphore, #tpu.memory_space<semaphore_mem>>
        %dma_start3A_130 = arith.constant 0 : i32
        %dma_start3A_131 = tpu.memref_slice %arg7[%add3A_114, %dma_start3A_130] : memref<40x128xi32, #tpu.memory_space<vmem>> -> memref<1x128xi32, #tpu.memory_space<vmem>>
        %dma_start3A_132 = tpu.memref_squeeze %dma_start3A_131 : memref<1x128xi32, #tpu.memory_space<vmem>> -> memref<128xi32, #tpu.memory_space<vmem>>
        %dma_start3A_133 = arith.constant 0 : i32
        %dma_start3A_134 = arith.constant 0 : i32
        %dma_start3A_135 = tpu.memref_slice %arg10[%dma_start3A_133, %dma_start3A_134] : memref<10064x128xf32, #tpu.memory_space<vmem_shared>> -> memref<10064x128xf32, #tpu.memory_space<vmem_shared>>
        tpu.enqueue_indirect_dma source(%arg9 : memref<128x128xf32, #tpu.memory_space<vmem>>) target(%dma_start3A_135 : memref<10064x128xf32, #tpu.memory_space<vmem_shared>>) offsets(%dma_start3A_132 : memref<128xi32, #tpu.memory_space<vmem>>) semaphore(%run_scoped3A_129 : memref<!tpu.dma_semaphore, #tpu.memory_space<semaphore_mem>>) {add = true}
        %dma_wait3A_136 = arith.constant 0 : i32
        %dma_wait3A_137 = tpu.memref_slice %arg7[%add3A_114, %dma_wait3A_136] : memref<40x128xi32, #tpu.memory_space<vmem>> -> memref<1x128xi32, #tpu.memory_space<vmem>>
        %dma_wait3A_138 = tpu.memref_squeeze %dma_wait3A_137 : memref<1x128xi32, #tpu.memory_space<vmem>> -> memref<128xi32, #tpu.memory_space<vmem>>
        %dma_wait3A_139 = arith.constant 0 : i32
        %dma_wait3A_140 = arith.constant 0 : i32
        %dma_wait3A_141 = tpu.memref_slice %arg10[%dma_wait3A_139, %dma_wait3A_140] : memref<10064x128xf32, #tpu.memory_space<vmem_shared>> -> memref<10064x128xf32, #tpu.memory_space<vmem_shared>>
        tpu.wait_indirect_dma semaphore(%run_scoped3A_129 : memref<!tpu.dma_semaphore, #tpu.memory_space<semaphore_mem>>) src(%arg9 : memref<128x128xf32, #tpu.memory_space<vmem>>) dst(%dma_wait3A_141 : memref<10064x128xf32, #tpu.memory_space<vmem_shared>>)
        tpu.yield
      }) : () -> ()
      %add3A_121 = arith.constant 2 : i32
      %add3A_122 = arith.addi %add3A_114, %add3A_121 : i32
      %dma_start3A_123 = arith.constant 0 : i32
      %dma_start3A_124 = tpu.memref_slice %arg6[%add3A_122, %dma_start3A_123] : memref<40x128xi32, #tpu.memory_space<vmem>> -> memref<1x128xi32, #tpu.memory_space<vmem>>
      %dma_start3A_125 = tpu.memref_squeeze %dma_start3A_124 : memref<1x128xi32, #tpu.memory_space<vmem>> -> memref<128xi32, #tpu.memory_space<vmem>>
      %dma_start3A_126 = arith.constant 0 : i32
      %dma_start3A_127 = arith.constant 0 : i32
      %dma_start3A_128 = tpu.memref_slice %arg2[%dma_start3A_126, %dma_start3A_127] : memref<10000x128xf32, #tpu.memory_space<hbm>> -> memref<10000x128xf32, #tpu.memory_space<hbm>>
      tpu.enqueue_indirect_dma source(%dma_start3A_128 : memref<10000x128xf32, #tpu.memory_space<hbm>>) target(%arg9 : memref<128x128xf32, #tpu.memory_space<vmem>>) offsets(%dma_start3A_125 : memref<128xi32, #tpu.memory_space<vmem>>) semaphore(%arg12 : memref<!tpu.dma_semaphore, #tpu.memory_space<semaphore_mem>>)
    }
    %scan3A_62 = arith.constant 19 : i32
    %dma_wait3A_63 = arith.constant 38 : i32
    %dma_wait3A_64 = arith.constant 0 : i32
    %dma_wait3A_65 = tpu.memref_slice %arg6[%dma_wait3A_63, %dma_wait3A_64] : memref<40x128xi32, #tpu.memory_space<vmem>> -> memref<1x128xi32, #tpu.memory_space<vmem>>
    %dma_wait3A_66 = tpu.memref_squeeze %dma_wait3A_65 : memref<1x128xi32, #tpu.memory_space<vmem>> -> memref<128xi32, #tpu.memory_space<vmem>>
    %dma_wait3A_67 = arith.constant 0 : i32
    %dma_wait3A_68 = arith.constant 0 : i32
    %dma_wait3A_69 = tpu.memref_slice %arg2[%dma_wait3A_67, %dma_wait3A_68] : memref<10000x128xf32, #tpu.memory_space<hbm>> -> memref<10000x128xf32, #tpu.memory_space<hbm>>
    tpu.wait_indirect_dma semaphore(%arg11 : memref<!tpu.dma_semaphore, #tpu.memory_space<semaphore_mem>>) src(%dma_wait3A_69 : memref<10000x128xf32, #tpu.memory_space<hbm>>) dst(%arg8 : memref<128x128xf32, #tpu.memory_space<vmem>>)
    %run_scoped3A_70 = arith.constant 38 : i32
    "tpu.region"() ({
      %run_scoped3A_92 = tpu.sem_alloc : memref<!tpu.dma_semaphore, #tpu.memory_space<semaphore_mem>>
      %dma_start3A_93 = arith.constant 0 : i32
      %dma_start3A_94 = tpu.memref_slice %arg7[%run_scoped3A_70, %dma_start3A_93] : memref<40x128xi32, #tpu.memory_space<vmem>> -> memref<1x128xi32, #tpu.memory_space<vmem>>
      %dma_start3A_95 = tpu.memref_squeeze %dma_start3A_94 : memref<1x128xi32, #tpu.memory_space<vmem>> -> memref<128xi32, #tpu.memory_space<vmem>>
      %dma_start3A_96 = arith.constant 0 : i32
      %dma_start3A_97 = arith.constant 0 : i32
      %dma_start3A_98 = tpu.memref_slice %arg10[%dma_start3A_96, %dma_start3A_97] : memref<10064x128xf32, #tpu.memory_space<vmem_shared>> -> memref<10064x128xf32, #tpu.memory_space<vmem_shared>>
      tpu.enqueue_indirect_dma source(%arg8 : memref<128x128xf32, #tpu.memory_space<vmem>>) target(%dma_start3A_98 : memref<10064x128xf32, #tpu.memory_space<vmem_shared>>) offsets(%dma_start3A_95 : memref<128xi32, #tpu.memory_space<vmem>>) semaphore(%run_scoped3A_92 : memref<!tpu.dma_semaphore, #tpu.memory_space<semaphore_mem>>) {add = true}
      %dma_wait3A_99 = arith.constant 0 : i32
      %dma_wait3A_100 = tpu.memref_slice %arg7[%run_scoped3A_70, %dma_wait3A_99] : memref<40x128xi32, #tpu.memory_space<vmem>> -> memref<1x128xi32, #tpu.memory_space<vmem>>
      %dma_wait3A_101 = tpu.memref_squeeze %dma_wait3A_100 : memref<1x128xi32, #tpu.memory_space<vmem>> -> memref<128xi32, #tpu.memory_space<vmem>>
      %dma_wait3A_102 = arith.constant 0 : i32
      %dma_wait3A_103 = arith.constant 0 : i32
      %dma_wait3A_104 = tpu.memref_slice %arg10[%dma_wait3A_102, %dma_wait3A_103] : memref<10064x128xf32, #tpu.memory_space<vmem_shared>> -> memref<10064x128xf32, #tpu.memory_space<vmem_shared>>
      tpu.wait_indirect_dma semaphore(%run_scoped3A_92 : memref<!tpu.dma_semaphore, #tpu.memory_space<semaphore_mem>>) src(%arg8 : memref<128x128xf32, #tpu.memory_space<vmem>>) dst(%dma_wait3A_104 : memref<10064x128xf32, #tpu.memory_space<vmem_shared>>)
      tpu.yield
    }) : () -> ()
    %dma_wait3A_71 = arith.constant 39 : i32
    %dma_wait3A_72 = arith.constant 0 : i32
    %dma_wait3A_73 = tpu.memref_slice %arg6[%dma_wait3A_71, %dma_wait3A_72] : memref<40x128xi32, #tpu.memory_space<vmem>> -> memref<1x128xi32, #tpu.memory_space<vmem>>
    %dma_wait3A_74 = tpu.memref_squeeze %dma_wait3A_73 : memref<1x128xi32, #tpu.memory_space<vmem>> -> memref<128xi32, #tpu.memory_space<vmem>>
    %dma_wait3A_75 = arith.constant 0 : i32
    %dma_wait3A_76 = arith.constant 0 : i32
    %dma_wait3A_77 = tpu.memref_slice %arg2[%dma_wait3A_75, %dma_wait3A_76] : memref<10000x128xf32, #tpu.memory_space<hbm>> -> memref<10000x128xf32, #tpu.memory_space<hbm>>
    tpu.wait_indirect_dma semaphore(%arg12 : memref<!tpu.dma_semaphore, #tpu.memory_space<semaphore_mem>>) src(%dma_wait3A_77 : memref<10000x128xf32, #tpu.memory_space<hbm>>) dst(%arg9 : memref<128x128xf32, #tpu.memory_space<vmem>>)
    %run_scoped3A_78 = arith.constant 39 : i32
    "tpu.region"() ({
      %run_scoped3A_92 = tpu.sem_alloc : memref<!tpu.dma_semaphore, #tpu.memory_space<semaphore_mem>>
      %dma_start3A_93 = arith.constant 0 : i32
      %dma_start3A_94 = tpu.memref_slice %arg7[%run_scoped3A_78, %dma_start3A_93] : memref<40x128xi32, #tpu.memory_space<vmem>> -> memref<1x128xi32, #tpu.memory_space<vmem>>
      %dma_start3A_95 = tpu.memref_squeeze %dma_start3A_94 : memref<1x128xi32, #tpu.memory_space<vmem>> -> memref<128xi32, #tpu.memory_space<vmem>>
      %dma_start3A_96 = arith.constant 0 : i32
      %dma_start3A_97 = arith.constant 0 : i32
      %dma_start3A_98 = tpu.memref_slice %arg10[%dma_start3A_96, %dma_start3A_97] : memref<10064x128xf32, #tpu.memory_space<vmem_shared>> -> memref<10064x128xf32, #tpu.memory_space<vmem_shared>>
      tpu.enqueue_indirect_dma source(%arg9 : memref<128x128xf32, #tpu.memory_space<vmem>>) target(%dma_start3A_98 : memref<10064x128xf32, #tpu.memory_space<vmem_shared>>) offsets(%dma_start3A_95 : memref<128xi32, #tpu.memory_space<vmem>>) semaphore(%run_scoped3A_92 : memref<!tpu.dma_semaphore, #tpu.memory_space<semaphore_mem>>) {add = true}
      %dma_wait3A_99 = arith.constant 0 : i32
      %dma_wait3A_100 = tpu.memref_slice %arg7[%run_scoped3A_78, %dma_wait3A_99] : memref<40x128xi32, #tpu.memory_space<vmem>> -> memref<1x128xi32, #tpu.memory_space<vmem>>
      %dma_wait3A_101 = tpu.memref_squeeze %dma_wait3A_100 : memref<1x128xi32, #tpu.memory_space<vmem>> -> memref<128xi32, #tpu.memory_space<vmem>>
      %dma_wait3A_102 = arith.constant 0 : i32
      %dma_wait3A_103 = arith.constant 0 : i32
      %dma_wait3A_104 = tpu.memref_slice %arg10[%dma_wait3A_102, %dma_wait3A_103] : memref<10064x128xf32, #tpu.memory_space<vmem_shared>> -> memref<10064x128xf32, #tpu.memory_space<vmem_shared>>
      tpu.wait_indirect_dma semaphore(%run_scoped3A_92 : memref<!tpu.dma_semaphore, #tpu.memory_space<semaphore_mem>>) src(%arg9 : memref<128x128xf32, #tpu.memory_space<vmem>>) dst(%dma_wait3A_104 : memref<10064x128xf32, #tpu.memory_space<vmem_shared>>)
      tpu.yield
    }) : () -> ()
    %barrier3A_79 = arith.constant 0 : index
    tpu.barrier barrier_id(%barrier3A_79)
    %mul3A_80 = arith.constant 624 : i32
    %mul3A_81 = arith.muli %arg1, %mul3A_80 : i32
    %mul3A_82 = arith.constant 10000 : i32
    %mul3A_83 = arith.muli %arg0, %mul3A_82 : i32
    %mul3A_84 = arith.constant 624 : i32
    %mul3A_85 = arith.muli %arg1, %mul3A_84 : i32
    %add3A_86 = arith.addi %mul3A_83, %mul3A_85 : i32
    "tpu.region"() ({
      %run_scoped3A_92 = tpu.sem_alloc : memref<!tpu.dma_semaphore, #tpu.memory_space<semaphore_mem>>
      %dma_start3A_93 = arith.constant 0 : i32
      %dma_start3A_94 = tpu.memref_slice %arg5[%add3A_86, %dma_start3A_93] : memref<20000x128xf32, #tpu.memory_space<hbm>> -> memref<624x128xf32, #tpu.memory_space<hbm>>
      %dma_start3A_95 = arith.constant 0 : i32
      %dma_start3A_96 = tpu.memref_slice %arg10[%mul3A_81, %dma_start3A_95] : memref<10064x128xf32, #tpu.memory_space<vmem_shared>> -> memref<624x128xf32, #tpu.memory_space<vmem_shared>>
      tpu.enqueue_dma source(%dma_start3A_96 : memref<624x128xf32, #tpu.memory_space<vmem_shared>>) target(%dma_start3A_94 : memref<624x128xf32, #tpu.memory_space<hbm>>) target_semaphore(%run_scoped3A_92 : memref<!tpu.dma_semaphore, #tpu.memory_space<semaphore_mem>>)
      %dma_wait3A_97 = arith.constant 0 : i32
      %dma_wait3A_98 = tpu.memref_slice %arg5[%add3A_86, %dma_wait3A_97] : memref<20000x128xf32, #tpu.memory_space<hbm>> -> memref<624x128xf32, #tpu.memory_space<hbm>>
      %dma_wait3A_99 = arith.constant 0 : i32
      %dma_wait3A_100 = tpu.memref_slice %arg10[%mul3A_81, %dma_wait3A_99] : memref<10064x128xf32, #tpu.memory_space<vmem_shared>> -> memref<624x128xf32, #tpu.memory_space<vmem_shared>>
      tpu.wait_dma2 semaphore(%run_scoped3A_92 : memref<!tpu.dma_semaphore, #tpu.memory_space<semaphore_mem>>) src(%dma_wait3A_100 : memref<624x128xf32, #tpu.memory_space<vmem_shared>>) dst(%dma_wait3A_98 : memref<624x128xf32, #tpu.memory_space<hbm>>)
      tpu.yield
    }) : () -> ()
    %eq3A_87 = arith.constant 15 : i32
    %eq3A_88 = arith.cmpi eq, %arg1, %eq3A_87 : i32
    %convert_element_type3A_89 = arith.extui %eq3A_88 : i1 to i32
    %cond3A_90 = arith.constant 0 : i32
    %cond3A_91 = arith.cmpi ne, %convert_element_type3A_89, %cond3A_90 : i32
    scf.if %cond3A_91 {
      %mul3A_92 = arith.constant 10000 : i32
      %mul3A_93 = arith.muli %arg0, %mul3A_92 : i32
      %add3A_94 = arith.constant 9984 : i32
      %add3A_95 = arith.addi %mul3A_93, %add3A_94 : i32
      "tpu.region"() ({
        %run_scoped3A_96 = tpu.sem_alloc : memref<!tpu.dma_semaphore, #tpu.memory_space<semaphore_mem>>
        %dma_start3A_97 = arith.constant 0 : i32
        %dma_start3A_98 = tpu.memref_slice %arg5[%add3A_95, %dma_start3A_97] : memref<20000x128xf32, #tpu.memory_space<hbm>> -> memref<16x128xf32, #tpu.memory_space<hbm>>
        %dma_start3A_99 = arith.constant 9984 : i32
        %dma_start3A_100 = arith.constant 0 : i32
        %dma_start3A_101 = tpu.memref_slice %arg10[%dma_start3A_99, %dma_start3A_100] : memref<10064x128xf32, #tpu.memory_space<vmem_shared>> -> memref<16x128xf32, #tpu.memory_space<vmem_shared>>
        tpu.enqueue_dma source(%dma_start3A_101 : memref<16x128xf32, #tpu.memory_space<vmem_shared>>) target(%dma_start3A_98 : memref<16x128xf32, #tpu.memory_space<hbm>>) target_semaphore(%run_scoped3A_96 : memref<!tpu.dma_semaphore, #tpu.memory_space<semaphore_mem>>)
        %dma_wait3A_102 = arith.constant 0 : i32
        %dma_wait3A_103 = tpu.memref_slice %arg5[%add3A_95, %dma_wait3A_102] : memref<20000x128xf32, #tpu.memory_space<hbm>> -> memref<16x128xf32, #tpu.memory_space<hbm>>
        %dma_wait3A_104 = arith.constant 9984 : i32
        %dma_wait3A_105 = arith.constant 0 : i32
        %dma_wait3A_106 = tpu.memref_slice %arg10[%dma_wait3A_104, %dma_wait3A_105] : memref<10064x128xf32, #tpu.memory_space<vmem_shared>> -> memref<16x128xf32, #tpu.memory_space<vmem_shared>>
        tpu.wait_dma2 semaphore(%run_scoped3A_96 : memref<!tpu.dma_semaphore, #tpu.memory_space<semaphore_mem>>) src(%dma_wait3A_106 : memref<16x128xf32, #tpu.memory_space<vmem_shared>>) dst(%dma_wait3A_103 : memref<16x128xf32, #tpu.memory_space<hbm>>)
        tpu.yield
      }) : () -> ()
    } else {
    }
    return
  }
}

#map = affine_map<(d0, d1) -> (0, 0)>
#map1 = affine_map<(d0, d1) -> (0, 0, 0)>
module attributes {stable_mosaic.version = 14 : i64} {
  func.func @_sc_agg_body(%arg0: i32, %arg1: i32, %arg2: memref<10000x128xf32, #tpu.memory_space<hbm>>, %arg3: memref<2x2560x128xi32, #tpu.memory_space<hbm>>, %arg4: memref<624x128xf32, #tpu.memory_space<hbm>>, %arg5: memref<20000x128xf32, #tpu.memory_space<hbm>>, %arg6: memref<40x128xi32, #tpu.memory_space<vmem>>, %arg7: memref<40x128xi32, #tpu.memory_space<vmem>>, %arg8: memref<128x128xf32, #tpu.memory_space<vmem>>, %arg9: memref<128x128xf32, #tpu.memory_space<vmem>>, %arg10: memref<10064x128xf32, #tpu.memory_space<vmem_shared>>, %arg11: memref<!tpu.dma_semaphore, #tpu.memory_space<semaphore_mem>>, %arg12: memref<!tpu.dma_semaphore, #tpu.memory_space<semaphore_mem>>) attributes {dimension_semantics = [#tpu.dimension_semantics<core_parallel>, #tpu.dimension_semantics<subcore_parallel>], iteration_bounds = array<i64: 2, 16>, scalar_prefetch = 0 : i64, scratch_operands = 7 : i64, tpu.core_type = #tpu.core_type<sc_vector_subcore>, window_params = [{transform_indices = #map}, {transform_indices = #map1}, {transform_indices = #map}, {transform_indices = #map}]} {
    %mul3A = arith.constant 16 : i32
    %mul3A_0 = arith.muli %arg0, %mul3A : i32
    %add3A = arith.addi %mul3A_0, %arg1 : i32
    %mul3A_1 = arith.constant 80 : i32
    %mul3A_2 = arith.muli %add3A, %mul3A_1 : i32
    %run_scoped3A = arith.constant 0 : i32
    "tpu.region"() ({
      %run_scoped3A_92 = tpu.sem_alloc : memref<!tpu.dma_semaphore, #tpu.memory_space<semaphore_mem>>
      %dma_start3A_93 = arith.constant 0 : i32
      %dma_start3A_94 = tpu.memref_slice %arg3[%run_scoped3A, %mul3A_2, %dma_start3A_93] : memref<2x2560x128xi32, #tpu.memory_space<hbm>> -> memref<1x40x128xi32, #tpu.memory_space<hbm>>
      %dma_start3A_95 = tpu.memref_squeeze %dma_start3A_94 : memref<1x40x128xi32, #tpu.memory_space<hbm>> -> memref<40x128xi32, #tpu.memory_space<hbm>>
      %dma_start3A_96 = arith.constant 0 : i32
      %dma_start3A_97 = tpu.memref_slice %arg3[%run_scoped3A, %mul3A_2, %dma_start3A_96] : memref<2x2560x128xi32, #tpu.memory_space<hbm>> -> memref<1x40x128xi32, #tpu.memory_space<hbm>>
      %dma_start3A_98 = tpu.memref_squeeze %dma_start3A_97 : memref<1x40x128xi32, #tpu.memory_space<hbm>> -> memref<40x128xi32, #tpu.memory_space<hbm>>
      tpu.enqueue_dma source(%dma_start3A_98 : memref<40x128xi32, #tpu.memory_space<hbm>>) target(%arg6 : memref<40x128xi32, #tpu.memory_space<vmem>>) target_semaphore(%run_scoped3A_92 : memref<!tpu.dma_semaphore, #tpu.memory_space<semaphore_mem>>)
      %dma_wait3A_99 = arith.constant 0 : i32
      %dma_wait3A_100 = tpu.memref_slice %arg3[%run_scoped3A, %mul3A_2, %dma_wait3A_99] : memref<2x2560x128xi32, #tpu.memory_space<hbm>> -> memref<1x40x128xi32, #tpu.memory_space<hbm>>
      %dma_wait3A_101 = tpu.memref_squeeze %dma_wait3A_100 : memref<1x40x128xi32, #tpu.memory_space<hbm>> -> memref<40x128xi32, #tpu.memory_space<hbm>>
      %dma_wait3A_102 = arith.constant 0 : i32
      %dma_wait3A_103 = tpu.memref_slice %arg3[%run_scoped3A, %mul3A_2, %dma_wait3A_102] : memref<2x2560x128xi32, #tpu.memory_space<hbm>> -> memref<1x40x128xi32, #tpu.memory_space<hbm>>
      %dma_wait3A_104 = tpu.memref_squeeze %dma_wait3A_103 : memref<1x40x128xi32, #tpu.memory_space<hbm>> -> memref<40x128xi32, #tpu.memory_space<hbm>>
      tpu.wait_dma2 semaphore(%run_scoped3A_92 : memref<!tpu.dma_semaphore, #tpu.memory_space<semaphore_mem>>) src(%dma_wait3A_104 : memref<40x128xi32, #tpu.memory_space<hbm>>) dst(%arg6 : memref<40x128xi32, #tpu.memory_space<vmem>>)
      tpu.yield
    }) : () -> ()
    %run_scoped3A_3 = arith.constant 1 : i32
    "tpu.region"() ({
      %run_scoped3A_92 = tpu.sem_alloc : memref<!tpu.dma_semaphore, #tpu.memory_space<semaphore_mem>>
      %dma_start3A_93 = arith.constant 0 : i32
      %dma_start3A_94 = tpu.memref_slice %arg3[%run_scoped3A_3, %mul3A_2, %dma_start3A_93] : memref<2x2560x128xi32, #tpu.memory_space<hbm>> -> memref<1x40x128xi32, #tpu.memory_space<hbm>>
      %dma_start3A_95 = tpu.memref_squeeze %dma_start3A_94 : memref<1x40x128xi32, #tpu.memory_space<hbm>> -> memref<40x128xi32, #tpu.memory_space<hbm>>
      %dma_start3A_96 = arith.constant 0 : i32
      %dma_start3A_97 = tpu.memref_slice %arg3[%run_scoped3A_3, %mul3A_2, %dma_start3A_96] : memref<2x2560x128xi32, #tpu.memory_space<hbm>> -> memref<1x40x128xi32, #tpu.memory_space<hbm>>
      %dma_start3A_98 = tpu.memref_squeeze %dma_start3A_97 : memref<1x40x128xi32, #tpu.memory_space<hbm>> -> memref<40x128xi32, #tpu.memory_space<hbm>>
      tpu.enqueue_dma source(%dma_start3A_98 : memref<40x128xi32, #tpu.memory_space<hbm>>) target(%arg7 : memref<40x128xi32, #tpu.memory_space<vmem>>) target_semaphore(%run_scoped3A_92 : memref<!tpu.dma_semaphore, #tpu.memory_space<semaphore_mem>>)
      %dma_wait3A_99 = arith.constant 0 : i32
      %dma_wait3A_100 = tpu.memref_slice %arg3[%run_scoped3A_3, %mul3A_2, %dma_wait3A_99] : memref<2x2560x128xi32, #tpu.memory_space<hbm>> -> memref<1x40x128xi32, #tpu.memory_space<hbm>>
      %dma_wait3A_101 = tpu.memref_squeeze %dma_wait3A_100 : memref<1x40x128xi32, #tpu.memory_space<hbm>> -> memref<40x128xi32, #tpu.memory_space<hbm>>
      %dma_wait3A_102 = arith.constant 0 : i32
      %dma_wait3A_103 = tpu.memref_slice %arg3[%run_scoped3A_3, %mul3A_2, %dma_wait3A_102] : memref<2x2560x128xi32, #tpu.memory_space<hbm>> -> memref<1x40x128xi32, #tpu.memory_space<hbm>>
      %dma_wait3A_104 = tpu.memref_squeeze %dma_wait3A_103 : memref<1x40x128xi32, #tpu.memory_space<hbm>> -> memref<40x128xi32, #tpu.memory_space<hbm>>
      tpu.wait_dma2 semaphore(%run_scoped3A_92 : memref<!tpu.dma_semaphore, #tpu.memory_space<semaphore_mem>>) src(%dma_wait3A_104 : memref<40x128xi32, #tpu.memory_space<hbm>>) dst(%arg7 : memref<40x128xi32, #tpu.memory_space<vmem>>)
      tpu.yield
    }) : () -> ()
    %dma_start3A = arith.constant 0 : i32
    %dma_start3A_4 = arith.constant 0 : i32
    %dma_start3A_5 = tpu.memref_slice %arg6[%dma_start3A, %dma_start3A_4] : memref<40x128xi32, #tpu.memory_space<vmem>> -> memref<1x128xi32, #tpu.memory_space<vmem>>
    %dma_start3A_6 = tpu.memref_squeeze %dma_start3A_5 : memref<1x128xi32, #tpu.memory_space<vmem>> -> memref<128xi32, #tpu.memory_space<vmem>>
    %dma_start3A_7 = arith.constant 0 : i32
    %dma_start3A_8 = arith.constant 0 : i32
    %dma_start3A_9 = tpu.memref_slice %arg2[%dma_start3A_7, %dma_start3A_8] : memref<10000x128xf32, #tpu.memory_space<hbm>> -> memref<10000x128xf32, #tpu.memory_space<hbm>>
    tpu.enqueue_indirect_dma source(%dma_start3A_9 : memref<10000x128xf32, #tpu.memory_space<hbm>>) target(%arg8 : memref<128x128xf32, #tpu.memory_space<vmem>>) offsets(%dma_start3A_6 : memref<128xi32, #tpu.memory_space<vmem>>) semaphore(%arg11 : memref<!tpu.dma_semaphore, #tpu.memory_space<semaphore_mem>>)
    %dma_start3A_10 = arith.constant 1 : i32
    %dma_start3A_11 = arith.constant 0 : i32
    %dma_start3A_12 = tpu.memref_slice %arg6[%dma_start3A_10, %dma_start3A_11] : memref<40x128xi32, #tpu.memory_space<vmem>> -> memref<1x128xi32, #tpu.memory_space<vmem>>
    %dma_start3A_13 = tpu.memref_squeeze %dma_start3A_12 : memref<1x128xi32, #tpu.memory_space<vmem>> -> memref<128xi32, #tpu.memory_space<vmem>>
    %dma_start3A_14 = arith.constant 0 : i32
    %dma_start3A_15 = arith.constant 0 : i32
    %dma_start3A_16 = tpu.memref_slice %arg2[%dma_start3A_14, %dma_start3A_15] : memref<10000x128xf32, #tpu.memory_space<hbm>> -> memref<10000x128xf32, #tpu.memory_space<hbm>>
    tpu.enqueue_indirect_dma source(%dma_start3A_16 : memref<10000x128xf32, #tpu.memory_space<hbm>>) target(%arg9 : memref<128x128xf32, #tpu.memory_space<vmem>>) offsets(%dma_start3A_13 : memref<128xi32, #tpu.memory_space<vmem>>) semaphore(%arg12 : memref<!tpu.dma_semaphore, #tpu.memory_space<semaphore_mem>>)
    %mul3A_17 = arith.constant 624 : i32
    %mul3A_18 = arith.muli %arg1, %mul3A_17 : i32
    "tpu.region"() ({
      %run_scoped3A_92 = tpu.sem_alloc : memref<!tpu.dma_semaphore, #tpu.memory_space<semaphore_mem>>
      %dma_start3A_93 = arith.constant 0 : i32
      %dma_start3A_94 = tpu.memref_slice %arg10[%mul3A_18, %dma_start3A_93] : memref<10064x128xf32, #tpu.memory_space<vmem_shared>> -> memref<624x128xf32, #tpu.memory_space<vmem_shared>>
      tpu.enqueue_dma source(%arg4 : memref<624x128xf32, #tpu.memory_space<hbm>>) target(%dma_start3A_94 : memref<624x128xf32, #tpu.memory_space<vmem_shared>>) target_semaphore(%run_scoped3A_92 : memref<!tpu.dma_semaphore, #tpu.memory_space<semaphore_mem>>)
      %dma_wait3A_95 = arith.constant 0 : i32
      %dma_wait3A_96 = tpu.memref_slice %arg10[%mul3A_18, %dma_wait3A_95] : memref<10064x128xf32, #tpu.memory_space<vmem_shared>> -> memref<624x128xf32, #tpu.memory_space<vmem_shared>>
      tpu.wait_dma2 semaphore(%run_scoped3A_92 : memref<!tpu.dma_semaphore, #tpu.memory_space<semaphore_mem>>) src(%arg4 : memref<624x128xf32, #tpu.memory_space<hbm>>) dst(%dma_wait3A_96 : memref<624x128xf32, #tpu.memory_space<vmem_shared>>)
      tpu.yield
    }) : () -> ()
    %eq3A = arith.constant 15 : i32
    %eq3A_19 = arith.cmpi eq, %arg1, %eq3A : i32
    %convert_element_type3A = arith.extui %eq3A_19 : i1 to i32
    %cond3A = arith.constant 0 : i32
    %cond3A_20 = arith.cmpi ne, %convert_element_type3A, %cond3A : i32
    scf.if %cond3A_20 {
      "tpu.region"() ({
        %run_scoped3A_92 = tpu.sem_alloc : memref<!tpu.dma_semaphore, #tpu.memory_space<semaphore_mem>>
        %dma_start3A_93 = arith.constant 9984 : i32
        %dma_start3A_94 = arith.constant 0 : i32
        %dma_start3A_95 = tpu.memref_slice %arg10[%dma_start3A_93, %dma_start3A_94] : memref<10064x128xf32, #tpu.memory_space<vmem_shared>> -> memref<80x128xf32, #tpu.memory_space<vmem_shared>>
        %dma_start3A_96 = arith.constant 0 : i32
        %dma_start3A_97 = arith.constant 0 : i32
        %dma_start3A_98 = tpu.memref_slice %arg4[%dma_start3A_96, %dma_start3A_97] : memref<624x128xf32, #tpu.memory_space<hbm>> -> memref<80x128xf32, #tpu.memory_space<hbm>>
        tpu.enqueue_dma source(%dma_start3A_98 : memref<80x128xf32, #tpu.memory_space<hbm>>) target(%dma_start3A_95 : memref<80x128xf32, #tpu.memory_space<vmem_shared>>) target_semaphore(%run_scoped3A_92 : memref<!tpu.dma_semaphore, #tpu.memory_space<semaphore_mem>>)
        %dma_wait3A_99 = arith.constant 9984 : i32
        %dma_wait3A_100 = arith.constant 0 : i32
        %dma_wait3A_101 = tpu.memref_slice %arg10[%dma_wait3A_99, %dma_wait3A_100] : memref<10064x128xf32, #tpu.memory_space<vmem_shared>> -> memref<80x128xf32, #tpu.memory_space<vmem_shared>>
        %dma_wait3A_102 = arith.constant 0 : i32
        %dma_wait3A_103 = arith.constant 0 : i32
        %dma_wait3A_104 = tpu.memref_slice %arg4[%dma_wait3A_102, %dma_wait3A_103] : memref<624x128xf32, #tpu.memory_space<hbm>> -> memref<80x128xf32, #tpu.memory_space<hbm>>
        tpu.wait_dma2 semaphore(%run_scoped3A_92 : memref<!tpu.dma_semaphore, #tpu.memory_space<semaphore_mem>>) src(%dma_wait3A_104 : memref<80x128xf32, #tpu.memory_space<hbm>>) dst(%dma_wait3A_101 : memref<80x128xf32, #tpu.memory_space<vmem_shared>>)
        tpu.yield
      }) : () -> ()
    } else {
    }
    %barrier3A = arith.constant 0 : index
    tpu.barrier barrier_id(%barrier3A)
    %scan3A = arith.constant 0 : i32
    %scan3A_21 = arith.constant 19 : i32
    %scan3A_22 = arith.addi %scan3A, %scan3A_21 : i32
    %scan3A_23 = arith.constant 1 : i32
    scf.for %scan3A_92 = %scan3A to %scan3A_22 step %scan3A_23  : i32 {
      %mul3A_93 = arith.constant 2 : i32
      %mul3A_94 = arith.muli %scan3A_92, %mul3A_93 : i32
      %add3A_95 = arith.constant 0 : i32
      %add3A_96 = arith.addi %add3A_95, %mul3A_94 : i32
      %add3A_97 = arith.constant 0 : i32
      %add3A_98 = arith.addi %add3A_96, %add3A_97 : i32
      %dma_wait3A_99 = arith.constant 0 : i32
      %dma_wait3A_100 = tpu.memref_slice %arg6[%add3A_98, %dma_wait3A_99] : memref<40x128xi32, #tpu.memory_space<vmem>> -> memref<1x128xi32, #tpu.memory_space<vmem>>
      %dma_wait3A_101 = tpu.memref_squeeze %dma_wait3A_100 : memref<1x128xi32, #tpu.memory_space<vmem>> -> memref<128xi32, #tpu.memory_space<vmem>>
      %dma_wait3A_102 = arith.constant 0 : i32
      %dma_wait3A_103 = arith.constant 0 : i32
      %dma_wait3A_104 = tpu.memref_slice %arg2[%dma_wait3A_102, %dma_wait3A_103] : memref<10000x128xf32, #tpu.memory_space<hbm>> -> memref<10000x128xf32, #tpu.memory_space<hbm>>
      tpu.wait_indirect_dma semaphore(%arg11 : memref<!tpu.dma_semaphore, #tpu.memory_space<semaphore_mem>>) src(%dma_wait3A_104 : memref<10000x128xf32, #tpu.memory_space<hbm>>) dst(%arg8 : memref<128x128xf32, #tpu.memory_space<vmem>>)
      "tpu.region"() ({
        %run_scoped3A_129 = tpu.sem_alloc : memref<!tpu.dma_semaphore, #tpu.memory_space<semaphore_mem>>
        %dma_start3A_130 = arith.constant 0 : i32
        %dma_start3A_131 = tpu.memref_slice %arg7[%add3A_98, %dma_start3A_130] : memref<40x128xi32, #tpu.memory_space<vmem>> -> memref<1x128xi32, #tpu.memory_space<vmem>>
        %dma_start3A_132 = tpu.memref_squeeze %dma_start3A_131 : memref<1x128xi32, #tpu.memory_space<vmem>> -> memref<128xi32, #tpu.memory_space<vmem>>
        %dma_start3A_133 = arith.constant 0 : i32
        %dma_start3A_134 = arith.constant 0 : i32
        %dma_start3A_135 = tpu.memref_slice %arg10[%dma_start3A_133, %dma_start3A_134] : memref<10064x128xf32, #tpu.memory_space<vmem_shared>> -> memref<10064x128xf32, #tpu.memory_space<vmem_shared>>
        tpu.enqueue_indirect_dma source(%arg8 : memref<128x128xf32, #tpu.memory_space<vmem>>) target(%dma_start3A_135 : memref<10064x128xf32, #tpu.memory_space<vmem_shared>>) offsets(%dma_start3A_132 : memref<128xi32, #tpu.memory_space<vmem>>) semaphore(%run_scoped3A_129 : memref<!tpu.dma_semaphore, #tpu.memory_space<semaphore_mem>>) {add = true}
        %dma_wait3A_136 = arith.constant 0 : i32
        %dma_wait3A_137 = tpu.memref_slice %arg7[%add3A_98, %dma_wait3A_136] : memref<40x128xi32, #tpu.memory_space<vmem>> -> memref<1x128xi32, #tpu.memory_space<vmem>>
        %dma_wait3A_138 = tpu.memref_squeeze %dma_wait3A_137 : memref<1x128xi32, #tpu.memory_space<vmem>> -> memref<128xi32, #tpu.memory_space<vmem>>
        %dma_wait3A_139 = arith.constant 0 : i32
        %dma_wait3A_140 = arith.constant 0 : i32
        %dma_wait3A_141 = tpu.memref_slice %arg10[%dma_wait3A_139, %dma_wait3A_140] : memref<10064x128xf32, #tpu.memory_space<vmem_shared>> -> memref<10064x128xf32, #tpu.memory_space<vmem_shared>>
        tpu.wait_indirect_dma semaphore(%run_scoped3A_129 : memref<!tpu.dma_semaphore, #tpu.memory_space<semaphore_mem>>) src(%arg8 : memref<128x128xf32, #tpu.memory_space<vmem>>) dst(%dma_wait3A_141 : memref<10064x128xf32, #tpu.memory_space<vmem_shared>>)
        tpu.yield
      }) : () -> ()
      %add3A_105 = arith.constant 2 : i32
      %add3A_106 = arith.addi %add3A_98, %add3A_105 : i32
      %dma_start3A_107 = arith.constant 0 : i32
      %dma_start3A_108 = tpu.memref_slice %arg6[%add3A_106, %dma_start3A_107] : memref<40x128xi32, #tpu.memory_space<vmem>> -> memref<1x128xi32, #tpu.memory_space<vmem>>
      %dma_start3A_109 = tpu.memref_squeeze %dma_start3A_108 : memref<1x128xi32, #tpu.memory_space<vmem>> -> memref<128xi32, #tpu.memory_space<vmem>>
      %dma_start3A_110 = arith.constant 0 : i32
      %dma_start3A_111 = arith.constant 0 : i32
      %dma_start3A_112 = tpu.memref_slice %arg2[%dma_start3A_110, %dma_start3A_111] : memref<10000x128xf32, #tpu.memory_space<hbm>> -> memref<10000x128xf32, #tpu.memory_space<hbm>>
      tpu.enqueue_indirect_dma source(%dma_start3A_112 : memref<10000x128xf32, #tpu.memory_space<hbm>>) target(%arg8 : memref<128x128xf32, #tpu.memory_space<vmem>>) offsets(%dma_start3A_109 : memref<128xi32, #tpu.memory_space<vmem>>) semaphore(%arg11 : memref<!tpu.dma_semaphore, #tpu.memory_space<semaphore_mem>>)
      %add3A_113 = arith.constant 1 : i32
      %add3A_114 = arith.addi %add3A_96, %add3A_113 : i32
      %dma_wait3A_115 = arith.constant 0 : i32
      %dma_wait3A_116 = tpu.memref_slice %arg6[%add3A_114, %dma_wait3A_115] : memref<40x128xi32, #tpu.memory_space<vmem>> -> memref<1x128xi32, #tpu.memory_space<vmem>>
      %dma_wait3A_117 = tpu.memref_squeeze %dma_wait3A_116 : memref<1x128xi32, #tpu.memory_space<vmem>> -> memref<128xi32, #tpu.memory_space<vmem>>
      %dma_wait3A_118 = arith.constant 0 : i32
      %dma_wait3A_119 = arith.constant 0 : i32
      %dma_wait3A_120 = tpu.memref_slice %arg2[%dma_wait3A_118, %dma_wait3A_119] : memref<10000x128xf32, #tpu.memory_space<hbm>> -> memref<10000x128xf32, #tpu.memory_space<hbm>>
      tpu.wait_indirect_dma semaphore(%arg12 : memref<!tpu.dma_semaphore, #tpu.memory_space<semaphore_mem>>) src(%dma_wait3A_120 : memref<10000x128xf32, #tpu.memory_space<hbm>>) dst(%arg9 : memref<128x128xf32, #tpu.memory_space<vmem>>)
      "tpu.region"() ({
        %run_scoped3A_129 = tpu.sem_alloc : memref<!tpu.dma_semaphore, #tpu.memory_space<semaphore_mem>>
        %dma_start3A_130 = arith.constant 0 : i32
        %dma_start3A_131 = tpu.memref_slice %arg7[%add3A_114, %dma_start3A_130] : memref<40x128xi32, #tpu.memory_space<vmem>> -> memref<1x128xi32, #tpu.memory_space<vmem>>
        %dma_start3A_132 = tpu.memref_squeeze %dma_start3A_131 : memref<1x128xi32, #tpu.memory_space<vmem>> -> memref<128xi32, #tpu.memory_space<vmem>>
        %dma_start3A_133 = arith.constant 0 : i32
        %dma_start3A_134 = arith.constant 0 : i32
        %dma_start3A_135 = tpu.memref_slice %arg10[%dma_start3A_133, %dma_start3A_134] : memref<10064x128xf32, #tpu.memory_space<vmem_shared>> -> memref<10064x128xf32, #tpu.memory_space<vmem_shared>>
        tpu.enqueue_indirect_dma source(%arg9 : memref<128x128xf32, #tpu.memory_space<vmem>>) target(%dma_start3A_135 : memref<10064x128xf32, #tpu.memory_space<vmem_shared>>) offsets(%dma_start3A_132 : memref<128xi32, #tpu.memory_space<vmem>>) semaphore(%run_scoped3A_129 : memref<!tpu.dma_semaphore, #tpu.memory_space<semaphore_mem>>) {add = true}
        %dma_wait3A_136 = arith.constant 0 : i32
        %dma_wait3A_137 = tpu.memref_slice %arg7[%add3A_114, %dma_wait3A_136] : memref<40x128xi32, #tpu.memory_space<vmem>> -> memref<1x128xi32, #tpu.memory_space<vmem>>
        %dma_wait3A_138 = tpu.memref_squeeze %dma_wait3A_137 : memref<1x128xi32, #tpu.memory_space<vmem>> -> memref<128xi32, #tpu.memory_space<vmem>>
        %dma_wait3A_139 = arith.constant 0 : i32
        %dma_wait3A_140 = arith.constant 0 : i32
        %dma_wait3A_141 = tpu.memref_slice %arg10[%dma_wait3A_139, %dma_wait3A_140] : memref<10064x128xf32, #tpu.memory_space<vmem_shared>> -> memref<10064x128xf32, #tpu.memory_space<vmem_shared>>
        tpu.wait_indirect_dma semaphore(%run_scoped3A_129 : memref<!tpu.dma_semaphore, #tpu.memory_space<semaphore_mem>>) src(%arg9 : memref<128x128xf32, #tpu.memory_space<vmem>>) dst(%dma_wait3A_141 : memref<10064x128xf32, #tpu.memory_space<vmem_shared>>)
        tpu.yield
      }) : () -> ()
      %add3A_121 = arith.constant 2 : i32
      %add3A_122 = arith.addi %add3A_114, %add3A_121 : i32
      %dma_start3A_123 = arith.constant 0 : i32
      %dma_start3A_124 = tpu.memref_slice %arg6[%add3A_122, %dma_start3A_123] : memref<40x128xi32, #tpu.memory_space<vmem>> -> memref<1x128xi32, #tpu.memory_space<vmem>>
      %dma_start3A_125 = tpu.memref_squeeze %dma_start3A_124 : memref<1x128xi32, #tpu.memory_space<vmem>> -> memref<128xi32, #tpu.memory_space<vmem>>
      %dma_start3A_126 = arith.constant 0 : i32
      %dma_start3A_127 = arith.constant 0 : i32
      %dma_start3A_128 = tpu.memref_slice %arg2[%dma_start3A_126, %dma_start3A_127] : memref<10000x128xf32, #tpu.memory_space<hbm>> -> memref<10000x128xf32, #tpu.memory_space<hbm>>
      tpu.enqueue_indirect_dma source(%dma_start3A_128 : memref<10000x128xf32, #tpu.memory_space<hbm>>) target(%arg9 : memref<128x128xf32, #tpu.memory_space<vmem>>) offsets(%dma_start3A_125 : memref<128xi32, #tpu.memory_space<vmem>>) semaphore(%arg12 : memref<!tpu.dma_semaphore, #tpu.memory_space<semaphore_mem>>)
    }
    %scan3A_24 = arith.constant 19 : i32
    %dma_wait3A = arith.constant 38 : i32
    %dma_wait3A_25 = arith.constant 0 : i32
    %dma_wait3A_26 = tpu.memref_slice %arg6[%dma_wait3A, %dma_wait3A_25] : memref<40x128xi32, #tpu.memory_space<vmem>> -> memref<1x128xi32, #tpu.memory_space<vmem>>
    %dma_wait3A_27 = tpu.memref_squeeze %dma_wait3A_26 : memref<1x128xi32, #tpu.memory_space<vmem>> -> memref<128xi32, #tpu.memory_space<vmem>>
    %dma_wait3A_28 = arith.constant 0 : i32
    %dma_wait3A_29 = arith.constant 0 : i32
    %dma_wait3A_30 = tpu.memref_slice %arg2[%dma_wait3A_28, %dma_wait3A_29] : memref<10000x128xf32, #tpu.memory_space<hbm>> -> memref<10000x128xf32, #tpu.memory_space<hbm>>
    tpu.wait_indirect_dma semaphore(%arg11 : memref<!tpu.dma_semaphore, #tpu.memory_space<semaphore_mem>>) src(%dma_wait3A_30 : memref<10000x128xf32, #tpu.memory_space<hbm>>) dst(%arg8 : memref<128x128xf32, #tpu.memory_space<vmem>>)
    %run_scoped3A_31 = arith.constant 38 : i32
    "tpu.region"() ({
      %run_scoped3A_92 = tpu.sem_alloc : memref<!tpu.dma_semaphore, #tpu.memory_space<semaphore_mem>>
      %dma_start3A_93 = arith.constant 0 : i32
      %dma_start3A_94 = tpu.memref_slice %arg7[%run_scoped3A_31, %dma_start3A_93] : memref<40x128xi32, #tpu.memory_space<vmem>> -> memref<1x128xi32, #tpu.memory_space<vmem>>
      %dma_start3A_95 = tpu.memref_squeeze %dma_start3A_94 : memref<1x128xi32, #tpu.memory_space<vmem>> -> memref<128xi32, #tpu.memory_space<vmem>>
      %dma_start3A_96 = arith.constant 0 : i32
      %dma_start3A_97 = arith.constant 0 : i32
      %dma_start3A_98 = tpu.memref_slice %arg10[%dma_start3A_96, %dma_start3A_97] : memref<10064x128xf32, #tpu.memory_space<vmem_shared>> -> memref<10064x128xf32, #tpu.memory_space<vmem_shared>>
      tpu.enqueue_indirect_dma source(%arg8 : memref<128x128xf32, #tpu.memory_space<vmem>>) target(%dma_start3A_98 : memref<10064x128xf32, #tpu.memory_space<vmem_shared>>) offsets(%dma_start3A_95 : memref<128xi32, #tpu.memory_space<vmem>>) semaphore(%run_scoped3A_92 : memref<!tpu.dma_semaphore, #tpu.memory_space<semaphore_mem>>) {add = true}
      %dma_wait3A_99 = arith.constant 0 : i32
      %dma_wait3A_100 = tpu.memref_slice %arg7[%run_scoped3A_31, %dma_wait3A_99] : memref<40x128xi32, #tpu.memory_space<vmem>> -> memref<1x128xi32, #tpu.memory_space<vmem>>
      %dma_wait3A_101 = tpu.memref_squeeze %dma_wait3A_100 : memref<1x128xi32, #tpu.memory_space<vmem>> -> memref<128xi32, #tpu.memory_space<vmem>>
      %dma_wait3A_102 = arith.constant 0 : i32
      %dma_wait3A_103 = arith.constant 0 : i32
      %dma_wait3A_104 = tpu.memref_slice %arg10[%dma_wait3A_102, %dma_wait3A_103] : memref<10064x128xf32, #tpu.memory_space<vmem_shared>> -> memref<10064x128xf32, #tpu.memory_space<vmem_shared>>
      tpu.wait_indirect_dma semaphore(%run_scoped3A_92 : memref<!tpu.dma_semaphore, #tpu.memory_space<semaphore_mem>>) src(%arg8 : memref<128x128xf32, #tpu.memory_space<vmem>>) dst(%dma_wait3A_104 : memref<10064x128xf32, #tpu.memory_space<vmem_shared>>)
      tpu.yield
    }) : () -> ()
    %dma_wait3A_32 = arith.constant 39 : i32
    %dma_wait3A_33 = arith.constant 0 : i32
    %dma_wait3A_34 = tpu.memref_slice %arg6[%dma_wait3A_32, %dma_wait3A_33] : memref<40x128xi32, #tpu.memory_space<vmem>> -> memref<1x128xi32, #tpu.memory_space<vmem>>
    %dma_wait3A_35 = tpu.memref_squeeze %dma_wait3A_34 : memref<1x128xi32, #tpu.memory_space<vmem>> -> memref<128xi32, #tpu.memory_space<vmem>>
    %dma_wait3A_36 = arith.constant 0 : i32
    %dma_wait3A_37 = arith.constant 0 : i32
    %dma_wait3A_38 = tpu.memref_slice %arg2[%dma_wait3A_36, %dma_wait3A_37] : memref<10000x128xf32, #tpu.memory_space<hbm>> -> memref<10000x128xf32, #tpu.memory_space<hbm>>
    tpu.wait_indirect_dma semaphore(%arg12 : memref<!tpu.dma_semaphore, #tpu.memory_space<semaphore_mem>>) src(%dma_wait3A_38 : memref<10000x128xf32, #tpu.memory_space<hbm>>) dst(%arg9 : memref<128x128xf32, #tpu.memory_space<vmem>>)
    %run_scoped3A_39 = arith.constant 39 : i32
    "tpu.region"() ({
      %run_scoped3A_92 = tpu.sem_alloc : memref<!tpu.dma_semaphore, #tpu.memory_space<semaphore_mem>>
      %dma_start3A_93 = arith.constant 0 : i32
      %dma_start3A_94 = tpu.memref_slice %arg7[%run_scoped3A_39, %dma_start3A_93] : memref<40x128xi32, #tpu.memory_space<vmem>> -> memref<1x128xi32, #tpu.memory_space<vmem>>
      %dma_start3A_95 = tpu.memref_squeeze %dma_start3A_94 : memref<1x128xi32, #tpu.memory_space<vmem>> -> memref<128xi32, #tpu.memory_space<vmem>>
      %dma_start3A_96 = arith.constant 0 : i32
      %dma_start3A_97 = arith.constant 0 : i32
      %dma_start3A_98 = tpu.memref_slice %arg10[%dma_start3A_96, %dma_start3A_97] : memref<10064x128xf32, #tpu.memory_space<vmem_shared>> -> memref<10064x128xf32, #tpu.memory_space<vmem_shared>>
      tpu.enqueue_indirect_dma source(%arg9 : memref<128x128xf32, #tpu.memory_space<vmem>>) target(%dma_start3A_98 : memref<10064x128xf32, #tpu.memory_space<vmem_shared>>) offsets(%dma_start3A_95 : memref<128xi32, #tpu.memory_space<vmem>>) semaphore(%run_scoped3A_92 : memref<!tpu.dma_semaphore, #tpu.memory_space<semaphore_mem>>) {add = true}
      %dma_wait3A_99 = arith.constant 0 : i32
      %dma_wait3A_100 = tpu.memref_slice %arg7[%run_scoped3A_39, %dma_wait3A_99] : memref<40x128xi32, #tpu.memory_space<vmem>> -> memref<1x128xi32, #tpu.memory_space<vmem>>
      %dma_wait3A_101 = tpu.memref_squeeze %dma_wait3A_100 : memref<1x128xi32, #tpu.memory_space<vmem>> -> memref<128xi32, #tpu.memory_space<vmem>>
      %dma_wait3A_102 = arith.constant 0 : i32
      %dma_wait3A_103 = arith.constant 0 : i32
      %dma_wait3A_104 = tpu.memref_slice %arg10[%dma_wait3A_102, %dma_wait3A_103] : memref<10064x128xf32, #tpu.memory_space<vmem_shared>> -> memref<10064x128xf32, #tpu.memory_space<vmem_shared>>
      tpu.wait_indirect_dma semaphore(%run_scoped3A_92 : memref<!tpu.dma_semaphore, #tpu.memory_space<semaphore_mem>>) src(%arg9 : memref<128x128xf32, #tpu.memory_space<vmem>>) dst(%dma_wait3A_104 : memref<10064x128xf32, #tpu.memory_space<vmem_shared>>)
      tpu.yield
    }) : () -> ()
    %add3A_40 = arith.constant 40 : i32
    %add3A_41 = arith.addi %mul3A_2, %add3A_40 : i32
    %run_scoped3A_42 = arith.constant 0 : i32
    "tpu.region"() ({
      %run_scoped3A_92 = tpu.sem_alloc : memref<!tpu.dma_semaphore, #tpu.memory_space<semaphore_mem>>
      %dma_start3A_93 = arith.constant 0 : i32
      %dma_start3A_94 = tpu.memref_slice %arg3[%run_scoped3A_42, %add3A_41, %dma_start3A_93] : memref<2x2560x128xi32, #tpu.memory_space<hbm>> -> memref<1x40x128xi32, #tpu.memory_space<hbm>>
      %dma_start3A_95 = tpu.memref_squeeze %dma_start3A_94 : memref<1x40x128xi32, #tpu.memory_space<hbm>> -> memref<40x128xi32, #tpu.memory_space<hbm>>
      %dma_start3A_96 = arith.constant 0 : i32
      %dma_start3A_97 = tpu.memref_slice %arg3[%run_scoped3A_42, %add3A_41, %dma_start3A_96] : memref<2x2560x128xi32, #tpu.memory_space<hbm>> -> memref<1x40x128xi32, #tpu.memory_space<hbm>>
      %dma_start3A_98 = tpu.memref_squeeze %dma_start3A_97 : memref<1x40x128xi32, #tpu.memory_space<hbm>> -> memref<40x128xi32, #tpu.memory_space<hbm>>
      tpu.enqueue_dma source(%dma_start3A_98 : memref<40x128xi32, #tpu.memory_space<hbm>>) target(%arg6 : memref<40x128xi32, #tpu.memory_space<vmem>>) target_semaphore(%run_scoped3A_92 : memref<!tpu.dma_semaphore, #tpu.memory_space<semaphore_mem>>)
      %dma_wait3A_99 = arith.constant 0 : i32
      %dma_wait3A_100 = tpu.memref_slice %arg3[%run_scoped3A_42, %add3A_41, %dma_wait3A_99] : memref<2x2560x128xi32, #tpu.memory_space<hbm>> -> memref<1x40x128xi32, #tpu.memory_space<hbm>>
      %dma_wait3A_101 = tpu.memref_squeeze %dma_wait3A_100 : memref<1x40x128xi32, #tpu.memory_space<hbm>> -> memref<40x128xi32, #tpu.memory_space<hbm>>
      %dma_wait3A_102 = arith.constant 0 : i32
      %dma_wait3A_103 = tpu.memref_slice %arg3[%run_scoped3A_42, %add3A_41, %dma_wait3A_102] : memref<2x2560x128xi32, #tpu.memory_space<hbm>> -> memref<1x40x128xi32, #tpu.memory_space<hbm>>
      %dma_wait3A_104 = tpu.memref_squeeze %dma_wait3A_103 : memref<1x40x128xi32, #tpu.memory_space<hbm>> -> memref<40x128xi32, #tpu.memory_space<hbm>>
      tpu.wait_dma2 semaphore(%run_scoped3A_92 : memref<!tpu.dma_semaphore, #tpu.memory_space<semaphore_mem>>) src(%dma_wait3A_104 : memref<40x128xi32, #tpu.memory_space<hbm>>) dst(%arg6 : memref<40x128xi32, #tpu.memory_space<vmem>>)
      tpu.yield
    }) : () -> ()
    %run_scoped3A_43 = arith.constant 1 : i32
    "tpu.region"() ({
      %run_scoped3A_92 = tpu.sem_alloc : memref<!tpu.dma_semaphore, #tpu.memory_space<semaphore_mem>>
      %dma_start3A_93 = arith.constant 0 : i32
      %dma_start3A_94 = tpu.memref_slice %arg3[%run_scoped3A_43, %add3A_41, %dma_start3A_93] : memref<2x2560x128xi32, #tpu.memory_space<hbm>> -> memref<1x40x128xi32, #tpu.memory_space<hbm>>
      %dma_start3A_95 = tpu.memref_squeeze %dma_start3A_94 : memref<1x40x128xi32, #tpu.memory_space<hbm>> -> memref<40x128xi32, #tpu.memory_space<hbm>>
      %dma_start3A_96 = arith.constant 0 : i32
      %dma_start3A_97 = tpu.memref_slice %arg3[%run_scoped3A_43, %add3A_41, %dma_start3A_96] : memref<2x2560x128xi32, #tpu.memory_space<hbm>> -> memref<1x40x128xi32, #tpu.memory_space<hbm>>
      %dma_start3A_98 = tpu.memref_squeeze %dma_start3A_97 : memref<1x40x128xi32, #tpu.memory_space<hbm>> -> memref<40x128xi32, #tpu.memory_space<hbm>>
      tpu.enqueue_dma source(%dma_start3A_98 : memref<40x128xi32, #tpu.memory_space<hbm>>) target(%arg7 : memref<40x128xi32, #tpu.memory_space<vmem>>) target_semaphore(%run_scoped3A_92 : memref<!tpu.dma_semaphore, #tpu.memory_space<semaphore_mem>>)
      %dma_wait3A_99 = arith.constant 0 : i32
      %dma_wait3A_100 = tpu.memref_slice %arg3[%run_scoped3A_43, %add3A_41, %dma_wait3A_99] : memref<2x2560x128xi32, #tpu.memory_space<hbm>> -> memref<1x40x128xi32, #tpu.memory_space<hbm>>
      %dma_wait3A_101 = tpu.memref_squeeze %dma_wait3A_100 : memref<1x40x128xi32, #tpu.memory_space<hbm>> -> memref<40x128xi32, #tpu.memory_space<hbm>>
      %dma_wait3A_102 = arith.constant 0 : i32
      %dma_wait3A_103 = tpu.memref_slice %arg3[%run_scoped3A_43, %add3A_41, %dma_wait3A_102] : memref<2x2560x128xi32, #tpu.memory_space<hbm>> -> memref<1x40x128xi32, #tpu.memory_space<hbm>>
      %dma_wait3A_104 = tpu.memref_squeeze %dma_wait3A_103 : memref<1x40x128xi32, #tpu.memory_space<hbm>> -> memref<40x128xi32, #tpu.memory_space<hbm>>
      tpu.wait_dma2 semaphore(%run_scoped3A_92 : memref<!tpu.dma_semaphore, #tpu.memory_space<semaphore_mem>>) src(%dma_wait3A_104 : memref<40x128xi32, #tpu.memory_space<hbm>>) dst(%arg7 : memref<40x128xi32, #tpu.memory_space<vmem>>)
      tpu.yield
    }) : () -> ()
    %dma_start3A_44 = arith.constant 0 : i32
    %dma_start3A_45 = arith.constant 0 : i32
    %dma_start3A_46 = tpu.memref_slice %arg6[%dma_start3A_44, %dma_start3A_45] : memref<40x128xi32, #tpu.memory_space<vmem>> -> memref<1x128xi32, #tpu.memory_space<vmem>>
    %dma_start3A_47 = tpu.memref_squeeze %dma_start3A_46 : memref<1x128xi32, #tpu.memory_space<vmem>> -> memref<128xi32, #tpu.memory_space<vmem>>
    %dma_start3A_48 = arith.constant 0 : i32
    %dma_start3A_49 = arith.constant 0 : i32
    %dma_start3A_50 = tpu.memref_slice %arg2[%dma_start3A_48, %dma_start3A_49] : memref<10000x128xf32, #tpu.memory_space<hbm>> -> memref<10000x128xf32, #tpu.memory_space<hbm>>
    tpu.enqueue_indirect_dma source(%dma_start3A_50 : memref<10000x128xf32, #tpu.memory_space<hbm>>) target(%arg8 : memref<128x128xf32, #tpu.memory_space<vmem>>) offsets(%dma_start3A_47 : memref<128xi32, #tpu.memory_space<vmem>>) semaphore(%arg11 : memref<!tpu.dma_semaphore, #tpu.memory_space<semaphore_mem>>)
    %dma_start3A_51 = arith.constant 1 : i32
    %dma_start3A_52 = arith.constant 0 : i32
    %dma_start3A_53 = tpu.memref_slice %arg6[%dma_start3A_51, %dma_start3A_52] : memref<40x128xi32, #tpu.memory_space<vmem>> -> memref<1x128xi32, #tpu.memory_space<vmem>>
    %dma_start3A_54 = tpu.memref_squeeze %dma_start3A_53 : memref<1x128xi32, #tpu.memory_space<vmem>> -> memref<128xi32, #tpu.memory_space<vmem>>
    %dma_start3A_55 = arith.constant 0 : i32
    %dma_start3A_56 = arith.constant 0 : i32
    %dma_start3A_57 = tpu.memref_slice %arg2[%dma_start3A_55, %dma_start3A_56] : memref<10000x128xf32, #tpu.memory_space<hbm>> -> memref<10000x128xf32, #tpu.memory_space<hbm>>
    tpu.enqueue_indirect_dma source(%dma_start3A_57 : memref<10000x128xf32, #tpu.memory_space<hbm>>) target(%arg9 : memref<128x128xf32, #tpu.memory_space<vmem>>) offsets(%dma_start3A_54 : memref<128xi32, #tpu.memory_space<vmem>>) semaphore(%arg12 : memref<!tpu.dma_semaphore, #tpu.memory_space<semaphore_mem>>)
    %scan3A_58 = arith.constant 0 : i32
    %scan3A_59 = arith.constant 19 : i32
    %scan3A_60 = arith.addi %scan3A_58, %scan3A_59 : i32
    %scan3A_61 = arith.constant 1 : i32
    scf.for %scan3A_92 = %scan3A_58 to %scan3A_60 step %scan3A_61  : i32 {
      %mul3A_93 = arith.constant 2 : i32
      %mul3A_94 = arith.muli %scan3A_92, %mul3A_93 : i32
      %add3A_95 = arith.constant 0 : i32
      %add3A_96 = arith.addi %add3A_95, %mul3A_94 : i32
      %add3A_97 = arith.constant 0 : i32
      %add3A_98 = arith.addi %add3A_96, %add3A_97 : i32
      %dma_wait3A_99 = arith.constant 0 : i32
      %dma_wait3A_100 = tpu.memref_slice %arg6[%add3A_98, %dma_wait3A_99] : memref<40x128xi32, #tpu.memory_space<vmem>> -> memref<1x128xi32, #tpu.memory_space<vmem>>
      %dma_wait3A_101 = tpu.memref_squeeze %dma_wait3A_100 : memref<1x128xi32, #tpu.memory_space<vmem>> -> memref<128xi32, #tpu.memory_space<vmem>>
      %dma_wait3A_102 = arith.constant 0 : i32
      %dma_wait3A_103 = arith.constant 0 : i32
      %dma_wait3A_104 = tpu.memref_slice %arg2[%dma_wait3A_102, %dma_wait3A_103] : memref<10000x128xf32, #tpu.memory_space<hbm>> -> memref<10000x128xf32, #tpu.memory_space<hbm>>
      tpu.wait_indirect_dma semaphore(%arg11 : memref<!tpu.dma_semaphore, #tpu.memory_space<semaphore_mem>>) src(%dma_wait3A_104 : memref<10000x128xf32, #tpu.memory_space<hbm>>) dst(%arg8 : memref<128x128xf32, #tpu.memory_space<vmem>>)
      "tpu.region"() ({
        %run_scoped3A_129 = tpu.sem_alloc : memref<!tpu.dma_semaphore, #tpu.memory_space<semaphore_mem>>
        %dma_start3A_130 = arith.constant 0 : i32
        %dma_start3A_131 = tpu.memref_slice %arg7[%add3A_98, %dma_start3A_130] : memref<40x128xi32, #tpu.memory_space<vmem>> -> memref<1x128xi32, #tpu.memory_space<vmem>>
        %dma_start3A_132 = tpu.memref_squeeze %dma_start3A_131 : memref<1x128xi32, #tpu.memory_space<vmem>> -> memref<128xi32, #tpu.memory_space<vmem>>
        %dma_start3A_133 = arith.constant 0 : i32
        %dma_start3A_134 = arith.constant 0 : i32
        %dma_start3A_135 = tpu.memref_slice %arg10[%dma_start3A_133, %dma_start3A_134] : memref<10064x128xf32, #tpu.memory_space<vmem_shared>> -> memref<10064x128xf32, #tpu.memory_space<vmem_shared>>
        tpu.enqueue_indirect_dma source(%arg8 : memref<128x128xf32, #tpu.memory_space<vmem>>) target(%dma_start3A_135 : memref<10064x128xf32, #tpu.memory_space<vmem_shared>>) offsets(%dma_start3A_132 : memref<128xi32, #tpu.memory_space<vmem>>) semaphore(%run_scoped3A_129 : memref<!tpu.dma_semaphore, #tpu.memory_space<semaphore_mem>>) {add = true}
        %dma_wait3A_136 = arith.constant 0 : i32
        %dma_wait3A_137 = tpu.memref_slice %arg7[%add3A_98, %dma_wait3A_136] : memref<40x128xi32, #tpu.memory_space<vmem>> -> memref<1x128xi32, #tpu.memory_space<vmem>>
        %dma_wait3A_138 = tpu.memref_squeeze %dma_wait3A_137 : memref<1x128xi32, #tpu.memory_space<vmem>> -> memref<128xi32, #tpu.memory_space<vmem>>
        %dma_wait3A_139 = arith.constant 0 : i32
        %dma_wait3A_140 = arith.constant 0 : i32
        %dma_wait3A_141 = tpu.memref_slice %arg10[%dma_wait3A_139, %dma_wait3A_140] : memref<10064x128xf32, #tpu.memory_space<vmem_shared>> -> memref<10064x128xf32, #tpu.memory_space<vmem_shared>>
        tpu.wait_indirect_dma semaphore(%run_scoped3A_129 : memref<!tpu.dma_semaphore, #tpu.memory_space<semaphore_mem>>) src(%arg8 : memref<128x128xf32, #tpu.memory_space<vmem>>) dst(%dma_wait3A_141 : memref<10064x128xf32, #tpu.memory_space<vmem_shared>>)
        tpu.yield
      }) : () -> ()
      %add3A_105 = arith.constant 2 : i32
      %add3A_106 = arith.addi %add3A_98, %add3A_105 : i32
      %dma_start3A_107 = arith.constant 0 : i32
      %dma_start3A_108 = tpu.memref_slice %arg6[%add3A_106, %dma_start3A_107] : memref<40x128xi32, #tpu.memory_space<vmem>> -> memref<1x128xi32, #tpu.memory_space<vmem>>
      %dma_start3A_109 = tpu.memref_squeeze %dma_start3A_108 : memref<1x128xi32, #tpu.memory_space<vmem>> -> memref<128xi32, #tpu.memory_space<vmem>>
      %dma_start3A_110 = arith.constant 0 : i32
      %dma_start3A_111 = arith.constant 0 : i32
      %dma_start3A_112 = tpu.memref_slice %arg2[%dma_start3A_110, %dma_start3A_111] : memref<10000x128xf32, #tpu.memory_space<hbm>> -> memref<10000x128xf32, #tpu.memory_space<hbm>>
      tpu.enqueue_indirect_dma source(%dma_start3A_112 : memref<10000x128xf32, #tpu.memory_space<hbm>>) target(%arg8 : memref<128x128xf32, #tpu.memory_space<vmem>>) offsets(%dma_start3A_109 : memref<128xi32, #tpu.memory_space<vmem>>) semaphore(%arg11 : memref<!tpu.dma_semaphore, #tpu.memory_space<semaphore_mem>>)
      %add3A_113 = arith.constant 1 : i32
      %add3A_114 = arith.addi %add3A_96, %add3A_113 : i32
      %dma_wait3A_115 = arith.constant 0 : i32
      %dma_wait3A_116 = tpu.memref_slice %arg6[%add3A_114, %dma_wait3A_115] : memref<40x128xi32, #tpu.memory_space<vmem>> -> memref<1x128xi32, #tpu.memory_space<vmem>>
      %dma_wait3A_117 = tpu.memref_squeeze %dma_wait3A_116 : memref<1x128xi32, #tpu.memory_space<vmem>> -> memref<128xi32, #tpu.memory_space<vmem>>
      %dma_wait3A_118 = arith.constant 0 : i32
      %dma_wait3A_119 = arith.constant 0 : i32
      %dma_wait3A_120 = tpu.memref_slice %arg2[%dma_wait3A_118, %dma_wait3A_119] : memref<10000x128xf32, #tpu.memory_space<hbm>> -> memref<10000x128xf32, #tpu.memory_space<hbm>>
      tpu.wait_indirect_dma semaphore(%arg12 : memref<!tpu.dma_semaphore, #tpu.memory_space<semaphore_mem>>) src(%dma_wait3A_120 : memref<10000x128xf32, #tpu.memory_space<hbm>>) dst(%arg9 : memref<128x128xf32, #tpu.memory_space<vmem>>)
      "tpu.region"() ({
        %run_scoped3A_129 = tpu.sem_alloc : memref<!tpu.dma_semaphore, #tpu.memory_space<semaphore_mem>>
        %dma_start3A_130 = arith.constant 0 : i32
        %dma_start3A_131 = tpu.memref_slice %arg7[%add3A_114, %dma_start3A_130] : memref<40x128xi32, #tpu.memory_space<vmem>> -> memref<1x128xi32, #tpu.memory_space<vmem>>
        %dma_start3A_132 = tpu.memref_squeeze %dma_start3A_131 : memref<1x128xi32, #tpu.memory_space<vmem>> -> memref<128xi32, #tpu.memory_space<vmem>>
        %dma_start3A_133 = arith.constant 0 : i32
        %dma_start3A_134 = arith.constant 0 : i32
        %dma_start3A_135 = tpu.memref_slice %arg10[%dma_start3A_133, %dma_start3A_134] : memref<10064x128xf32, #tpu.memory_space<vmem_shared>> -> memref<10064x128xf32, #tpu.memory_space<vmem_shared>>
        tpu.enqueue_indirect_dma source(%arg9 : memref<128x128xf32, #tpu.memory_space<vmem>>) target(%dma_start3A_135 : memref<10064x128xf32, #tpu.memory_space<vmem_shared>>) offsets(%dma_start3A_132 : memref<128xi32, #tpu.memory_space<vmem>>) semaphore(%run_scoped3A_129 : memref<!tpu.dma_semaphore, #tpu.memory_space<semaphore_mem>>) {add = true}
        %dma_wait3A_136 = arith.constant 0 : i32
        %dma_wait3A_137 = tpu.memref_slice %arg7[%add3A_114, %dma_wait3A_136] : memref<40x128xi32, #tpu.memory_space<vmem>> -> memref<1x128xi32, #tpu.memory_space<vmem>>
        %dma_wait3A_138 = tpu.memref_squeeze %dma_wait3A_137 : memref<1x128xi32, #tpu.memory_space<vmem>> -> memref<128xi32, #tpu.memory_space<vmem>>
        %dma_wait3A_139 = arith.constant 0 : i32
        %dma_wait3A_140 = arith.constant 0 : i32
        %dma_wait3A_141 = tpu.memref_slice %arg10[%dma_wait3A_139, %dma_wait3A_140] : memref<10064x128xf32, #tpu.memory_space<vmem_shared>> -> memref<10064x128xf32, #tpu.memory_space<vmem_shared>>
        tpu.wait_indirect_dma semaphore(%run_scoped3A_129 : memref<!tpu.dma_semaphore, #tpu.memory_space<semaphore_mem>>) src(%arg9 : memref<128x128xf32, #tpu.memory_space<vmem>>) dst(%dma_wait3A_141 : memref<10064x128xf32, #tpu.memory_space<vmem_shared>>)
        tpu.yield
      }) : () -> ()
      %add3A_121 = arith.constant 2 : i32
      %add3A_122 = arith.addi %add3A_114, %add3A_121 : i32
      %dma_start3A_123 = arith.constant 0 : i32
      %dma_start3A_124 = tpu.memref_slice %arg6[%add3A_122, %dma_start3A_123] : memref<40x128xi32, #tpu.memory_space<vmem>> -> memref<1x128xi32, #tpu.memory_space<vmem>>
      %dma_start3A_125 = tpu.memref_squeeze %dma_start3A_124 : memref<1x128xi32, #tpu.memory_space<vmem>> -> memref<128xi32, #tpu.memory_space<vmem>>
      %dma_start3A_126 = arith.constant 0 : i32
      %dma_start3A_127 = arith.constant 0 : i32
      %dma_start3A_128 = tpu.memref_slice %arg2[%dma_start3A_126, %dma_start3A_127] : memref<10000x128xf32, #tpu.memory_space<hbm>> -> memref<10000x128xf32, #tpu.memory_space<hbm>>
      tpu.enqueue_indirect_dma source(%dma_start3A_128 : memref<10000x128xf32, #tpu.memory_space<hbm>>) target(%arg9 : memref<128x128xf32, #tpu.memory_space<vmem>>) offsets(%dma_start3A_125 : memref<128xi32, #tpu.memory_space<vmem>>) semaphore(%arg12 : memref<!tpu.dma_semaphore, #tpu.memory_space<semaphore_mem>>)
    }
    %scan3A_62 = arith.constant 19 : i32
    %dma_wait3A_63 = arith.constant 38 : i32
    %dma_wait3A_64 = arith.constant 0 : i32
    %dma_wait3A_65 = tpu.memref_slice %arg6[%dma_wait3A_63, %dma_wait3A_64] : memref<40x128xi32, #tpu.memory_space<vmem>> -> memref<1x128xi32, #tpu.memory_space<vmem>>
    %dma_wait3A_66 = tpu.memref_squeeze %dma_wait3A_65 : memref<1x128xi32, #tpu.memory_space<vmem>> -> memref<128xi32, #tpu.memory_space<vmem>>
    %dma_wait3A_67 = arith.constant 0 : i32
    %dma_wait3A_68 = arith.constant 0 : i32
    %dma_wait3A_69 = tpu.memref_slice %arg2[%dma_wait3A_67, %dma_wait3A_68] : memref<10000x128xf32, #tpu.memory_space<hbm>> -> memref<10000x128xf32, #tpu.memory_space<hbm>>
    tpu.wait_indirect_dma semaphore(%arg11 : memref<!tpu.dma_semaphore, #tpu.memory_space<semaphore_mem>>) src(%dma_wait3A_69 : memref<10000x128xf32, #tpu.memory_space<hbm>>) dst(%arg8 : memref<128x128xf32, #tpu.memory_space<vmem>>)
    %run_scoped3A_70 = arith.constant 38 : i32
    "tpu.region"() ({
      %run_scoped3A_92 = tpu.sem_alloc : memref<!tpu.dma_semaphore, #tpu.memory_space<semaphore_mem>>
      %dma_start3A_93 = arith.constant 0 : i32
      %dma_start3A_94 = tpu.memref_slice %arg7[%run_scoped3A_70, %dma_start3A_93] : memref<40x128xi32, #tpu.memory_space<vmem>> -> memref<1x128xi32, #tpu.memory_space<vmem>>
      %dma_start3A_95 = tpu.memref_squeeze %dma_start3A_94 : memref<1x128xi32, #tpu.memory_space<vmem>> -> memref<128xi32, #tpu.memory_space<vmem>>
      %dma_start3A_96 = arith.constant 0 : i32
      %dma_start3A_97 = arith.constant 0 : i32
      %dma_start3A_98 = tpu.memref_slice %arg10[%dma_start3A_96, %dma_start3A_97] : memref<10064x128xf32, #tpu.memory_space<vmem_shared>> -> memref<10064x128xf32, #tpu.memory_space<vmem_shared>>
      tpu.enqueue_indirect_dma source(%arg8 : memref<128x128xf32, #tpu.memory_space<vmem>>) target(%dma_start3A_98 : memref<10064x128xf32, #tpu.memory_space<vmem_shared>>) offsets(%dma_start3A_95 : memref<128xi32, #tpu.memory_space<vmem>>) semaphore(%run_scoped3A_92 : memref<!tpu.dma_semaphore, #tpu.memory_space<semaphore_mem>>) {add = true}
      %dma_wait3A_99 = arith.constant 0 : i32
      %dma_wait3A_100 = tpu.memref_slice %arg7[%run_scoped3A_70, %dma_wait3A_99] : memref<40x128xi32, #tpu.memory_space<vmem>> -> memref<1x128xi32, #tpu.memory_space<vmem>>
      %dma_wait3A_101 = tpu.memref_squeeze %dma_wait3A_100 : memref<1x128xi32, #tpu.memory_space<vmem>> -> memref<128xi32, #tpu.memory_space<vmem>>
      %dma_wait3A_102 = arith.constant 0 : i32
      %dma_wait3A_103 = arith.constant 0 : i32
      %dma_wait3A_104 = tpu.memref_slice %arg10[%dma_wait3A_102, %dma_wait3A_103] : memref<10064x128xf32, #tpu.memory_space<vmem_shared>> -> memref<10064x128xf32, #tpu.memory_space<vmem_shared>>
      tpu.wait_indirect_dma semaphore(%run_scoped3A_92 : memref<!tpu.dma_semaphore, #tpu.memory_space<semaphore_mem>>) src(%arg8 : memref<128x128xf32, #tpu.memory_space<vmem>>) dst(%dma_wait3A_104 : memref<10064x128xf32, #tpu.memory_space<vmem_shared>>)
      tpu.yield
    }) : () -> ()
    %dma_wait3A_71 = arith.constant 39 : i32
    %dma_wait3A_72 = arith.constant 0 : i32
    %dma_wait3A_73 = tpu.memref_slice %arg6[%dma_wait3A_71, %dma_wait3A_72] : memref<40x128xi32, #tpu.memory_space<vmem>> -> memref<1x128xi32, #tpu.memory_space<vmem>>
    %dma_wait3A_74 = tpu.memref_squeeze %dma_wait3A_73 : memref<1x128xi32, #tpu.memory_space<vmem>> -> memref<128xi32, #tpu.memory_space<vmem>>
    %dma_wait3A_75 = arith.constant 0 : i32
    %dma_wait3A_76 = arith.constant 0 : i32
    %dma_wait3A_77 = tpu.memref_slice %arg2[%dma_wait3A_75, %dma_wait3A_76] : memref<10000x128xf32, #tpu.memory_space<hbm>> -> memref<10000x128xf32, #tpu.memory_space<hbm>>
    tpu.wait_indirect_dma semaphore(%arg12 : memref<!tpu.dma_semaphore, #tpu.memory_space<semaphore_mem>>) src(%dma_wait3A_77 : memref<10000x128xf32, #tpu.memory_space<hbm>>) dst(%arg9 : memref<128x128xf32, #tpu.memory_space<vmem>>)
    %run_scoped3A_78 = arith.constant 39 : i32
    "tpu.region"() ({
      %run_scoped3A_92 = tpu.sem_alloc : memref<!tpu.dma_semaphore, #tpu.memory_space<semaphore_mem>>
      %dma_start3A_93 = arith.constant 0 : i32
      %dma_start3A_94 = tpu.memref_slice %arg7[%run_scoped3A_78, %dma_start3A_93] : memref<40x128xi32, #tpu.memory_space<vmem>> -> memref<1x128xi32, #tpu.memory_space<vmem>>
      %dma_start3A_95 = tpu.memref_squeeze %dma_start3A_94 : memref<1x128xi32, #tpu.memory_space<vmem>> -> memref<128xi32, #tpu.memory_space<vmem>>
      %dma_start3A_96 = arith.constant 0 : i32
      %dma_start3A_97 = arith.constant 0 : i32
      %dma_start3A_98 = tpu.memref_slice %arg10[%dma_start3A_96, %dma_start3A_97] : memref<10064x128xf32, #tpu.memory_space<vmem_shared>> -> memref<10064x128xf32, #tpu.memory_space<vmem_shared>>
      tpu.enqueue_indirect_dma source(%arg9 : memref<128x128xf32, #tpu.memory_space<vmem>>) target(%dma_start3A_98 : memref<10064x128xf32, #tpu.memory_space<vmem_shared>>) offsets(%dma_start3A_95 : memref<128xi32, #tpu.memory_space<vmem>>) semaphore(%run_scoped3A_92 : memref<!tpu.dma_semaphore, #tpu.memory_space<semaphore_mem>>) {add = true}
      %dma_wait3A_99 = arith.constant 0 : i32
      %dma_wait3A_100 = tpu.memref_slice %arg7[%run_scoped3A_78, %dma_wait3A_99] : memref<40x128xi32, #tpu.memory_space<vmem>> -> memref<1x128xi32, #tpu.memory_space<vmem>>
      %dma_wait3A_101 = tpu.memref_squeeze %dma_wait3A_100 : memref<1x128xi32, #tpu.memory_space<vmem>> -> memref<128xi32, #tpu.memory_space<vmem>>
      %dma_wait3A_102 = arith.constant 0 : i32
      %dma_wait3A_103 = arith.constant 0 : i32
      %dma_wait3A_104 = tpu.memref_slice %arg10[%dma_wait3A_102, %dma_wait3A_103] : memref<10064x128xf32, #tpu.memory_space<vmem_shared>> -> memref<10064x128xf32, #tpu.memory_space<vmem_shared>>
      tpu.wait_indirect_dma semaphore(%run_scoped3A_92 : memref<!tpu.dma_semaphore, #tpu.memory_space<semaphore_mem>>) src(%arg9 : memref<128x128xf32, #tpu.memory_space<vmem>>) dst(%dma_wait3A_104 : memref<10064x128xf32, #tpu.memory_space<vmem_shared>>)
      tpu.yield
    }) : () -> ()
    %barrier3A_79 = arith.constant 0 : index
    tpu.barrier barrier_id(%barrier3A_79)
    %mul3A_80 = arith.constant 624 : i32
    %mul3A_81 = arith.muli %arg1, %mul3A_80 : i32
    %mul3A_82 = arith.constant 10000 : i32
    %mul3A_83 = arith.muli %arg0, %mul3A_82 : i32
    %mul3A_84 = arith.constant 624 : i32
    %mul3A_85 = arith.muli %arg1, %mul3A_84 : i32
    %add3A_86 = arith.addi %mul3A_83, %mul3A_85 : i32
    "tpu.region"() ({
      %run_scoped3A_92 = tpu.sem_alloc : memref<!tpu.dma_semaphore, #tpu.memory_space<semaphore_mem>>
      %dma_start3A_93 = arith.constant 0 : i32
      %dma_start3A_94 = tpu.memref_slice %arg5[%add3A_86, %dma_start3A_93] : memref<20000x128xf32, #tpu.memory_space<hbm>> -> memref<624x128xf32, #tpu.memory_space<hbm>>
      %dma_start3A_95 = arith.constant 0 : i32
      %dma_start3A_96 = tpu.memref_slice %arg10[%mul3A_81, %dma_start3A_95] : memref<10064x128xf32, #tpu.memory_space<vmem_shared>> -> memref<624x128xf32, #tpu.memory_space<vmem_shared>>
      tpu.enqueue_dma source(%dma_start3A_96 : memref<624x128xf32, #tpu.memory_space<vmem_shared>>) target(%dma_start3A_94 : memref<624x128xf32, #tpu.memory_space<hbm>>) target_semaphore(%run_scoped3A_92 : memref<!tpu.dma_semaphore, #tpu.memory_space<semaphore_mem>>)
      %dma_wait3A_97 = arith.constant 0 : i32
      %dma_wait3A_98 = tpu.memref_slice %arg5[%add3A_86, %dma_wait3A_97] : memref<20000x128xf32, #tpu.memory_space<hbm>> -> memref<624x128xf32, #tpu.memory_space<hbm>>
      %dma_wait3A_99 = arith.constant 0 : i32
      %dma_wait3A_100 = tpu.memref_slice %arg10[%mul3A_81, %dma_wait3A_99] : memref<10064x128xf32, #tpu.memory_space<vmem_shared>> -> memref<624x128xf32, #tpu.memory_space<vmem_shared>>
      tpu.wait_dma2 semaphore(%run_scoped3A_92 : memref<!tpu.dma_semaphore, #tpu.memory_space<semaphore_mem>>) src(%dma_wait3A_100 : memref<624x128xf32, #tpu.memory_space<vmem_shared>>) dst(%dma_wait3A_98 : memref<624x128xf32, #tpu.memory_space<hbm>>)
      tpu.yield
    }) : () -> ()
    %eq3A_87 = arith.constant 15 : i32
    %eq3A_88 = arith.cmpi eq, %arg1, %eq3A_87 : i32
    %convert_element_type3A_89 = arith.extui %eq3A_88 : i1 to i32
    %cond3A_90 = arith.constant 0 : i32
    %cond3A_91 = arith.cmpi ne, %convert_element_type3A_89, %cond3A_90 : i32
    scf.if %cond3A_91 {
      %mul3A_92 = arith.constant 10000 : i32
      %mul3A_93 = arith.muli %arg0, %mul3A_92 : i32
      %add3A_94 = arith.constant 9984 : i32
      %add3A_95 = arith.addi %mul3A_93, %add3A_94 : i32
      "tpu.region"() ({
        %run_scoped3A_96 = tpu.sem_alloc : memref<!tpu.dma_semaphore, #tpu.memory_space<semaphore_mem>>
        %dma_start3A_97 = arith.constant 0 : i32
        %dma_start3A_98 = tpu.memref_slice %arg5[%add3A_95, %dma_start3A_97] : memref<20000x128xf32, #tpu.memory_space<hbm>> -> memref<16x128xf32, #tpu.memory_space<hbm>>
        %dma_start3A_99 = arith.constant 9984 : i32
        %dma_start3A_100 = arith.constant 0 : i32
        %dma_start3A_101 = tpu.memref_slice %arg10[%dma_start3A_99, %dma_start3A_100] : memref<10064x128xf32, #tpu.memory_space<vmem_shared>> -> memref<16x128xf32, #tpu.memory_space<vmem_shared>>
        tpu.enqueue_dma source(%dma_start3A_101 : memref<16x128xf32, #tpu.memory_space<vmem_shared>>) target(%dma_start3A_98 : memref<16x128xf32, #tpu.memory_space<hbm>>) target_semaphore(%run_scoped3A_96 : memref<!tpu.dma_semaphore, #tpu.memory_space<semaphore_mem>>)
        %dma_wait3A_102 = arith.constant 0 : i32
        %dma_wait3A_103 = tpu.memref_slice %arg5[%add3A_95, %dma_wait3A_102] : memref<20000x128xf32, #tpu.memory_space<hbm>> -> memref<16x128xf32, #tpu.memory_space<hbm>>
        %dma_wait3A_104 = arith.constant 9984 : i32
        %dma_wait3A_105 = arith.constant 0 : i32
        %dma_wait3A_106 = tpu.memref_slice %arg10[%dma_wait3A_104, %dma_wait3A_105] : memref<10064x128xf32, #tpu.memory_space<vmem_shared>> -> memref<16x128xf32, #tpu.memory_space<vmem_shared>>
        tpu.wait_dma2 semaphore(%run_scoped3A_96 : memref<!tpu.dma_semaphore, #tpu.memory_space<semaphore_mem>>) src(%dma_wait3A_106 : memref<16x128xf32, #tpu.memory_space<vmem_shared>>) dst(%dma_wait3A_103 : memref<16x128xf32, #tpu.memory_space<hbm>>)
        tpu.yield
      }) : () -> ()
    } else {
    }
    return
  }
}

#map = affine_map<(d0, d1) -> (0, 0)>
#map1 = affine_map<(d0, d1) -> (0, 0, 0)>
module attributes {stable_mosaic.version = 14 : i64} {
  func.func @_sc_agg_body(%arg0: i32, %arg1: i32, %arg2: memref<10000x128xf32, #tpu.memory_space<hbm>>, %arg3: memref<2x2560x128xi32, #tpu.memory_space<hbm>>, %arg4: memref<624x128xf32, #tpu.memory_space<hbm>>, %arg5: memref<20000x128xf32, #tpu.memory_space<hbm>>, %arg6: memref<40x128xi32, #tpu.memory_space<vmem>>, %arg7: memref<40x128xi32, #tpu.memory_space<vmem>>, %arg8: memref<128x128xf32, #tpu.memory_space<vmem>>, %arg9: memref<128x128xf32, #tpu.memory_space<vmem>>, %arg10: memref<10064x128xf32, #tpu.memory_space<vmem_shared>>, %arg11: memref<!tpu.dma_semaphore, #tpu.memory_space<semaphore_mem>>, %arg12: memref<!tpu.dma_semaphore, #tpu.memory_space<semaphore_mem>>) attributes {dimension_semantics = [#tpu.dimension_semantics<core_parallel>, #tpu.dimension_semantics<subcore_parallel>], iteration_bounds = array<i64: 2, 16>, scalar_prefetch = 0 : i64, scratch_operands = 7 : i64, tpu.core_type = #tpu.core_type<sc_vector_subcore>, window_params = [{transform_indices = #map}, {transform_indices = #map1}, {transform_indices = #map}, {transform_indices = #map}]} {
    %mul3A = arith.constant 16 : i32
    %mul3A_0 = arith.muli %arg0, %mul3A : i32
    %add3A = arith.addi %mul3A_0, %arg1 : i32
    %mul3A_1 = arith.constant 80 : i32
    %mul3A_2 = arith.muli %add3A, %mul3A_1 : i32
    %run_scoped3A = arith.constant 0 : i32
    "tpu.region"() ({
      %run_scoped3A_92 = tpu.sem_alloc : memref<!tpu.dma_semaphore, #tpu.memory_space<semaphore_mem>>
      %dma_start3A_93 = arith.constant 0 : i32
      %dma_start3A_94 = tpu.memref_slice %arg3[%run_scoped3A, %mul3A_2, %dma_start3A_93] : memref<2x2560x128xi32, #tpu.memory_space<hbm>> -> memref<1x40x128xi32, #tpu.memory_space<hbm>>
      %dma_start3A_95 = tpu.memref_squeeze %dma_start3A_94 : memref<1x40x128xi32, #tpu.memory_space<hbm>> -> memref<40x128xi32, #tpu.memory_space<hbm>>
      %dma_start3A_96 = arith.constant 0 : i32
      %dma_start3A_97 = tpu.memref_slice %arg3[%run_scoped3A, %mul3A_2, %dma_start3A_96] : memref<2x2560x128xi32, #tpu.memory_space<hbm>> -> memref<1x40x128xi32, #tpu.memory_space<hbm>>
      %dma_start3A_98 = tpu.memref_squeeze %dma_start3A_97 : memref<1x40x128xi32, #tpu.memory_space<hbm>> -> memref<40x128xi32, #tpu.memory_space<hbm>>
      tpu.enqueue_dma source(%dma_start3A_98 : memref<40x128xi32, #tpu.memory_space<hbm>>) target(%arg6 : memref<40x128xi32, #tpu.memory_space<vmem>>) target_semaphore(%run_scoped3A_92 : memref<!tpu.dma_semaphore, #tpu.memory_space<semaphore_mem>>)
      %dma_wait3A_99 = arith.constant 0 : i32
      %dma_wait3A_100 = tpu.memref_slice %arg3[%run_scoped3A, %mul3A_2, %dma_wait3A_99] : memref<2x2560x128xi32, #tpu.memory_space<hbm>> -> memref<1x40x128xi32, #tpu.memory_space<hbm>>
      %dma_wait3A_101 = tpu.memref_squeeze %dma_wait3A_100 : memref<1x40x128xi32, #tpu.memory_space<hbm>> -> memref<40x128xi32, #tpu.memory_space<hbm>>
      %dma_wait3A_102 = arith.constant 0 : i32
      %dma_wait3A_103 = tpu.memref_slice %arg3[%run_scoped3A, %mul3A_2, %dma_wait3A_102] : memref<2x2560x128xi32, #tpu.memory_space<hbm>> -> memref<1x40x128xi32, #tpu.memory_space<hbm>>
      %dma_wait3A_104 = tpu.memref_squeeze %dma_wait3A_103 : memref<1x40x128xi32, #tpu.memory_space<hbm>> -> memref<40x128xi32, #tpu.memory_space<hbm>>
      tpu.wait_dma2 semaphore(%run_scoped3A_92 : memref<!tpu.dma_semaphore, #tpu.memory_space<semaphore_mem>>) src(%dma_wait3A_104 : memref<40x128xi32, #tpu.memory_space<hbm>>) dst(%arg6 : memref<40x128xi32, #tpu.memory_space<vmem>>)
      tpu.yield
    }) : () -> ()
    %run_scoped3A_3 = arith.constant 1 : i32
    "tpu.region"() ({
      %run_scoped3A_92 = tpu.sem_alloc : memref<!tpu.dma_semaphore, #tpu.memory_space<semaphore_mem>>
      %dma_start3A_93 = arith.constant 0 : i32
      %dma_start3A_94 = tpu.memref_slice %arg3[%run_scoped3A_3, %mul3A_2, %dma_start3A_93] : memref<2x2560x128xi32, #tpu.memory_space<hbm>> -> memref<1x40x128xi32, #tpu.memory_space<hbm>>
      %dma_start3A_95 = tpu.memref_squeeze %dma_start3A_94 : memref<1x40x128xi32, #tpu.memory_space<hbm>> -> memref<40x128xi32, #tpu.memory_space<hbm>>
      %dma_start3A_96 = arith.constant 0 : i32
      %dma_start3A_97 = tpu.memref_slice %arg3[%run_scoped3A_3, %mul3A_2, %dma_start3A_96] : memref<2x2560x128xi32, #tpu.memory_space<hbm>> -> memref<1x40x128xi32, #tpu.memory_space<hbm>>
      %dma_start3A_98 = tpu.memref_squeeze %dma_start3A_97 : memref<1x40x128xi32, #tpu.memory_space<hbm>> -> memref<40x128xi32, #tpu.memory_space<hbm>>
      tpu.enqueue_dma source(%dma_start3A_98 : memref<40x128xi32, #tpu.memory_space<hbm>>) target(%arg7 : memref<40x128xi32, #tpu.memory_space<vmem>>) target_semaphore(%run_scoped3A_92 : memref<!tpu.dma_semaphore, #tpu.memory_space<semaphore_mem>>)
      %dma_wait3A_99 = arith.constant 0 : i32
      %dma_wait3A_100 = tpu.memref_slice %arg3[%run_scoped3A_3, %mul3A_2, %dma_wait3A_99] : memref<2x2560x128xi32, #tpu.memory_space<hbm>> -> memref<1x40x128xi32, #tpu.memory_space<hbm>>
      %dma_wait3A_101 = tpu.memref_squeeze %dma_wait3A_100 : memref<1x40x128xi32, #tpu.memory_space<hbm>> -> memref<40x128xi32, #tpu.memory_space<hbm>>
      %dma_wait3A_102 = arith.constant 0 : i32
      %dma_wait3A_103 = tpu.memref_slice %arg3[%run_scoped3A_3, %mul3A_2, %dma_wait3A_102] : memref<2x2560x128xi32, #tpu.memory_space<hbm>> -> memref<1x40x128xi32, #tpu.memory_space<hbm>>
      %dma_wait3A_104 = tpu.memref_squeeze %dma_wait3A_103 : memref<1x40x128xi32, #tpu.memory_space<hbm>> -> memref<40x128xi32, #tpu.memory_space<hbm>>
      tpu.wait_dma2 semaphore(%run_scoped3A_92 : memref<!tpu.dma_semaphore, #tpu.memory_space<semaphore_mem>>) src(%dma_wait3A_104 : memref<40x128xi32, #tpu.memory_space<hbm>>) dst(%arg7 : memref<40x128xi32, #tpu.memory_space<vmem>>)
      tpu.yield
    }) : () -> ()
    %dma_start3A = arith.constant 0 : i32
    %dma_start3A_4 = arith.constant 0 : i32
    %dma_start3A_5 = tpu.memref_slice %arg6[%dma_start3A, %dma_start3A_4] : memref<40x128xi32, #tpu.memory_space<vmem>> -> memref<1x128xi32, #tpu.memory_space<vmem>>
    %dma_start3A_6 = tpu.memref_squeeze %dma_start3A_5 : memref<1x128xi32, #tpu.memory_space<vmem>> -> memref<128xi32, #tpu.memory_space<vmem>>
    %dma_start3A_7 = arith.constant 0 : i32
    %dma_start3A_8 = arith.constant 0 : i32
    %dma_start3A_9 = tpu.memref_slice %arg2[%dma_start3A_7, %dma_start3A_8] : memref<10000x128xf32, #tpu.memory_space<hbm>> -> memref<10000x128xf32, #tpu.memory_space<hbm>>
    tpu.enqueue_indirect_dma source(%dma_start3A_9 : memref<10000x128xf32, #tpu.memory_space<hbm>>) target(%arg8 : memref<128x128xf32, #tpu.memory_space<vmem>>) offsets(%dma_start3A_6 : memref<128xi32, #tpu.memory_space<vmem>>) semaphore(%arg11 : memref<!tpu.dma_semaphore, #tpu.memory_space<semaphore_mem>>)
    %dma_start3A_10 = arith.constant 1 : i32
    %dma_start3A_11 = arith.constant 0 : i32
    %dma_start3A_12 = tpu.memref_slice %arg6[%dma_start3A_10, %dma_start3A_11] : memref<40x128xi32, #tpu.memory_space<vmem>> -> memref<1x128xi32, #tpu.memory_space<vmem>>
    %dma_start3A_13 = tpu.memref_squeeze %dma_start3A_12 : memref<1x128xi32, #tpu.memory_space<vmem>> -> memref<128xi32, #tpu.memory_space<vmem>>
    %dma_start3A_14 = arith.constant 0 : i32
    %dma_start3A_15 = arith.constant 0 : i32
    %dma_start3A_16 = tpu.memref_slice %arg2[%dma_start3A_14, %dma_start3A_15] : memref<10000x128xf32, #tpu.memory_space<hbm>> -> memref<10000x128xf32, #tpu.memory_space<hbm>>
    tpu.enqueue_indirect_dma source(%dma_start3A_16 : memref<10000x128xf32, #tpu.memory_space<hbm>>) target(%arg9 : memref<128x128xf32, #tpu.memory_space<vmem>>) offsets(%dma_start3A_13 : memref<128xi32, #tpu.memory_space<vmem>>) semaphore(%arg12 : memref<!tpu.dma_semaphore, #tpu.memory_space<semaphore_mem>>)
    %mul3A_17 = arith.constant 624 : i32
    %mul3A_18 = arith.muli %arg1, %mul3A_17 : i32
    "tpu.region"() ({
      %run_scoped3A_92 = tpu.sem_alloc : memref<!tpu.dma_semaphore, #tpu.memory_space<semaphore_mem>>
      %dma_start3A_93 = arith.constant 0 : i32
      %dma_start3A_94 = tpu.memref_slice %arg10[%mul3A_18, %dma_start3A_93] : memref<10064x128xf32, #tpu.memory_space<vmem_shared>> -> memref<624x128xf32, #tpu.memory_space<vmem_shared>>
      tpu.enqueue_dma source(%arg4 : memref<624x128xf32, #tpu.memory_space<hbm>>) target(%dma_start3A_94 : memref<624x128xf32, #tpu.memory_space<vmem_shared>>) target_semaphore(%run_scoped3A_92 : memref<!tpu.dma_semaphore, #tpu.memory_space<semaphore_mem>>)
      %dma_wait3A_95 = arith.constant 0 : i32
      %dma_wait3A_96 = tpu.memref_slice %arg10[%mul3A_18, %dma_wait3A_95] : memref<10064x128xf32, #tpu.memory_space<vmem_shared>> -> memref<624x128xf32, #tpu.memory_space<vmem_shared>>
      tpu.wait_dma2 semaphore(%run_scoped3A_92 : memref<!tpu.dma_semaphore, #tpu.memory_space<semaphore_mem>>) src(%arg4 : memref<624x128xf32, #tpu.memory_space<hbm>>) dst(%dma_wait3A_96 : memref<624x128xf32, #tpu.memory_space<vmem_shared>>)
      tpu.yield
    }) : () -> ()
    %eq3A = arith.constant 15 : i32
    %eq3A_19 = arith.cmpi eq, %arg1, %eq3A : i32
    %convert_element_type3A = arith.extui %eq3A_19 : i1 to i32
    %cond3A = arith.constant 0 : i32
    %cond3A_20 = arith.cmpi ne, %convert_element_type3A, %cond3A : i32
    scf.if %cond3A_20 {
      "tpu.region"() ({
        %run_scoped3A_92 = tpu.sem_alloc : memref<!tpu.dma_semaphore, #tpu.memory_space<semaphore_mem>>
        %dma_start3A_93 = arith.constant 9984 : i32
        %dma_start3A_94 = arith.constant 0 : i32
        %dma_start3A_95 = tpu.memref_slice %arg10[%dma_start3A_93, %dma_start3A_94] : memref<10064x128xf32, #tpu.memory_space<vmem_shared>> -> memref<80x128xf32, #tpu.memory_space<vmem_shared>>
        %dma_start3A_96 = arith.constant 0 : i32
        %dma_start3A_97 = arith.constant 0 : i32
        %dma_start3A_98 = tpu.memref_slice %arg4[%dma_start3A_96, %dma_start3A_97] : memref<624x128xf32, #tpu.memory_space<hbm>> -> memref<80x128xf32, #tpu.memory_space<hbm>>
        tpu.enqueue_dma source(%dma_start3A_98 : memref<80x128xf32, #tpu.memory_space<hbm>>) target(%dma_start3A_95 : memref<80x128xf32, #tpu.memory_space<vmem_shared>>) target_semaphore(%run_scoped3A_92 : memref<!tpu.dma_semaphore, #tpu.memory_space<semaphore_mem>>)
        %dma_wait3A_99 = arith.constant 9984 : i32
        %dma_wait3A_100 = arith.constant 0 : i32
        %dma_wait3A_101 = tpu.memref_slice %arg10[%dma_wait3A_99, %dma_wait3A_100] : memref<10064x128xf32, #tpu.memory_space<vmem_shared>> -> memref<80x128xf32, #tpu.memory_space<vmem_shared>>
        %dma_wait3A_102 = arith.constant 0 : i32
        %dma_wait3A_103 = arith.constant 0 : i32
        %dma_wait3A_104 = tpu.memref_slice %arg4[%dma_wait3A_102, %dma_wait3A_103] : memref<624x128xf32, #tpu.memory_space<hbm>> -> memref<80x128xf32, #tpu.memory_space<hbm>>
        tpu.wait_dma2 semaphore(%run_scoped3A_92 : memref<!tpu.dma_semaphore, #tpu.memory_space<semaphore_mem>>) src(%dma_wait3A_104 : memref<80x128xf32, #tpu.memory_space<hbm>>) dst(%dma_wait3A_101 : memref<80x128xf32, #tpu.memory_space<vmem_shared>>)
        tpu.yield
      }) : () -> ()
    } else {
    }
    %barrier3A = arith.constant 0 : index
    tpu.barrier barrier_id(%barrier3A)
    %scan3A = arith.constant 0 : i32
    %scan3A_21 = arith.constant 19 : i32
    %scan3A_22 = arith.addi %scan3A, %scan3A_21 : i32
    %scan3A_23 = arith.constant 1 : i32
    scf.for %scan3A_92 = %scan3A to %scan3A_22 step %scan3A_23  : i32 {
      %mul3A_93 = arith.constant 2 : i32
      %mul3A_94 = arith.muli %scan3A_92, %mul3A_93 : i32
      %add3A_95 = arith.constant 0 : i32
      %add3A_96 = arith.addi %add3A_95, %mul3A_94 : i32
      %add3A_97 = arith.constant 0 : i32
      %add3A_98 = arith.addi %add3A_96, %add3A_97 : i32
      %dma_wait3A_99 = arith.constant 0 : i32
      %dma_wait3A_100 = tpu.memref_slice %arg6[%add3A_98, %dma_wait3A_99] : memref<40x128xi32, #tpu.memory_space<vmem>> -> memref<1x128xi32, #tpu.memory_space<vmem>>
      %dma_wait3A_101 = tpu.memref_squeeze %dma_wait3A_100 : memref<1x128xi32, #tpu.memory_space<vmem>> -> memref<128xi32, #tpu.memory_space<vmem>>
      %dma_wait3A_102 = arith.constant 0 : i32
      %dma_wait3A_103 = arith.constant 0 : i32
      %dma_wait3A_104 = tpu.memref_slice %arg2[%dma_wait3A_102, %dma_wait3A_103] : memref<10000x128xf32, #tpu.memory_space<hbm>> -> memref<10000x128xf32, #tpu.memory_space<hbm>>
      tpu.wait_indirect_dma semaphore(%arg11 : memref<!tpu.dma_semaphore, #tpu.memory_space<semaphore_mem>>) src(%dma_wait3A_104 : memref<10000x128xf32, #tpu.memory_space<hbm>>) dst(%arg8 : memref<128x128xf32, #tpu.memory_space<vmem>>)
      "tpu.region"() ({
        %run_scoped3A_129 = tpu.sem_alloc : memref<!tpu.dma_semaphore, #tpu.memory_space<semaphore_mem>>
        %dma_start3A_130 = arith.constant 0 : i32
        %dma_start3A_131 = tpu.memref_slice %arg7[%add3A_98, %dma_start3A_130] : memref<40x128xi32, #tpu.memory_space<vmem>> -> memref<1x128xi32, #tpu.memory_space<vmem>>
        %dma_start3A_132 = tpu.memref_squeeze %dma_start3A_131 : memref<1x128xi32, #tpu.memory_space<vmem>> -> memref<128xi32, #tpu.memory_space<vmem>>
        %dma_start3A_133 = arith.constant 0 : i32
        %dma_start3A_134 = arith.constant 0 : i32
        %dma_start3A_135 = tpu.memref_slice %arg10[%dma_start3A_133, %dma_start3A_134] : memref<10064x128xf32, #tpu.memory_space<vmem_shared>> -> memref<10064x128xf32, #tpu.memory_space<vmem_shared>>
        tpu.enqueue_indirect_dma source(%arg8 : memref<128x128xf32, #tpu.memory_space<vmem>>) target(%dma_start3A_135 : memref<10064x128xf32, #tpu.memory_space<vmem_shared>>) offsets(%dma_start3A_132 : memref<128xi32, #tpu.memory_space<vmem>>) semaphore(%run_scoped3A_129 : memref<!tpu.dma_semaphore, #tpu.memory_space<semaphore_mem>>) {add = true}
        %dma_wait3A_136 = arith.constant 0 : i32
        %dma_wait3A_137 = tpu.memref_slice %arg7[%add3A_98, %dma_wait3A_136] : memref<40x128xi32, #tpu.memory_space<vmem>> -> memref<1x128xi32, #tpu.memory_space<vmem>>
        %dma_wait3A_138 = tpu.memref_squeeze %dma_wait3A_137 : memref<1x128xi32, #tpu.memory_space<vmem>> -> memref<128xi32, #tpu.memory_space<vmem>>
        %dma_wait3A_139 = arith.constant 0 : i32
        %dma_wait3A_140 = arith.constant 0 : i32
        %dma_wait3A_141 = tpu.memref_slice %arg10[%dma_wait3A_139, %dma_wait3A_140] : memref<10064x128xf32, #tpu.memory_space<vmem_shared>> -> memref<10064x128xf32, #tpu.memory_space<vmem_shared>>
        tpu.wait_indirect_dma semaphore(%run_scoped3A_129 : memref<!tpu.dma_semaphore, #tpu.memory_space<semaphore_mem>>) src(%arg8 : memref<128x128xf32, #tpu.memory_space<vmem>>) dst(%dma_wait3A_141 : memref<10064x128xf32, #tpu.memory_space<vmem_shared>>)
        tpu.yield
      }) : () -> ()
      %add3A_105 = arith.constant 2 : i32
      %add3A_106 = arith.addi %add3A_98, %add3A_105 : i32
      %dma_start3A_107 = arith.constant 0 : i32
      %dma_start3A_108 = tpu.memref_slice %arg6[%add3A_106, %dma_start3A_107] : memref<40x128xi32, #tpu.memory_space<vmem>> -> memref<1x128xi32, #tpu.memory_space<vmem>>
      %dma_start3A_109 = tpu.memref_squeeze %dma_start3A_108 : memref<1x128xi32, #tpu.memory_space<vmem>> -> memref<128xi32, #tpu.memory_space<vmem>>
      %dma_start3A_110 = arith.constant 0 : i32
      %dma_start3A_111 = arith.constant 0 : i32
      %dma_start3A_112 = tpu.memref_slice %arg2[%dma_start3A_110, %dma_start3A_111] : memref<10000x128xf32, #tpu.memory_space<hbm>> -> memref<10000x128xf32, #tpu.memory_space<hbm>>
      tpu.enqueue_indirect_dma source(%dma_start3A_112 : memref<10000x128xf32, #tpu.memory_space<hbm>>) target(%arg8 : memref<128x128xf32, #tpu.memory_space<vmem>>) offsets(%dma_start3A_109 : memref<128xi32, #tpu.memory_space<vmem>>) semaphore(%arg11 : memref<!tpu.dma_semaphore, #tpu.memory_space<semaphore_mem>>)
      %add3A_113 = arith.constant 1 : i32
      %add3A_114 = arith.addi %add3A_96, %add3A_113 : i32
      %dma_wait3A_115 = arith.constant 0 : i32
      %dma_wait3A_116 = tpu.memref_slice %arg6[%add3A_114, %dma_wait3A_115] : memref<40x128xi32, #tpu.memory_space<vmem>> -> memref<1x128xi32, #tpu.memory_space<vmem>>
      %dma_wait3A_117 = tpu.memref_squeeze %dma_wait3A_116 : memref<1x128xi32, #tpu.memory_space<vmem>> -> memref<128xi32, #tpu.memory_space<vmem>>
      %dma_wait3A_118 = arith.constant 0 : i32
      %dma_wait3A_119 = arith.constant 0 : i32
      %dma_wait3A_120 = tpu.memref_slice %arg2[%dma_wait3A_118, %dma_wait3A_119] : memref<10000x128xf32, #tpu.memory_space<hbm>> -> memref<10000x128xf32, #tpu.memory_space<hbm>>
      tpu.wait_indirect_dma semaphore(%arg12 : memref<!tpu.dma_semaphore, #tpu.memory_space<semaphore_mem>>) src(%dma_wait3A_120 : memref<10000x128xf32, #tpu.memory_space<hbm>>) dst(%arg9 : memref<128x128xf32, #tpu.memory_space<vmem>>)
      "tpu.region"() ({
        %run_scoped3A_129 = tpu.sem_alloc : memref<!tpu.dma_semaphore, #tpu.memory_space<semaphore_mem>>
        %dma_start3A_130 = arith.constant 0 : i32
        %dma_start3A_131 = tpu.memref_slice %arg7[%add3A_114, %dma_start3A_130] : memref<40x128xi32, #tpu.memory_space<vmem>> -> memref<1x128xi32, #tpu.memory_space<vmem>>
        %dma_start3A_132 = tpu.memref_squeeze %dma_start3A_131 : memref<1x128xi32, #tpu.memory_space<vmem>> -> memref<128xi32, #tpu.memory_space<vmem>>
        %dma_start3A_133 = arith.constant 0 : i32
        %dma_start3A_134 = arith.constant 0 : i32
        %dma_start3A_135 = tpu.memref_slice %arg10[%dma_start3A_133, %dma_start3A_134] : memref<10064x128xf32, #tpu.memory_space<vmem_shared>> -> memref<10064x128xf32, #tpu.memory_space<vmem_shared>>
        tpu.enqueue_indirect_dma source(%arg9 : memref<128x128xf32, #tpu.memory_space<vmem>>) target(%dma_start3A_135 : memref<10064x128xf32, #tpu.memory_space<vmem_shared>>) offsets(%dma_start3A_132 : memref<128xi32, #tpu.memory_space<vmem>>) semaphore(%run_scoped3A_129 : memref<!tpu.dma_semaphore, #tpu.memory_space<semaphore_mem>>) {add = true}
        %dma_wait3A_136 = arith.constant 0 : i32
        %dma_wait3A_137 = tpu.memref_slice %arg7[%add3A_114, %dma_wait3A_136] : memref<40x128xi32, #tpu.memory_space<vmem>> -> memref<1x128xi32, #tpu.memory_space<vmem>>
        %dma_wait3A_138 = tpu.memref_squeeze %dma_wait3A_137 : memref<1x128xi32, #tpu.memory_space<vmem>> -> memref<128xi32, #tpu.memory_space<vmem>>
        %dma_wait3A_139 = arith.constant 0 : i32
        %dma_wait3A_140 = arith.constant 0 : i32
        %dma_wait3A_141 = tpu.memref_slice %arg10[%dma_wait3A_139, %dma_wait3A_140] : memref<10064x128xf32, #tpu.memory_space<vmem_shared>> -> memref<10064x128xf32, #tpu.memory_space<vmem_shared>>
        tpu.wait_indirect_dma semaphore(%run_scoped3A_129 : memref<!tpu.dma_semaphore, #tpu.memory_space<semaphore_mem>>) src(%arg9 : memref<128x128xf32, #tpu.memory_space<vmem>>) dst(%dma_wait3A_141 : memref<10064x128xf32, #tpu.memory_space<vmem_shared>>)
        tpu.yield
      }) : () -> ()
      %add3A_121 = arith.constant 2 : i32
      %add3A_122 = arith.addi %add3A_114, %add3A_121 : i32
      %dma_start3A_123 = arith.constant 0 : i32
      %dma_start3A_124 = tpu.memref_slice %arg6[%add3A_122, %dma_start3A_123] : memref<40x128xi32, #tpu.memory_space<vmem>> -> memref<1x128xi32, #tpu.memory_space<vmem>>
      %dma_start3A_125 = tpu.memref_squeeze %dma_start3A_124 : memref<1x128xi32, #tpu.memory_space<vmem>> -> memref<128xi32, #tpu.memory_space<vmem>>
      %dma_start3A_126 = arith.constant 0 : i32
      %dma_start3A_127 = arith.constant 0 : i32
      %dma_start3A_128 = tpu.memref_slice %arg2[%dma_start3A_126, %dma_start3A_127] : memref<10000x128xf32, #tpu.memory_space<hbm>> -> memref<10000x128xf32, #tpu.memory_space<hbm>>
      tpu.enqueue_indirect_dma source(%dma_start3A_128 : memref<10000x128xf32, #tpu.memory_space<hbm>>) target(%arg9 : memref<128x128xf32, #tpu.memory_space<vmem>>) offsets(%dma_start3A_125 : memref<128xi32, #tpu.memory_space<vmem>>) semaphore(%arg12 : memref<!tpu.dma_semaphore, #tpu.memory_space<semaphore_mem>>)
    }
    %scan3A_24 = arith.constant 19 : i32
    %dma_wait3A = arith.constant 38 : i32
    %dma_wait3A_25 = arith.constant 0 : i32
    %dma_wait3A_26 = tpu.memref_slice %arg6[%dma_wait3A, %dma_wait3A_25] : memref<40x128xi32, #tpu.memory_space<vmem>> -> memref<1x128xi32, #tpu.memory_space<vmem>>
    %dma_wait3A_27 = tpu.memref_squeeze %dma_wait3A_26 : memref<1x128xi32, #tpu.memory_space<vmem>> -> memref<128xi32, #tpu.memory_space<vmem>>
    %dma_wait3A_28 = arith.constant 0 : i32
    %dma_wait3A_29 = arith.constant 0 : i32
    %dma_wait3A_30 = tpu.memref_slice %arg2[%dma_wait3A_28, %dma_wait3A_29] : memref<10000x128xf32, #tpu.memory_space<hbm>> -> memref<10000x128xf32, #tpu.memory_space<hbm>>
    tpu.wait_indirect_dma semaphore(%arg11 : memref<!tpu.dma_semaphore, #tpu.memory_space<semaphore_mem>>) src(%dma_wait3A_30 : memref<10000x128xf32, #tpu.memory_space<hbm>>) dst(%arg8 : memref<128x128xf32, #tpu.memory_space<vmem>>)
    %run_scoped3A_31 = arith.constant 38 : i32
    "tpu.region"() ({
      %run_scoped3A_92 = tpu.sem_alloc : memref<!tpu.dma_semaphore, #tpu.memory_space<semaphore_mem>>
      %dma_start3A_93 = arith.constant 0 : i32
      %dma_start3A_94 = tpu.memref_slice %arg7[%run_scoped3A_31, %dma_start3A_93] : memref<40x128xi32, #tpu.memory_space<vmem>> -> memref<1x128xi32, #tpu.memory_space<vmem>>
      %dma_start3A_95 = tpu.memref_squeeze %dma_start3A_94 : memref<1x128xi32, #tpu.memory_space<vmem>> -> memref<128xi32, #tpu.memory_space<vmem>>
      %dma_start3A_96 = arith.constant 0 : i32
      %dma_start3A_97 = arith.constant 0 : i32
      %dma_start3A_98 = tpu.memref_slice %arg10[%dma_start3A_96, %dma_start3A_97] : memref<10064x128xf32, #tpu.memory_space<vmem_shared>> -> memref<10064x128xf32, #tpu.memory_space<vmem_shared>>
      tpu.enqueue_indirect_dma source(%arg8 : memref<128x128xf32, #tpu.memory_space<vmem>>) target(%dma_start3A_98 : memref<10064x128xf32, #tpu.memory_space<vmem_shared>>) offsets(%dma_start3A_95 : memref<128xi32, #tpu.memory_space<vmem>>) semaphore(%run_scoped3A_92 : memref<!tpu.dma_semaphore, #tpu.memory_space<semaphore_mem>>) {add = true}
      %dma_wait3A_99 = arith.constant 0 : i32
      %dma_wait3A_100 = tpu.memref_slice %arg7[%run_scoped3A_31, %dma_wait3A_99] : memref<40x128xi32, #tpu.memory_space<vmem>> -> memref<1x128xi32, #tpu.memory_space<vmem>>
      %dma_wait3A_101 = tpu.memref_squeeze %dma_wait3A_100 : memref<1x128xi32, #tpu.memory_space<vmem>> -> memref<128xi32, #tpu.memory_space<vmem>>
      %dma_wait3A_102 = arith.constant 0 : i32
      %dma_wait3A_103 = arith.constant 0 : i32
      %dma_wait3A_104 = tpu.memref_slice %arg10[%dma_wait3A_102, %dma_wait3A_103] : memref<10064x128xf32, #tpu.memory_space<vmem_shared>> -> memref<10064x128xf32, #tpu.memory_space<vmem_shared>>
      tpu.wait_indirect_dma semaphore(%run_scoped3A_92 : memref<!tpu.dma_semaphore, #tpu.memory_space<semaphore_mem>>) src(%arg8 : memref<128x128xf32, #tpu.memory_space<vmem>>) dst(%dma_wait3A_104 : memref<10064x128xf32, #tpu.memory_space<vmem_shared>>)
      tpu.yield
    }) : () -> ()
    %dma_wait3A_32 = arith.constant 39 : i32
    %dma_wait3A_33 = arith.constant 0 : i32
    %dma_wait3A_34 = tpu.memref_slice %arg6[%dma_wait3A_32, %dma_wait3A_33] : memref<40x128xi32, #tpu.memory_space<vmem>> -> memref<1x128xi32, #tpu.memory_space<vmem>>
    %dma_wait3A_35 = tpu.memref_squeeze %dma_wait3A_34 : memref<1x128xi32, #tpu.memory_space<vmem>> -> memref<128xi32, #tpu.memory_space<vmem>>
    %dma_wait3A_36 = arith.constant 0 : i32
    %dma_wait3A_37 = arith.constant 0 : i32
    %dma_wait3A_38 = tpu.memref_slice %arg2[%dma_wait3A_36, %dma_wait3A_37] : memref<10000x128xf32, #tpu.memory_space<hbm>> -> memref<10000x128xf32, #tpu.memory_space<hbm>>
    tpu.wait_indirect_dma semaphore(%arg12 : memref<!tpu.dma_semaphore, #tpu.memory_space<semaphore_mem>>) src(%dma_wait3A_38 : memref<10000x128xf32, #tpu.memory_space<hbm>>) dst(%arg9 : memref<128x128xf32, #tpu.memory_space<vmem>>)
    %run_scoped3A_39 = arith.constant 39 : i32
    "tpu.region"() ({
      %run_scoped3A_92 = tpu.sem_alloc : memref<!tpu.dma_semaphore, #tpu.memory_space<semaphore_mem>>
      %dma_start3A_93 = arith.constant 0 : i32
      %dma_start3A_94 = tpu.memref_slice %arg7[%run_scoped3A_39, %dma_start3A_93] : memref<40x128xi32, #tpu.memory_space<vmem>> -> memref<1x128xi32, #tpu.memory_space<vmem>>
      %dma_start3A_95 = tpu.memref_squeeze %dma_start3A_94 : memref<1x128xi32, #tpu.memory_space<vmem>> -> memref<128xi32, #tpu.memory_space<vmem>>
      %dma_start3A_96 = arith.constant 0 : i32
      %dma_start3A_97 = arith.constant 0 : i32
      %dma_start3A_98 = tpu.memref_slice %arg10[%dma_start3A_96, %dma_start3A_97] : memref<10064x128xf32, #tpu.memory_space<vmem_shared>> -> memref<10064x128xf32, #tpu.memory_space<vmem_shared>>
      tpu.enqueue_indirect_dma source(%arg9 : memref<128x128xf32, #tpu.memory_space<vmem>>) target(%dma_start3A_98 : memref<10064x128xf32, #tpu.memory_space<vmem_shared>>) offsets(%dma_start3A_95 : memref<128xi32, #tpu.memory_space<vmem>>) semaphore(%run_scoped3A_92 : memref<!tpu.dma_semaphore, #tpu.memory_space<semaphore_mem>>) {add = true}
      %dma_wait3A_99 = arith.constant 0 : i32
      %dma_wait3A_100 = tpu.memref_slice %arg7[%run_scoped3A_39, %dma_wait3A_99] : memref<40x128xi32, #tpu.memory_space<vmem>> -> memref<1x128xi32, #tpu.memory_space<vmem>>
      %dma_wait3A_101 = tpu.memref_squeeze %dma_wait3A_100 : memref<1x128xi32, #tpu.memory_space<vmem>> -> memref<128xi32, #tpu.memory_space<vmem>>
      %dma_wait3A_102 = arith.constant 0 : i32
      %dma_wait3A_103 = arith.constant 0 : i32
      %dma_wait3A_104 = tpu.memref_slice %arg10[%dma_wait3A_102, %dma_wait3A_103] : memref<10064x128xf32, #tpu.memory_space<vmem_shared>> -> memref<10064x128xf32, #tpu.memory_space<vmem_shared>>
      tpu.wait_indirect_dma semaphore(%run_scoped3A_92 : memref<!tpu.dma_semaphore, #tpu.memory_space<semaphore_mem>>) src(%arg9 : memref<128x128xf32, #tpu.memory_space<vmem>>) dst(%dma_wait3A_104 : memref<10064x128xf32, #tpu.memory_space<vmem_shared>>)
      tpu.yield
    }) : () -> ()
    %add3A_40 = arith.constant 40 : i32
    %add3A_41 = arith.addi %mul3A_2, %add3A_40 : i32
    %run_scoped3A_42 = arith.constant 0 : i32
    "tpu.region"() ({
      %run_scoped3A_92 = tpu.sem_alloc : memref<!tpu.dma_semaphore, #tpu.memory_space<semaphore_mem>>
      %dma_start3A_93 = arith.constant 0 : i32
      %dma_start3A_94 = tpu.memref_slice %arg3[%run_scoped3A_42, %add3A_41, %dma_start3A_93] : memref<2x2560x128xi32, #tpu.memory_space<hbm>> -> memref<1x40x128xi32, #tpu.memory_space<hbm>>
      %dma_start3A_95 = tpu.memref_squeeze %dma_start3A_94 : memref<1x40x128xi32, #tpu.memory_space<hbm>> -> memref<40x128xi32, #tpu.memory_space<hbm>>
      %dma_start3A_96 = arith.constant 0 : i32
      %dma_start3A_97 = tpu.memref_slice %arg3[%run_scoped3A_42, %add3A_41, %dma_start3A_96] : memref<2x2560x128xi32, #tpu.memory_space<hbm>> -> memref<1x40x128xi32, #tpu.memory_space<hbm>>
      %dma_start3A_98 = tpu.memref_squeeze %dma_start3A_97 : memref<1x40x128xi32, #tpu.memory_space<hbm>> -> memref<40x128xi32, #tpu.memory_space<hbm>>
      tpu.enqueue_dma source(%dma_start3A_98 : memref<40x128xi32, #tpu.memory_space<hbm>>) target(%arg6 : memref<40x128xi32, #tpu.memory_space<vmem>>) target_semaphore(%run_scoped3A_92 : memref<!tpu.dma_semaphore, #tpu.memory_space<semaphore_mem>>)
      %dma_wait3A_99 = arith.constant 0 : i32
      %dma_wait3A_100 = tpu.memref_slice %arg3[%run_scoped3A_42, %add3A_41, %dma_wait3A_99] : memref<2x2560x128xi32, #tpu.memory_space<hbm>> -> memref<1x40x128xi32, #tpu.memory_space<hbm>>
      %dma_wait3A_101 = tpu.memref_squeeze %dma_wait3A_100 : memref<1x40x128xi32, #tpu.memory_space<hbm>> -> memref<40x128xi32, #tpu.memory_space<hbm>>
      %dma_wait3A_102 = arith.constant 0 : i32
      %dma_wait3A_103 = tpu.memref_slice %arg3[%run_scoped3A_42, %add3A_41, %dma_wait3A_102] : memref<2x2560x128xi32, #tpu.memory_space<hbm>> -> memref<1x40x128xi32, #tpu.memory_space<hbm>>
      %dma_wait3A_104 = tpu.memref_squeeze %dma_wait3A_103 : memref<1x40x128xi32, #tpu.memory_space<hbm>> -> memref<40x128xi32, #tpu.memory_space<hbm>>
      tpu.wait_dma2 semaphore(%run_scoped3A_92 : memref<!tpu.dma_semaphore, #tpu.memory_space<semaphore_mem>>) src(%dma_wait3A_104 : memref<40x128xi32, #tpu.memory_space<hbm>>) dst(%arg6 : memref<40x128xi32, #tpu.memory_space<vmem>>)
      tpu.yield
    }) : () -> ()
    %run_scoped3A_43 = arith.constant 1 : i32
    "tpu.region"() ({
      %run_scoped3A_92 = tpu.sem_alloc : memref<!tpu.dma_semaphore, #tpu.memory_space<semaphore_mem>>
      %dma_start3A_93 = arith.constant 0 : i32
      %dma_start3A_94 = tpu.memref_slice %arg3[%run_scoped3A_43, %add3A_41, %dma_start3A_93] : memref<2x2560x128xi32, #tpu.memory_space<hbm>> -> memref<1x40x128xi32, #tpu.memory_space<hbm>>
      %dma_start3A_95 = tpu.memref_squeeze %dma_start3A_94 : memref<1x40x128xi32, #tpu.memory_space<hbm>> -> memref<40x128xi32, #tpu.memory_space<hbm>>
      %dma_start3A_96 = arith.constant 0 : i32
      %dma_start3A_97 = tpu.memref_slice %arg3[%run_scoped3A_43, %add3A_41, %dma_start3A_96] : memref<2x2560x128xi32, #tpu.memory_space<hbm>> -> memref<1x40x128xi32, #tpu.memory_space<hbm>>
      %dma_start3A_98 = tpu.memref_squeeze %dma_start3A_97 : memref<1x40x128xi32, #tpu.memory_space<hbm>> -> memref<40x128xi32, #tpu.memory_space<hbm>>
      tpu.enqueue_dma source(%dma_start3A_98 : memref<40x128xi32, #tpu.memory_space<hbm>>) target(%arg7 : memref<40x128xi32, #tpu.memory_space<vmem>>) target_semaphore(%run_scoped3A_92 : memref<!tpu.dma_semaphore, #tpu.memory_space<semaphore_mem>>)
      %dma_wait3A_99 = arith.constant 0 : i32
      %dma_wait3A_100 = tpu.memref_slice %arg3[%run_scoped3A_43, %add3A_41, %dma_wait3A_99] : memref<2x2560x128xi32, #tpu.memory_space<hbm>> -> memref<1x40x128xi32, #tpu.memory_space<hbm>>
      %dma_wait3A_101 = tpu.memref_squeeze %dma_wait3A_100 : memref<1x40x128xi32, #tpu.memory_space<hbm>> -> memref<40x128xi32, #tpu.memory_space<hbm>>
      %dma_wait3A_102 = arith.constant 0 : i32
      %dma_wait3A_103 = tpu.memref_slice %arg3[%run_scoped3A_43, %add3A_41, %dma_wait3A_102] : memref<2x2560x128xi32, #tpu.memory_space<hbm>> -> memref<1x40x128xi32, #tpu.memory_space<hbm>>
      %dma_wait3A_104 = tpu.memref_squeeze %dma_wait3A_103 : memref<1x40x128xi32, #tpu.memory_space<hbm>> -> memref<40x128xi32, #tpu.memory_space<hbm>>
      tpu.wait_dma2 semaphore(%run_scoped3A_92 : memref<!tpu.dma_semaphore, #tpu.memory_space<semaphore_mem>>) src(%dma_wait3A_104 : memref<40x128xi32, #tpu.memory_space<hbm>>) dst(%arg7 : memref<40x128xi32, #tpu.memory_space<vmem>>)
      tpu.yield
    }) : () -> ()
    %dma_start3A_44 = arith.constant 0 : i32
    %dma_start3A_45 = arith.constant 0 : i32
    %dma_start3A_46 = tpu.memref_slice %arg6[%dma_start3A_44, %dma_start3A_45] : memref<40x128xi32, #tpu.memory_space<vmem>> -> memref<1x128xi32, #tpu.memory_space<vmem>>
    %dma_start3A_47 = tpu.memref_squeeze %dma_start3A_46 : memref<1x128xi32, #tpu.memory_space<vmem>> -> memref<128xi32, #tpu.memory_space<vmem>>
    %dma_start3A_48 = arith.constant 0 : i32
    %dma_start3A_49 = arith.constant 0 : i32
    %dma_start3A_50 = tpu.memref_slice %arg2[%dma_start3A_48, %dma_start3A_49] : memref<10000x128xf32, #tpu.memory_space<hbm>> -> memref<10000x128xf32, #tpu.memory_space<hbm>>
    tpu.enqueue_indirect_dma source(%dma_start3A_50 : memref<10000x128xf32, #tpu.memory_space<hbm>>) target(%arg8 : memref<128x128xf32, #tpu.memory_space<vmem>>) offsets(%dma_start3A_47 : memref<128xi32, #tpu.memory_space<vmem>>) semaphore(%arg11 : memref<!tpu.dma_semaphore, #tpu.memory_space<semaphore_mem>>)
    %dma_start3A_51 = arith.constant 1 : i32
    %dma_start3A_52 = arith.constant 0 : i32
    %dma_start3A_53 = tpu.memref_slice %arg6[%dma_start3A_51, %dma_start3A_52] : memref<40x128xi32, #tpu.memory_space<vmem>> -> memref<1x128xi32, #tpu.memory_space<vmem>>
    %dma_start3A_54 = tpu.memref_squeeze %dma_start3A_53 : memref<1x128xi32, #tpu.memory_space<vmem>> -> memref<128xi32, #tpu.memory_space<vmem>>
    %dma_start3A_55 = arith.constant 0 : i32
    %dma_start3A_56 = arith.constant 0 : i32
    %dma_start3A_57 = tpu.memref_slice %arg2[%dma_start3A_55, %dma_start3A_56] : memref<10000x128xf32, #tpu.memory_space<hbm>> -> memref<10000x128xf32, #tpu.memory_space<hbm>>
    tpu.enqueue_indirect_dma source(%dma_start3A_57 : memref<10000x128xf32, #tpu.memory_space<hbm>>) target(%arg9 : memref<128x128xf32, #tpu.memory_space<vmem>>) offsets(%dma_start3A_54 : memref<128xi32, #tpu.memory_space<vmem>>) semaphore(%arg12 : memref<!tpu.dma_semaphore, #tpu.memory_space<semaphore_mem>>)
    %scan3A_58 = arith.constant 0 : i32
    %scan3A_59 = arith.constant 19 : i32
    %scan3A_60 = arith.addi %scan3A_58, %scan3A_59 : i32
    %scan3A_61 = arith.constant 1 : i32
    scf.for %scan3A_92 = %scan3A_58 to %scan3A_60 step %scan3A_61  : i32 {
      %mul3A_93 = arith.constant 2 : i32
      %mul3A_94 = arith.muli %scan3A_92, %mul3A_93 : i32
      %add3A_95 = arith.constant 0 : i32
      %add3A_96 = arith.addi %add3A_95, %mul3A_94 : i32
      %add3A_97 = arith.constant 0 : i32
      %add3A_98 = arith.addi %add3A_96, %add3A_97 : i32
      %dma_wait3A_99 = arith.constant 0 : i32
      %dma_wait3A_100 = tpu.memref_slice %arg6[%add3A_98, %dma_wait3A_99] : memref<40x128xi32, #tpu.memory_space<vmem>> -> memref<1x128xi32, #tpu.memory_space<vmem>>
      %dma_wait3A_101 = tpu.memref_squeeze %dma_wait3A_100 : memref<1x128xi32, #tpu.memory_space<vmem>> -> memref<128xi32, #tpu.memory_space<vmem>>
      %dma_wait3A_102 = arith.constant 0 : i32
      %dma_wait3A_103 = arith.constant 0 : i32
      %dma_wait3A_104 = tpu.memref_slice %arg2[%dma_wait3A_102, %dma_wait3A_103] : memref<10000x128xf32, #tpu.memory_space<hbm>> -> memref<10000x128xf32, #tpu.memory_space<hbm>>
      tpu.wait_indirect_dma semaphore(%arg11 : memref<!tpu.dma_semaphore, #tpu.memory_space<semaphore_mem>>) src(%dma_wait3A_104 : memref<10000x128xf32, #tpu.memory_space<hbm>>) dst(%arg8 : memref<128x128xf32, #tpu.memory_space<vmem>>)
      "tpu.region"() ({
        %run_scoped3A_129 = tpu.sem_alloc : memref<!tpu.dma_semaphore, #tpu.memory_space<semaphore_mem>>
        %dma_start3A_130 = arith.constant 0 : i32
        %dma_start3A_131 = tpu.memref_slice %arg7[%add3A_98, %dma_start3A_130] : memref<40x128xi32, #tpu.memory_space<vmem>> -> memref<1x128xi32, #tpu.memory_space<vmem>>
        %dma_start3A_132 = tpu.memref_squeeze %dma_start3A_131 : memref<1x128xi32, #tpu.memory_space<vmem>> -> memref<128xi32, #tpu.memory_space<vmem>>
        %dma_start3A_133 = arith.constant 0 : i32
        %dma_start3A_134 = arith.constant 0 : i32
        %dma_start3A_135 = tpu.memref_slice %arg10[%dma_start3A_133, %dma_start3A_134] : memref<10064x128xf32, #tpu.memory_space<vmem_shared>> -> memref<10064x128xf32, #tpu.memory_space<vmem_shared>>
        tpu.enqueue_indirect_dma source(%arg8 : memref<128x128xf32, #tpu.memory_space<vmem>>) target(%dma_start3A_135 : memref<10064x128xf32, #tpu.memory_space<vmem_shared>>) offsets(%dma_start3A_132 : memref<128xi32, #tpu.memory_space<vmem>>) semaphore(%run_scoped3A_129 : memref<!tpu.dma_semaphore, #tpu.memory_space<semaphore_mem>>) {add = true}
        %dma_wait3A_136 = arith.constant 0 : i32
        %dma_wait3A_137 = tpu.memref_slice %arg7[%add3A_98, %dma_wait3A_136] : memref<40x128xi32, #tpu.memory_space<vmem>> -> memref<1x128xi32, #tpu.memory_space<vmem>>
        %dma_wait3A_138 = tpu.memref_squeeze %dma_wait3A_137 : memref<1x128xi32, #tpu.memory_space<vmem>> -> memref<128xi32, #tpu.memory_space<vmem>>
        %dma_wait3A_139 = arith.constant 0 : i32
        %dma_wait3A_140 = arith.constant 0 : i32
        %dma_wait3A_141 = tpu.memref_slice %arg10[%dma_wait3A_139, %dma_wait3A_140] : memref<10064x128xf32, #tpu.memory_space<vmem_shared>> -> memref<10064x128xf32, #tpu.memory_space<vmem_shared>>
        tpu.wait_indirect_dma semaphore(%run_scoped3A_129 : memref<!tpu.dma_semaphore, #tpu.memory_space<semaphore_mem>>) src(%arg8 : memref<128x128xf32, #tpu.memory_space<vmem>>) dst(%dma_wait3A_141 : memref<10064x128xf32, #tpu.memory_space<vmem_shared>>)
        tpu.yield
      }) : () -> ()
      %add3A_105 = arith.constant 2 : i32
      %add3A_106 = arith.addi %add3A_98, %add3A_105 : i32
      %dma_start3A_107 = arith.constant 0 : i32
      %dma_start3A_108 = tpu.memref_slice %arg6[%add3A_106, %dma_start3A_107] : memref<40x128xi32, #tpu.memory_space<vmem>> -> memref<1x128xi32, #tpu.memory_space<vmem>>
      %dma_start3A_109 = tpu.memref_squeeze %dma_start3A_108 : memref<1x128xi32, #tpu.memory_space<vmem>> -> memref<128xi32, #tpu.memory_space<vmem>>
      %dma_start3A_110 = arith.constant 0 : i32
      %dma_start3A_111 = arith.constant 0 : i32
      %dma_start3A_112 = tpu.memref_slice %arg2[%dma_start3A_110, %dma_start3A_111] : memref<10000x128xf32, #tpu.memory_space<hbm>> -> memref<10000x128xf32, #tpu.memory_space<hbm>>
      tpu.enqueue_indirect_dma source(%dma_start3A_112 : memref<10000x128xf32, #tpu.memory_space<hbm>>) target(%arg8 : memref<128x128xf32, #tpu.memory_space<vmem>>) offsets(%dma_start3A_109 : memref<128xi32, #tpu.memory_space<vmem>>) semaphore(%arg11 : memref<!tpu.dma_semaphore, #tpu.memory_space<semaphore_mem>>)
      %add3A_113 = arith.constant 1 : i32
      %add3A_114 = arith.addi %add3A_96, %add3A_113 : i32
      %dma_wait3A_115 = arith.constant 0 : i32
      %dma_wait3A_116 = tpu.memref_slice %arg6[%add3A_114, %dma_wait3A_115] : memref<40x128xi32, #tpu.memory_space<vmem>> -> memref<1x128xi32, #tpu.memory_space<vmem>>
      %dma_wait3A_117 = tpu.memref_squeeze %dma_wait3A_116 : memref<1x128xi32, #tpu.memory_space<vmem>> -> memref<128xi32, #tpu.memory_space<vmem>>
      %dma_wait3A_118 = arith.constant 0 : i32
      %dma_wait3A_119 = arith.constant 0 : i32
      %dma_wait3A_120 = tpu.memref_slice %arg2[%dma_wait3A_118, %dma_wait3A_119] : memref<10000x128xf32, #tpu.memory_space<hbm>> -> memref<10000x128xf32, #tpu.memory_space<hbm>>
      tpu.wait_indirect_dma semaphore(%arg12 : memref<!tpu.dma_semaphore, #tpu.memory_space<semaphore_mem>>) src(%dma_wait3A_120 : memref<10000x128xf32, #tpu.memory_space<hbm>>) dst(%arg9 : memref<128x128xf32, #tpu.memory_space<vmem>>)
      "tpu.region"() ({
        %run_scoped3A_129 = tpu.sem_alloc : memref<!tpu.dma_semaphore, #tpu.memory_space<semaphore_mem>>
        %dma_start3A_130 = arith.constant 0 : i32
        %dma_start3A_131 = tpu.memref_slice %arg7[%add3A_114, %dma_start3A_130] : memref<40x128xi32, #tpu.memory_space<vmem>> -> memref<1x128xi32, #tpu.memory_space<vmem>>
        %dma_start3A_132 = tpu.memref_squeeze %dma_start3A_131 : memref<1x128xi32, #tpu.memory_space<vmem>> -> memref<128xi32, #tpu.memory_space<vmem>>
        %dma_start3A_133 = arith.constant 0 : i32
        %dma_start3A_134 = arith.constant 0 : i32
        %dma_start3A_135 = tpu.memref_slice %arg10[%dma_start3A_133, %dma_start3A_134] : memref<10064x128xf32, #tpu.memory_space<vmem_shared>> -> memref<10064x128xf32, #tpu.memory_space<vmem_shared>>
        tpu.enqueue_indirect_dma source(%arg9 : memref<128x128xf32, #tpu.memory_space<vmem>>) target(%dma_start3A_135 : memref<10064x128xf32, #tpu.memory_space<vmem_shared>>) offsets(%dma_start3A_132 : memref<128xi32, #tpu.memory_space<vmem>>) semaphore(%run_scoped3A_129 : memref<!tpu.dma_semaphore, #tpu.memory_space<semaphore_mem>>) {add = true}
        %dma_wait3A_136 = arith.constant 0 : i32
        %dma_wait3A_137 = tpu.memref_slice %arg7[%add3A_114, %dma_wait3A_136] : memref<40x128xi32, #tpu.memory_space<vmem>> -> memref<1x128xi32, #tpu.memory_space<vmem>>
        %dma_wait3A_138 = tpu.memref_squeeze %dma_wait3A_137 : memref<1x128xi32, #tpu.memory_space<vmem>> -> memref<128xi32, #tpu.memory_space<vmem>>
        %dma_wait3A_139 = arith.constant 0 : i32
        %dma_wait3A_140 = arith.constant 0 : i32
        %dma_wait3A_141 = tpu.memref_slice %arg10[%dma_wait3A_139, %dma_wait3A_140] : memref<10064x128xf32, #tpu.memory_space<vmem_shared>> -> memref<10064x128xf32, #tpu.memory_space<vmem_shared>>
        tpu.wait_indirect_dma semaphore(%run_scoped3A_129 : memref<!tpu.dma_semaphore, #tpu.memory_space<semaphore_mem>>) src(%arg9 : memref<128x128xf32, #tpu.memory_space<vmem>>) dst(%dma_wait3A_141 : memref<10064x128xf32, #tpu.memory_space<vmem_shared>>)
        tpu.yield
      }) : () -> ()
      %add3A_121 = arith.constant 2 : i32
      %add3A_122 = arith.addi %add3A_114, %add3A_121 : i32
      %dma_start3A_123 = arith.constant 0 : i32
      %dma_start3A_124 = tpu.memref_slice %arg6[%add3A_122, %dma_start3A_123] : memref<40x128xi32, #tpu.memory_space<vmem>> -> memref<1x128xi32, #tpu.memory_space<vmem>>
      %dma_start3A_125 = tpu.memref_squeeze %dma_start3A_124 : memref<1x128xi32, #tpu.memory_space<vmem>> -> memref<128xi32, #tpu.memory_space<vmem>>
      %dma_start3A_126 = arith.constant 0 : i32
      %dma_start3A_127 = arith.constant 0 : i32
      %dma_start3A_128 = tpu.memref_slice %arg2[%dma_start3A_126, %dma_start3A_127] : memref<10000x128xf32, #tpu.memory_space<hbm>> -> memref<10000x128xf32, #tpu.memory_space<hbm>>
      tpu.enqueue_indirect_dma source(%dma_start3A_128 : memref<10000x128xf32, #tpu.memory_space<hbm>>) target(%arg9 : memref<128x128xf32, #tpu.memory_space<vmem>>) offsets(%dma_start3A_125 : memref<128xi32, #tpu.memory_space<vmem>>) semaphore(%arg12 : memref<!tpu.dma_semaphore, #tpu.memory_space<semaphore_mem>>)
    }
    %scan3A_62 = arith.constant 19 : i32
    %dma_wait3A_63 = arith.constant 38 : i32
    %dma_wait3A_64 = arith.constant 0 : i32
    %dma_wait3A_65 = tpu.memref_slice %arg6[%dma_wait3A_63, %dma_wait3A_64] : memref<40x128xi32, #tpu.memory_space<vmem>> -> memref<1x128xi32, #tpu.memory_space<vmem>>
    %dma_wait3A_66 = tpu.memref_squeeze %dma_wait3A_65 : memref<1x128xi32, #tpu.memory_space<vmem>> -> memref<128xi32, #tpu.memory_space<vmem>>
    %dma_wait3A_67 = arith.constant 0 : i32
    %dma_wait3A_68 = arith.constant 0 : i32
    %dma_wait3A_69 = tpu.memref_slice %arg2[%dma_wait3A_67, %dma_wait3A_68] : memref<10000x128xf32, #tpu.memory_space<hbm>> -> memref<10000x128xf32, #tpu.memory_space<hbm>>
    tpu.wait_indirect_dma semaphore(%arg11 : memref<!tpu.dma_semaphore, #tpu.memory_space<semaphore_mem>>) src(%dma_wait3A_69 : memref<10000x128xf32, #tpu.memory_space<hbm>>) dst(%arg8 : memref<128x128xf32, #tpu.memory_space<vmem>>)
    %run_scoped3A_70 = arith.constant 38 : i32
    "tpu.region"() ({
      %run_scoped3A_92 = tpu.sem_alloc : memref<!tpu.dma_semaphore, #tpu.memory_space<semaphore_mem>>
      %dma_start3A_93 = arith.constant 0 : i32
      %dma_start3A_94 = tpu.memref_slice %arg7[%run_scoped3A_70, %dma_start3A_93] : memref<40x128xi32, #tpu.memory_space<vmem>> -> memref<1x128xi32, #tpu.memory_space<vmem>>
      %dma_start3A_95 = tpu.memref_squeeze %dma_start3A_94 : memref<1x128xi32, #tpu.memory_space<vmem>> -> memref<128xi32, #tpu.memory_space<vmem>>
      %dma_start3A_96 = arith.constant 0 : i32
      %dma_start3A_97 = arith.constant 0 : i32
      %dma_start3A_98 = tpu.memref_slice %arg10[%dma_start3A_96, %dma_start3A_97] : memref<10064x128xf32, #tpu.memory_space<vmem_shared>> -> memref<10064x128xf32, #tpu.memory_space<vmem_shared>>
      tpu.enqueue_indirect_dma source(%arg8 : memref<128x128xf32, #tpu.memory_space<vmem>>) target(%dma_start3A_98 : memref<10064x128xf32, #tpu.memory_space<vmem_shared>>) offsets(%dma_start3A_95 : memref<128xi32, #tpu.memory_space<vmem>>) semaphore(%run_scoped3A_92 : memref<!tpu.dma_semaphore, #tpu.memory_space<semaphore_mem>>) {add = true}
      %dma_wait3A_99 = arith.constant 0 : i32
      %dma_wait3A_100 = tpu.memref_slice %arg7[%run_scoped3A_70, %dma_wait3A_99] : memref<40x128xi32, #tpu.memory_space<vmem>> -> memref<1x128xi32, #tpu.memory_space<vmem>>
      %dma_wait3A_101 = tpu.memref_squeeze %dma_wait3A_100 : memref<1x128xi32, #tpu.memory_space<vmem>> -> memref<128xi32, #tpu.memory_space<vmem>>
      %dma_wait3A_102 = arith.constant 0 : i32
      %dma_wait3A_103 = arith.constant 0 : i32
      %dma_wait3A_104 = tpu.memref_slice %arg10[%dma_wait3A_102, %dma_wait3A_103] : memref<10064x128xf32, #tpu.memory_space<vmem_shared>> -> memref<10064x128xf32, #tpu.memory_space<vmem_shared>>
      tpu.wait_indirect_dma semaphore(%run_scoped3A_92 : memref<!tpu.dma_semaphore, #tpu.memory_space<semaphore_mem>>) src(%arg8 : memref<128x128xf32, #tpu.memory_space<vmem>>) dst(%dma_wait3A_104 : memref<10064x128xf32, #tpu.memory_space<vmem_shared>>)
      tpu.yield
    }) : () -> ()
    %dma_wait3A_71 = arith.constant 39 : i32
    %dma_wait3A_72 = arith.constant 0 : i32
    %dma_wait3A_73 = tpu.memref_slice %arg6[%dma_wait3A_71, %dma_wait3A_72] : memref<40x128xi32, #tpu.memory_space<vmem>> -> memref<1x128xi32, #tpu.memory_space<vmem>>
    %dma_wait3A_74 = tpu.memref_squeeze %dma_wait3A_73 : memref<1x128xi32, #tpu.memory_space<vmem>> -> memref<128xi32, #tpu.memory_space<vmem>>
    %dma_wait3A_75 = arith.constant 0 : i32
    %dma_wait3A_76 = arith.constant 0 : i32
    %dma_wait3A_77 = tpu.memref_slice %arg2[%dma_wait3A_75, %dma_wait3A_76] : memref<10000x128xf32, #tpu.memory_space<hbm>> -> memref<10000x128xf32, #tpu.memory_space<hbm>>
    tpu.wait_indirect_dma semaphore(%arg12 : memref<!tpu.dma_semaphore, #tpu.memory_space<semaphore_mem>>) src(%dma_wait3A_77 : memref<10000x128xf32, #tpu.memory_space<hbm>>) dst(%arg9 : memref<128x128xf32, #tpu.memory_space<vmem>>)
    %run_scoped3A_78 = arith.constant 39 : i32
    "tpu.region"() ({
      %run_scoped3A_92 = tpu.sem_alloc : memref<!tpu.dma_semaphore, #tpu.memory_space<semaphore_mem>>
      %dma_start3A_93 = arith.constant 0 : i32
      %dma_start3A_94 = tpu.memref_slice %arg7[%run_scoped3A_78, %dma_start3A_93] : memref<40x128xi32, #tpu.memory_space<vmem>> -> memref<1x128xi32, #tpu.memory_space<vmem>>
      %dma_start3A_95 = tpu.memref_squeeze %dma_start3A_94 : memref<1x128xi32, #tpu.memory_space<vmem>> -> memref<128xi32, #tpu.memory_space<vmem>>
      %dma_start3A_96 = arith.constant 0 : i32
      %dma_start3A_97 = arith.constant 0 : i32
      %dma_start3A_98 = tpu.memref_slice %arg10[%dma_start3A_96, %dma_start3A_97] : memref<10064x128xf32, #tpu.memory_space<vmem_shared>> -> memref<10064x128xf32, #tpu.memory_space<vmem_shared>>
      tpu.enqueue_indirect_dma source(%arg9 : memref<128x128xf32, #tpu.memory_space<vmem>>) target(%dma_start3A_98 : memref<10064x128xf32, #tpu.memory_space<vmem_shared>>) offsets(%dma_start3A_95 : memref<128xi32, #tpu.memory_space<vmem>>) semaphore(%run_scoped3A_92 : memref<!tpu.dma_semaphore, #tpu.memory_space<semaphore_mem>>) {add = true}
      %dma_wait3A_99 = arith.constant 0 : i32
      %dma_wait3A_100 = tpu.memref_slice %arg7[%run_scoped3A_78, %dma_wait3A_99] : memref<40x128xi32, #tpu.memory_space<vmem>> -> memref<1x128xi32, #tpu.memory_space<vmem>>
      %dma_wait3A_101 = tpu.memref_squeeze %dma_wait3A_100 : memref<1x128xi32, #tpu.memory_space<vmem>> -> memref<128xi32, #tpu.memory_space<vmem>>
      %dma_wait3A_102 = arith.constant 0 : i32
      %dma_wait3A_103 = arith.constant 0 : i32
      %dma_wait3A_104 = tpu.memref_slice %arg10[%dma_wait3A_102, %dma_wait3A_103] : memref<10064x128xf32, #tpu.memory_space<vmem_shared>> -> memref<10064x128xf32, #tpu.memory_space<vmem_shared>>
      tpu.wait_indirect_dma semaphore(%run_scoped3A_92 : memref<!tpu.dma_semaphore, #tpu.memory_space<semaphore_mem>>) src(%arg9 : memref<128x128xf32, #tpu.memory_space<vmem>>) dst(%dma_wait3A_104 : memref<10064x128xf32, #tpu.memory_space<vmem_shared>>)
      tpu.yield
    }) : () -> ()
    %barrier3A_79 = arith.constant 0 : index
    tpu.barrier barrier_id(%barrier3A_79)
    %mul3A_80 = arith.constant 624 : i32
    %mul3A_81 = arith.muli %arg1, %mul3A_80 : i32
    %mul3A_82 = arith.constant 10000 : i32
    %mul3A_83 = arith.muli %arg0, %mul3A_82 : i32
    %mul3A_84 = arith.constant 624 : i32
    %mul3A_85 = arith.muli %arg1, %mul3A_84 : i32
    %add3A_86 = arith.addi %mul3A_83, %mul3A_85 : i32
    "tpu.region"() ({
      %run_scoped3A_92 = tpu.sem_alloc : memref<!tpu.dma_semaphore, #tpu.memory_space<semaphore_mem>>
      %dma_start3A_93 = arith.constant 0 : i32
      %dma_start3A_94 = tpu.memref_slice %arg5[%add3A_86, %dma_start3A_93] : memref<20000x128xf32, #tpu.memory_space<hbm>> -> memref<624x128xf32, #tpu.memory_space<hbm>>
      %dma_start3A_95 = arith.constant 0 : i32
      %dma_start3A_96 = tpu.memref_slice %arg10[%mul3A_81, %dma_start3A_95] : memref<10064x128xf32, #tpu.memory_space<vmem_shared>> -> memref<624x128xf32, #tpu.memory_space<vmem_shared>>
      tpu.enqueue_dma source(%dma_start3A_96 : memref<624x128xf32, #tpu.memory_space<vmem_shared>>) target(%dma_start3A_94 : memref<624x128xf32, #tpu.memory_space<hbm>>) target_semaphore(%run_scoped3A_92 : memref<!tpu.dma_semaphore, #tpu.memory_space<semaphore_mem>>)
      %dma_wait3A_97 = arith.constant 0 : i32
      %dma_wait3A_98 = tpu.memref_slice %arg5[%add3A_86, %dma_wait3A_97] : memref<20000x128xf32, #tpu.memory_space<hbm>> -> memref<624x128xf32, #tpu.memory_space<hbm>>
      %dma_wait3A_99 = arith.constant 0 : i32
      %dma_wait3A_100 = tpu.memref_slice %arg10[%mul3A_81, %dma_wait3A_99] : memref<10064x128xf32, #tpu.memory_space<vmem_shared>> -> memref<624x128xf32, #tpu.memory_space<vmem_shared>>
      tpu.wait_dma2 semaphore(%run_scoped3A_92 : memref<!tpu.dma_semaphore, #tpu.memory_space<semaphore_mem>>) src(%dma_wait3A_100 : memref<624x128xf32, #tpu.memory_space<vmem_shared>>) dst(%dma_wait3A_98 : memref<624x128xf32, #tpu.memory_space<hbm>>)
      tpu.yield
    }) : () -> ()
    %eq3A_87 = arith.constant 15 : i32
    %eq3A_88 = arith.cmpi eq, %arg1, %eq3A_87 : i32
    %convert_element_type3A_89 = arith.extui %eq3A_88 : i1 to i32
    %cond3A_90 = arith.constant 0 : i32
    %cond3A_91 = arith.cmpi ne, %convert_element_type3A_89, %cond3A_90 : i32
    scf.if %cond3A_91 {
      %mul3A_92 = arith.constant 10000 : i32
      %mul3A_93 = arith.muli %arg0, %mul3A_92 : i32
      %add3A_94 = arith.constant 9984 : i32
      %add3A_95 = arith.addi %mul3A_93, %add3A_94 : i32
      "tpu.region"() ({
        %run_scoped3A_96 = tpu.sem_alloc : memref<!tpu.dma_semaphore, #tpu.memory_space<semaphore_mem>>
        %dma_start3A_97 = arith.constant 0 : i32
        %dma_start3A_98 = tpu.memref_slice %arg5[%add3A_95, %dma_start3A_97] : memref<20000x128xf32, #tpu.memory_space<hbm>> -> memref<16x128xf32, #tpu.memory_space<hbm>>
        %dma_start3A_99 = arith.constant 9984 : i32
        %dma_start3A_100 = arith.constant 0 : i32
        %dma_start3A_101 = tpu.memref_slice %arg10[%dma_start3A_99, %dma_start3A_100] : memref<10064x128xf32, #tpu.memory_space<vmem_shared>> -> memref<16x128xf32, #tpu.memory_space<vmem_shared>>
        tpu.enqueue_dma source(%dma_start3A_101 : memref<16x128xf32, #tpu.memory_space<vmem_shared>>) target(%dma_start3A_98 : memref<16x128xf32, #tpu.memory_space<hbm>>) target_semaphore(%run_scoped3A_96 : memref<!tpu.dma_semaphore, #tpu.memory_space<semaphore_mem>>)
        %dma_wait3A_102 = arith.constant 0 : i32
        %dma_wait3A_103 = tpu.memref_slice %arg5[%add3A_95, %dma_wait3A_102] : memref<20000x128xf32, #tpu.memory_space<hbm>> -> memref<16x128xf32, #tpu.memory_space<hbm>>
        %dma_wait3A_104 = arith.constant 9984 : i32
        %dma_wait3A_105 = arith.constant 0 : i32
        %dma_wait3A_106 = tpu.memref_slice %arg10[%dma_wait3A_104, %dma_wait3A_105] : memref<10064x128xf32, #tpu.memory_space<vmem_shared>> -> memref<16x128xf32, #tpu.memory_space<vmem_shared>>
        tpu.wait_dma2 semaphore(%run_scoped3A_96 : memref<!tpu.dma_semaphore, #tpu.memory_space<semaphore_mem>>) src(%dma_wait3A_106 : memref<16x128xf32, #tpu.memory_space<vmem_shared>>) dst(%dma_wait3A_103 : memref<16x128xf32, #tpu.memory_space<hbm>>)
        tpu.yield
      }) : () -> ()
    } else {
    }
    return
  }
}

module attributes {stable_mosaic.version = 14 : i64} {
  func.func @_tc_layer_body(%arg0: memref<10000x128xf32, #tpu.memory_space<vmem>>, %arg1: memref<20000x128xf32, #tpu.memory_space<vmem>>, %arg2: memref<128x128xf32, #tpu.memory_space<vmem>>, %arg3: memref<1x128xf32, #tpu.memory_space<vmem>>, %arg4: memref<1x128xf32, #tpu.memory_space<vmem>>, %arg5: memref<1x128xf32, #tpu.memory_space<vmem>>, %arg6: memref<128x128xf32, #tpu.memory_space<vmem>>, %arg7: memref<1x128xf32, #tpu.memory_space<vmem>>, %arg8: memref<1x128xf32, #tpu.memory_space<vmem>>, %arg9: memref<1x128xf32, #tpu.memory_space<vmem>>, %arg10: memref<10000x128xf32, #tpu.memory_space<vmem>>) attributes {dimension_semantics = [], scalar_prefetch = 0 : i64, scratch_operands = 0 : i64, tpu.core_type = #tpu.core_type<tc>} {
    %get3A = arith.constant 0 : index
    %get3A_0 = arith.constant 0 : index
    %get3A_1 = vector.load %arg0[%get3A, %get3A_0] : memref<10000x128xf32, #tpu.memory_space<vmem>>, vector<10000x128xf32>
    %get3A_2 = arith.constant 0 : index
    %get3A_3 = arith.constant 0 : index
    %get3A_4 = vector.load %arg1[%get3A_2, %get3A_3] : memref<20000x128xf32, #tpu.memory_space<vmem>>, vector<10000x128xf32>
    %add3A = arith.addf %get3A_1, %get3A_4 : vector<10000x128xf32>
    %get3A_5 = arith.constant 10000 : index
    %get3A_6 = arith.constant 0 : index
    %get3A_7 = vector.load %arg1[%get3A_5, %get3A_6] : memref<20000x128xf32, #tpu.memory_space<vmem>>, vector<10000x128xf32>
    %add3A_8 = arith.addf %add3A, %get3A_7 : vector<10000x128xf32>
    %get3A_9 = arith.constant 0 : index
    %get3A_10 = arith.constant 0 : index
    %get3A_11 = vector.load %arg2[%get3A_9, %get3A_10] : memref<128x128xf32, #tpu.memory_space<vmem>>, vector<128x128xf32>
    %dot_general3A = arith.constant dense<0.000000e+00> : vector<10000x128xf32>
    %dot_general3A_12 = tpu.matmul %add3A_8, %get3A_11, %dot_general3A {dimension_numbers = #tpu.dot_dimension_numbers<[1], [1], [0], [0], [0, 0, 1, 0], [], []>, transpose_lhs_hint = false} : vector<10000x128xf32>, vector<128x128xf32>, vector<10000x128xf32> -> vector<10000x128xf32>
    %get3A_13 = arith.constant 0 : index
    %get3A_14 = arith.constant 0 : index
    %get3A_15 = vector.load %arg3[%get3A_13, %get3A_14] : memref<1x128xf32, #tpu.memory_space<vmem>>, vector<1x128xf32>
    %add3A_16 = vector.broadcast %get3A_15 : vector<1x128xf32> to vector<10000x128xf32>
    %add3A_17 = arith.addf %dot_general3A_12, %add3A_16 : vector<10000x128xf32>
    %get3A_18 = arith.constant 0 : index
    %get3A_19 = arith.constant 0 : index
    %get3A_20 = vector.load %arg4[%get3A_18, %get3A_19] : memref<1x128xf32, #tpu.memory_space<vmem>>, vector<1x128xf32>
    %get3A_21 = arith.constant 0 : index
    %get3A_22 = arith.constant 0 : index
    %get3A_23 = vector.load %arg5[%get3A_21, %get3A_22] : memref<1x128xf32, #tpu.memory_space<vmem>>, vector<1x128xf32>
    %reduce_sum3A = arith.constant dense<0.000000e+00> : vector<128xf32>
    %reduce_sum3A_24 = vector.multi_reduction <add>, %add3A_17, %reduce_sum3A [0] : vector<10000x128xf32> to vector<128xf32>
    %broadcast_in_dim3A = vector.shape_cast %reduce_sum3A_24 : vector<128xf32> to vector<1x128xf32>
    %div3A = arith.constant 1.000000e+04 : f32
    %div3A_25 = vector.broadcast %div3A : f32 to vector<1x128xf32>
    %div3A_26 = arith.divf %broadcast_in_dim3A, %div3A_25 : vector<1x128xf32>
    %sub3A = vector.broadcast %div3A_26 : vector<1x128xf32> to vector<10000x128xf32>
    %sub3A_27 = arith.subf %add3A_17, %sub3A : vector<10000x128xf32>
    %sub3A_28 = vector.broadcast %div3A_26 : vector<1x128xf32> to vector<10000x128xf32>
    %sub3A_29 = arith.subf %add3A_17, %sub3A_28 : vector<10000x128xf32>
    %mul3A = arith.mulf %sub3A_27, %sub3A_29 : vector<10000x128xf32>
    %reduce_sum3A_30 = arith.constant dense<0.000000e+00> : vector<128xf32>
    %reduce_sum3A_31 = vector.multi_reduction <add>, %mul3A, %reduce_sum3A_30 [0] : vector<10000x128xf32> to vector<128xf32>
    %broadcast_in_dim3A_32 = vector.shape_cast %reduce_sum3A_31 : vector<128xf32> to vector<1x128xf32>
    %div3A_33 = arith.constant 1.000000e+04 : f32
    %div3A_34 = vector.broadcast %div3A_33 : f32 to vector<1x128xf32>
    %div3A_35 = arith.divf %broadcast_in_dim3A_32, %div3A_34 : vector<1x128xf32>
    %sub3A_36 = vector.broadcast %div3A_26 : vector<1x128xf32> to vector<10000x128xf32>
    %sub3A_37 = arith.subf %add3A_17, %sub3A_36 : vector<10000x128xf32>
    %add3A_38 = arith.constant 9.99999974E-6 : f32
    %add3A_39 = vector.broadcast %add3A_38 : f32 to vector<1x128xf32>
    %add3A_40 = arith.addf %div3A_35, %add3A_39 : vector<1x128xf32>
    %rsqrt3A = math.rsqrt %add3A_40 : vector<1x128xf32>
    %mul3A_41 = vector.broadcast %rsqrt3A : vector<1x128xf32> to vector<10000x128xf32>
    %mul3A_42 = arith.mulf %sub3A_37, %mul3A_41 : vector<10000x128xf32>
    %mul3A_43 = vector.broadcast %get3A_20 : vector<1x128xf32> to vector<10000x128xf32>
    %mul3A_44 = arith.mulf %mul3A_42, %mul3A_43 : vector<10000x128xf32>
    %add3A_45 = vector.broadcast %get3A_23 : vector<1x128xf32> to vector<10000x128xf32>
    %add3A_46 = arith.addf %mul3A_44, %add3A_45 : vector<10000x128xf32>
    %max3A = arith.constant 0.000000e+00 : f32
    %max3A_47 = vector.broadcast %max3A : f32 to vector<10000x128xf32>
    %max3A_48 = arith.maximumf %add3A_46, %max3A_47 : vector<10000x128xf32>
    %get3A_49 = arith.constant 0 : index
    %get3A_50 = arith.constant 0 : index
    %get3A_51 = vector.load %arg6[%get3A_49, %get3A_50] : memref<128x128xf32, #tpu.memory_space<vmem>>, vector<128x128xf32>
    %dot_general3A_52 = arith.constant dense<0.000000e+00> : vector<10000x128xf32>
    %dot_general3A_53 = tpu.matmul %max3A_48, %get3A_51, %dot_general3A_52 {dimension_numbers = #tpu.dot_dimension_numbers<[1], [1], [0], [0], [0, 0, 1, 0], [], []>, transpose_lhs_hint = false} : vector<10000x128xf32>, vector<128x128xf32>, vector<10000x128xf32> -> vector<10000x128xf32>
    %get3A_54 = arith.constant 0 : index
    %get3A_55 = arith.constant 0 : index
    %get3A_56 = vector.load %arg7[%get3A_54, %get3A_55] : memref<1x128xf32, #tpu.memory_space<vmem>>, vector<1x128xf32>
    %add3A_57 = vector.broadcast %get3A_56 : vector<1x128xf32> to vector<10000x128xf32>
    %add3A_58 = arith.addf %dot_general3A_53, %add3A_57 : vector<10000x128xf32>
    %get3A_59 = arith.constant 0 : index
    %get3A_60 = arith.constant 0 : index
    %get3A_61 = vector.load %arg8[%get3A_59, %get3A_60] : memref<1x128xf32, #tpu.memory_space<vmem>>, vector<1x128xf32>
    %get3A_62 = arith.constant 0 : index
    %get3A_63 = arith.constant 0 : index
    %get3A_64 = vector.load %arg9[%get3A_62, %get3A_63] : memref<1x128xf32, #tpu.memory_space<vmem>>, vector<1x128xf32>
    %reduce_sum3A_65 = arith.constant dense<0.000000e+00> : vector<128xf32>
    %reduce_sum3A_66 = vector.multi_reduction <add>, %add3A_58, %reduce_sum3A_65 [0] : vector<10000x128xf32> to vector<128xf32>
    %broadcast_in_dim3A_67 = vector.shape_cast %reduce_sum3A_66 : vector<128xf32> to vector<1x128xf32>
    %div3A_68 = arith.constant 1.000000e+04 : f32
    %div3A_69 = vector.broadcast %div3A_68 : f32 to vector<1x128xf32>
    %div3A_70 = arith.divf %broadcast_in_dim3A_67, %div3A_69 : vector<1x128xf32>
    %sub3A_71 = vector.broadcast %div3A_70 : vector<1x128xf32> to vector<10000x128xf32>
    %sub3A_72 = arith.subf %add3A_58, %sub3A_71 : vector<10000x128xf32>
    %sub3A_73 = vector.broadcast %div3A_70 : vector<1x128xf32> to vector<10000x128xf32>
    %sub3A_74 = arith.subf %add3A_58, %sub3A_73 : vector<10000x128xf32>
    %mul3A_75 = arith.mulf %sub3A_72, %sub3A_74 : vector<10000x128xf32>
    %reduce_sum3A_76 = arith.constant dense<0.000000e+00> : vector<128xf32>
    %reduce_sum3A_77 = vector.multi_reduction <add>, %mul3A_75, %reduce_sum3A_76 [0] : vector<10000x128xf32> to vector<128xf32>
    %broadcast_in_dim3A_78 = vector.shape_cast %reduce_sum3A_77 : vector<128xf32> to vector<1x128xf32>
    %div3A_79 = arith.constant 1.000000e+04 : f32
    %div3A_80 = vector.broadcast %div3A_79 : f32 to vector<1x128xf32>
    %div3A_81 = arith.divf %broadcast_in_dim3A_78, %div3A_80 : vector<1x128xf32>
    %sub3A_82 = vector.broadcast %div3A_70 : vector<1x128xf32> to vector<10000x128xf32>
    %sub3A_83 = arith.subf %add3A_58, %sub3A_82 : vector<10000x128xf32>
    %add3A_84 = arith.constant 9.99999974E-6 : f32
    %add3A_85 = vector.broadcast %add3A_84 : f32 to vector<1x128xf32>
    %add3A_86 = arith.addf %div3A_81, %add3A_85 : vector<1x128xf32>
    %rsqrt3A_87 = math.rsqrt %add3A_86 : vector<1x128xf32>
    %mul3A_88 = vector.broadcast %rsqrt3A_87 : vector<1x128xf32> to vector<10000x128xf32>
    %mul3A_89 = arith.mulf %sub3A_83, %mul3A_88 : vector<10000x128xf32>
    %mul3A_90 = vector.broadcast %get3A_61 : vector<1x128xf32> to vector<10000x128xf32>
    %mul3A_91 = arith.mulf %mul3A_89, %mul3A_90 : vector<10000x128xf32>
    %add3A_92 = vector.broadcast %get3A_64 : vector<1x128xf32> to vector<10000x128xf32>
    %add3A_93 = arith.addf %mul3A_91, %add3A_92 : vector<10000x128xf32>
    %max3A_94 = arith.constant 0.000000e+00 : f32
    %max3A_95 = vector.broadcast %max3A_94 : f32 to vector<10000x128xf32>
    %max3A_96 = arith.maximumf %add3A_93, %max3A_95 : vector<10000x128xf32>
    %swap3A = arith.constant 0 : index
    %swap3A_97 = arith.constant 0 : index
    %swap3A_98 = vector.load %arg10[%swap3A, %swap3A_97] : memref<10000x128xf32, #tpu.memory_space<vmem>>, vector<10000x128xf32>
    tpu.vector_store %arg10[%swap3A, %swap3A_97], %max3A_96 {strides = array<i32>} : memref<10000x128xf32, #tpu.memory_space<vmem>>, vector<10000x128xf32>,
    return
  }
}

module attributes {stable_mosaic.version = 14 : i64} {
  func.func @_tc_layer_body(%arg0: memref<10000x128xf32, #tpu.memory_space<vmem>>, %arg1: memref<20000x128xf32, #tpu.memory_space<vmem>>, %arg2: memref<128x128xf32, #tpu.memory_space<vmem>>, %arg3: memref<1x128xf32, #tpu.memory_space<vmem>>, %arg4: memref<1x128xf32, #tpu.memory_space<vmem>>, %arg5: memref<1x128xf32, #tpu.memory_space<vmem>>, %arg6: memref<128x128xf32, #tpu.memory_space<vmem>>, %arg7: memref<1x128xf32, #tpu.memory_space<vmem>>, %arg8: memref<1x128xf32, #tpu.memory_space<vmem>>, %arg9: memref<1x128xf32, #tpu.memory_space<vmem>>, %arg10: memref<10000x128xf32, #tpu.memory_space<vmem>>) attributes {dimension_semantics = [], scalar_prefetch = 0 : i64, scratch_operands = 0 : i64, tpu.core_type = #tpu.core_type<tc>} {
    %get3A = arith.constant 0 : index
    %get3A_0 = arith.constant 0 : index
    %get3A_1 = vector.load %arg0[%get3A, %get3A_0] : memref<10000x128xf32, #tpu.memory_space<vmem>>, vector<10000x128xf32>
    %get3A_2 = arith.constant 0 : index
    %get3A_3 = arith.constant 0 : index
    %get3A_4 = vector.load %arg1[%get3A_2, %get3A_3] : memref<20000x128xf32, #tpu.memory_space<vmem>>, vector<10000x128xf32>
    %add3A = arith.addf %get3A_1, %get3A_4 : vector<10000x128xf32>
    %get3A_5 = arith.constant 10000 : index
    %get3A_6 = arith.constant 0 : index
    %get3A_7 = vector.load %arg1[%get3A_5, %get3A_6] : memref<20000x128xf32, #tpu.memory_space<vmem>>, vector<10000x128xf32>
    %add3A_8 = arith.addf %add3A, %get3A_7 : vector<10000x128xf32>
    %get3A_9 = arith.constant 0 : index
    %get3A_10 = arith.constant 0 : index
    %get3A_11 = vector.load %arg2[%get3A_9, %get3A_10] : memref<128x128xf32, #tpu.memory_space<vmem>>, vector<128x128xf32>
    %dot_general3A = arith.constant dense<0.000000e+00> : vector<10000x128xf32>
    %dot_general3A_12 = tpu.matmul %add3A_8, %get3A_11, %dot_general3A {dimension_numbers = #tpu.dot_dimension_numbers<[1], [1], [0], [0], [0, 0, 1, 0], [], []>, transpose_lhs_hint = false} : vector<10000x128xf32>, vector<128x128xf32>, vector<10000x128xf32> -> vector<10000x128xf32>
    %get3A_13 = arith.constant 0 : index
    %get3A_14 = arith.constant 0 : index
    %get3A_15 = vector.load %arg3[%get3A_13, %get3A_14] : memref<1x128xf32, #tpu.memory_space<vmem>>, vector<1x128xf32>
    %add3A_16 = vector.broadcast %get3A_15 : vector<1x128xf32> to vector<10000x128xf32>
    %add3A_17 = arith.addf %dot_general3A_12, %add3A_16 : vector<10000x128xf32>
    %get3A_18 = arith.constant 0 : index
    %get3A_19 = arith.constant 0 : index
    %get3A_20 = vector.load %arg4[%get3A_18, %get3A_19] : memref<1x128xf32, #tpu.memory_space<vmem>>, vector<1x128xf32>
    %get3A_21 = arith.constant 0 : index
    %get3A_22 = arith.constant 0 : index
    %get3A_23 = vector.load %arg5[%get3A_21, %get3A_22] : memref<1x128xf32, #tpu.memory_space<vmem>>, vector<1x128xf32>
    %reduce_sum3A = arith.constant dense<0.000000e+00> : vector<128xf32>
    %reduce_sum3A_24 = vector.multi_reduction <add>, %add3A_17, %reduce_sum3A [0] : vector<10000x128xf32> to vector<128xf32>
    %broadcast_in_dim3A = vector.shape_cast %reduce_sum3A_24 : vector<128xf32> to vector<1x128xf32>
    %div3A = arith.constant 1.000000e+04 : f32
    %div3A_25 = vector.broadcast %div3A : f32 to vector<1x128xf32>
    %div3A_26 = arith.divf %broadcast_in_dim3A, %div3A_25 : vector<1x128xf32>
    %sub3A = vector.broadcast %div3A_26 : vector<1x128xf32> to vector<10000x128xf32>
    %sub3A_27 = arith.subf %add3A_17, %sub3A : vector<10000x128xf32>
    %sub3A_28 = vector.broadcast %div3A_26 : vector<1x128xf32> to vector<10000x128xf32>
    %sub3A_29 = arith.subf %add3A_17, %sub3A_28 : vector<10000x128xf32>
    %mul3A = arith.mulf %sub3A_27, %sub3A_29 : vector<10000x128xf32>
    %reduce_sum3A_30 = arith.constant dense<0.000000e+00> : vector<128xf32>
    %reduce_sum3A_31 = vector.multi_reduction <add>, %mul3A, %reduce_sum3A_30 [0] : vector<10000x128xf32> to vector<128xf32>
    %broadcast_in_dim3A_32 = vector.shape_cast %reduce_sum3A_31 : vector<128xf32> to vector<1x128xf32>
    %div3A_33 = arith.constant 1.000000e+04 : f32
    %div3A_34 = vector.broadcast %div3A_33 : f32 to vector<1x128xf32>
    %div3A_35 = arith.divf %broadcast_in_dim3A_32, %div3A_34 : vector<1x128xf32>
    %sub3A_36 = vector.broadcast %div3A_26 : vector<1x128xf32> to vector<10000x128xf32>
    %sub3A_37 = arith.subf %add3A_17, %sub3A_36 : vector<10000x128xf32>
    %add3A_38 = arith.constant 9.99999974E-6 : f32
    %add3A_39 = vector.broadcast %add3A_38 : f32 to vector<1x128xf32>
    %add3A_40 = arith.addf %div3A_35, %add3A_39 : vector<1x128xf32>
    %rsqrt3A = math.rsqrt %add3A_40 : vector<1x128xf32>
    %mul3A_41 = vector.broadcast %rsqrt3A : vector<1x128xf32> to vector<10000x128xf32>
    %mul3A_42 = arith.mulf %sub3A_37, %mul3A_41 : vector<10000x128xf32>
    %mul3A_43 = vector.broadcast %get3A_20 : vector<1x128xf32> to vector<10000x128xf32>
    %mul3A_44 = arith.mulf %mul3A_42, %mul3A_43 : vector<10000x128xf32>
    %add3A_45 = vector.broadcast %get3A_23 : vector<1x128xf32> to vector<10000x128xf32>
    %add3A_46 = arith.addf %mul3A_44, %add3A_45 : vector<10000x128xf32>
    %max3A = arith.constant 0.000000e+00 : f32
    %max3A_47 = vector.broadcast %max3A : f32 to vector<10000x128xf32>
    %max3A_48 = arith.maximumf %add3A_46, %max3A_47 : vector<10000x128xf32>
    %get3A_49 = arith.constant 0 : index
    %get3A_50 = arith.constant 0 : index
    %get3A_51 = vector.load %arg6[%get3A_49, %get3A_50] : memref<128x128xf32, #tpu.memory_space<vmem>>, vector<128x128xf32>
    %dot_general3A_52 = arith.constant dense<0.000000e+00> : vector<10000x128xf32>
    %dot_general3A_53 = tpu.matmul %max3A_48, %get3A_51, %dot_general3A_52 {dimension_numbers = #tpu.dot_dimension_numbers<[1], [1], [0], [0], [0, 0, 1, 0], [], []>, transpose_lhs_hint = false} : vector<10000x128xf32>, vector<128x128xf32>, vector<10000x128xf32> -> vector<10000x128xf32>
    %get3A_54 = arith.constant 0 : index
    %get3A_55 = arith.constant 0 : index
    %get3A_56 = vector.load %arg7[%get3A_54, %get3A_55] : memref<1x128xf32, #tpu.memory_space<vmem>>, vector<1x128xf32>
    %add3A_57 = vector.broadcast %get3A_56 : vector<1x128xf32> to vector<10000x128xf32>
    %add3A_58 = arith.addf %dot_general3A_53, %add3A_57 : vector<10000x128xf32>
    %mul3A_59 = arith.mulf %add3A_58, %add3A_58 : vector<10000x128xf32>
    %reduce_sum3A_60 = arith.constant dense<0.000000e+00> : vector<10000xf32>
    %reduce_sum3A_61 = vector.multi_reduction <add>, %mul3A_59, %reduce_sum3A_60 [1] : vector<10000x128xf32> to vector<10000xf32>
    %broadcast_in_dim3A_62 = vector.shape_cast %reduce_sum3A_61 : vector<10000xf32> to vector<10000x1xf32>
    %sqrt3A = math.sqrt %broadcast_in_dim3A_62 : vector<10000x1xf32>
    %max3A_63 = arith.constant 9.99999996E-13 : f32
    %max3A_64 = vector.broadcast %max3A_63 : f32 to vector<10000x1xf32>
    %max3A_65 = arith.maximumf %sqrt3A, %max3A_64 : vector<10000x1xf32>
    %div3A_66 = vector.broadcast %max3A_65 : vector<10000x1xf32> to vector<10000x128xf32>
    %div3A_67 = arith.divf %add3A_58, %div3A_66 : vector<10000x128xf32>
    %swap3A = arith.constant 0 : index
    %swap3A_68 = arith.constant 0 : index
    %swap3A_69 = vector.load %arg10[%swap3A, %swap3A_68] : memref<10000x128xf32, #tpu.memory_space<vmem>>, vector<10000x128xf32>
    tpu.vector_store %arg10[%swap3A, %swap3A_68], %div3A_67 {strides = array<i32>} : memref<10000x128xf32, #tpu.memory_space<vmem>>, vector<10000x128xf32>,
    return
  }
}

</mosaic_0001>

<sc_bundles>
// kernel: kernel.11.cloned.1.call-start
scs
__scs_entry_jumppad:
0x0: {  	(pc) =	sbr.rel $0x88, $3  }
0x1: {  	(tag) =	ssettag $0x0;
	lr =	simm.s32 $0x1  }
0x2: {  	[smem:$0x3F89] =	sst lr;
	_ =	strace $0xD0000000  }
0x3: {  	_ = 	snop  }
0x4: {  	_ = 	snop  }
0x5: {  	_ = 	snop  }
0x6: {  	_ = 	snop  }
0x7: {  	_ = 	snop  }
__scs_overlays_trampoline_lowered:
0x8: {  	[smem:$0x3F98] =	sst s0  }
0x9: {  	[smem:$0x3F99] =	sst s1  }
0xa: {  	[smem:$0x3F9A] =	sst s2  }
0xb: {  	[smem:$0x3F9B] =	sst s3  }
0xc: {  	[smem:$0x3F9C] =	sst s4  }
0xd: {  	[smem:$0x3F9D] =	sst s5  }
0xe: {  	[smem:$0x3F9E] =	sst s6  }
0xf: {  	[smem:$0x3F9F] =	sst s7  }
0x10: {  	[smem:$0x3FA0] =	sst s8  }
0x11: {  	[smem:$0x3FA1] =	sst s9;
	s0 =	simm.s32 @!p0 $0x0  }
0x12: {  	s1 =	sld [smem:$0x3F87];
	s0 =	simm.s32 @p0 $0x1  }
0x13: {  	[smem:$0x3FA2] =	sst s0;
	s0 =	simm.s32 @!p1 $0x0  }
0x14: {  	s2 =	sld [smem:$0x3F86];
	s0 =	simm.s32 @p1 $0x1  }
0x15: {  	[smem:$0x3FA3] =	sst s0;
	s0 =	simm.s32 @!p2 $0x0  }
0x16: {  	s3 =	sld [smem:$0x3FDB];
	s0 =	simm.s32 @p2 $0x1  }
0x17: {  	s4 =	simm.s32 $0x1BF5;
	[smem:$0x3FA5] =	sst s0  }
0x18: {  	s0 =	sld [smem:$0x3F88];
	_ =	swait.ge [sflag:s4], $0x0  }
0x19: {  	s7 =	sld [smem:$0x3F89]  }
0x1a: {  	s8 =	sadd.s32 $0xFFFFE003, lr  }
0x1b: {  	s9 =	sadd.s32 $0xFFFFFEF7, lr;
	s5 =	simm.s32 $0xFFFFFFFF;
	p2 =	slt.u32 s8, $0xFFFFF086  }
0x1c: {  	p1 =	slt.u32 s9, $0xF7A;
	s5 =	simm.s32 @!p2 $0x0  }
0x1d: {  	s5 =	simm.s32 @p1 $0x1;
	p0 =	seq.s32 s7, s2  }
0x1e: {  	s7 =	smul.u32 @!p0 $0xF7A, s2;
	p2 =	seq.s32 @!p0 s5, $0x0  }
0x1f: {  	s9 =	smul.u32 $0xF7A, s1;
	s8 =	simm.s32 @!p0 $0x1BF5;
	p2 =	por !p2, p0  }
0x20: {  	[sflag:s8] =	ssyncset.s32 @!p0 $0xFFFFF086;
	s6 =	sadd.s32 @!p0 s3, s7;
	s7 =	simm.s32 @!p0 $0x108  }
0x21: {  	s3 =	sadd.s32 s3, s9;
	s6 =	sadd.s32 @!p0 $0x88, s6;
	s7 =	simm.s32 @p2 $0x1082  }
0x22: {  	[simem:s7], [sflag:s8] =	dma.local @!p0 [hbm:s6], $0xF7A  }
0x23: {  	s9 =	sor.u32 $0xD0000000, s2;
	s6 =	simm.s32 $0x108;
	_ =	swait.ge @!p0 [sflag:s8], $0x0  }
0x24: {  	s3 =	sadd.s32 $0x88, s3;
	s6 =	simm.s32 @!p1 $0x1082;
	[sflag:s4] =	ssyncset.s32 $0xFFFFF086  }
0x25: {  	[simem:s6], [sflag:s4] =	dma.local [hbm:s3], $0xF7A  }
0x26: {  	[smem:$0x3F89] =	sst s1;
	(tag) =	ssettag s2;
	_ =	strace s9  }
0x27: {  	s1 =	sld [smem:$0x3F99]  }
0x28: {  	s2 =	sld [smem:$0x3F9A]  }
0x29: {  	s4 =	sld [smem:$0x3F9C]  }
0x2a: {  	p0 =	seq.s32 s5, $0x0;
	s5 =	sld [smem:$0x3F9D]  }
0x2b: {  	s6 =	sld [smem:$0x3F9E]  }
0x2c: {  	s7 =	sld [smem:$0x3F9F]  }
0x2d: {  	s3 =	simm.s32 $0x108;
	s8 =	sld [smem:$0x3FA0]  }
0x2e: {  	s3 =	simm.s32 @!p0 $0x1082;
	s9 =	sld [smem:$0x3FA1]  }
0x2f: {  	lr =	sadd.s32 s0, s3;
	s0 =	sld [smem:$0x3F98]  }
0x30: {  	s3 =	sld [smem:$0x3F9B]  }
0x31: {  	[smem:$0x3FA4] =	sst s10  }
0x32: {  	s10 =	sld [smem:$0x3FA2];
	_ =	sdelay $0x3  }
0x33: {  	p0 =	seq.s32 s10, $0x1;
	s10 =	sld [smem:$0x3FA4];
	_ =	sdelay $0x3  }
0x34: {  	[smem:$0x3FA4] =	sst s10  }
0x35: {  	s10 =	sld [smem:$0x3FA3];
	_ =	sdelay $0x3  }
0x36: {  	p1 =	seq.s32 s10, $0x1;
	s10 =	sld [smem:$0x3FA4];
	_ =	sdelay $0x3  }
0x37: {  	[smem:$0x3FA4] =	sst s10  }
0x38: {  	s10 =	sld [smem:$0x3FA5]  }
0x39: {  	_ = 	snop;
	(pc) =	sbr.ind lr, $3  }
0x3a: {  	_ = 	snop  }
0x3b: {  	_ = 	snop  }
0x3c: {  	p2 =	seq.s32 s10, $0x1;
	s10 =	sld [smem:$0x3FA4]  }
0x3d: {  	_ =	shalt  }
0x3e: {  	_ =	shalt  }
0x3f: {  	_ =	shalt  }
0x40: {  	_ =	shalt  }
0x41: {  	_ =	shalt  }
0x42: {  	_ =	shalt  }
0x43: {  	_ =	shalt  }
0x44: {  	_ =	shalt  }
0x45: {  	_ =	shalt  }
0x46: {  	_ =	shalt  }
0x47: {  	_ =	shalt  }
0x48: {  	_ =	shalt  }
0x49: {  	_ =	shalt  }
0x4a: {  	_ =	shalt  }
0x4b: {  	_ =	shalt  }
0x4c: {  	_ =	shalt  }
0x4d: {  	_ =	shalt  }
0x4e: {  	_ =	shalt  }
0x4f: {  	_ =	shalt  }
0x50: {  	_ =	shalt  }
0x51: {  	_ =	shalt  }
0x52: {  	_ =	shalt  }
0x53: {  	_ =	shalt  }
0x54: {  	_ =	shalt  }
0x55: {  	_ =	shalt  }
0x56: {  	_ =	shalt  }
0x57: {  	_ =	shalt  }
0x58: {  	_ =	shalt  }
0x59: {  	_ =	shalt  }
0x5a: {  	_ =	shalt  }
0x5b: {  	_ =	shalt  }
0x5c: {  	_ =	shalt  }
0x5d: {  	_ =	shalt  }
0x5e: {  	_ =	shalt  }
0x5f: {  	_ =	shalt  }
0x60: {  	_ =	shalt  }
0x61: {  	_ =	shalt  }
0x62: {  	_ =	shalt  }
0x63: {  	_ =	shalt  }
0x64: {  	_ =	shalt  }
0x65: {  	_ =	shalt  }
0x66: {  	_ =	shalt  }
0x67: {  	_ =	shalt  }
0x68: {  	_ =	shalt  }
0x69: {  	_ =	shalt  }
0x6a: {  	_ =	shalt  }
0x6b: {  	_ =	shalt  }
0x6c: {  	_ =	shalt  }
0x6d: {  	_ =	shalt  }
0x6e: {  	_ =	shalt  }
0x6f: {  	_ =	shalt  }
0x70: {  	_ =	shalt  }
0x71: {  	_ =	shalt  }
0x72: {  	_ =	shalt  }
0x73: {  	_ =	shalt  }
0x74: {  	_ =	shalt  }
0x75: {  	_ =	shalt  }
0x76: {  	_ =	shalt  }
0x77: {  	_ =	shalt  }
0x78: {  	_ =	shalt  }
0x79: {  	_ =	shalt  }
0x7a: {  	_ =	shalt  }
0x7b: {  	_ =	shalt  }
0x7c: {  	_ =	shalt  }
0x7d: {  	_ =	shalt  }
0x7e: {  	_ =	shalt  }
0x7f: {  	_ =	shalt  }
0x80: {  	_ =	shalt  }
0x81: {  	_ =	shalt  }
0x82: {  	_ =	shalt  }
0x83: {  	_ =	shalt  }
0x84: {  	_ =	shalt  }
0x85: {  	_ =	shalt  }
0x86: {  	_ =	shalt  }
0x87: {  	_ =	shalt  }
.Lfunc_end0:
.L_simem_size_0:
called_computation.1_lowered:
.L_overlay_start_0:
0x88: {  	s2 =	sld [smem:$0x3FD9]  }
0x89: {  	s3 =	sld [smem:$0x3FFE];
	_ =	sdelay $0x1  }
0x8a: {  	s1 =	srdreg.scid  }
0x8b: {  	s0 =	sand.u32 $0x1, s1  }
0x8c: {  	s17 =	sshll.u32 s0, $0xA;
	s2 =	sadd.s32 s3, s2  }
0x8d: {  	s2 =	sadd.s32 s2, s17  }
0x8e: {  	[smem:$0x3FB0] =	sst s2  }
0x8f: {  	_ = 	snop  }
0x90: {  	s2 =	sld [smem:$0x3FD0];
	(tm) =	ssettm $0x1  }
0x91: {  	s18 =	sld [smem:$0x3FFB];
	_ =	sdelay $0x3  }
0x92: {  	_ =	strace s18  }
0x93: {  	s3 =	sld [smem:$0x3FFC];
	_ =	sdelay $0x3  }
0x94: {  	_ =	strace s3  }
0x95: {  	s3 =	sld [smem:$0x3FFD];
	_ =	sdelay $0x3  }
0x96: {  	_ =	strace s3  }
0x97: {  	_ =	strace $0x8FFFFFFF  }
0x98: {  	s19 =	sld [smem:$0x3FDB];
	_ =	sdelay $0x1  }
0x99: {  	s4 =	simm.s32 $_scs_section_size  }
0x9a: {  	s5 =	simm.s32 $_size__tile_overlayer_lowered;
	s6 =	simm.s32 $_tile_overlayer_lowered  }
0x9b: {  	s22 =	simm.s32 $0x1BFF;
	s21 =	sshll.u32 s6, $0x1;
	s3 =	sadd.s32 s4, s19  }
0x9c: {  	s7 =	simm.s32 $0x0;
	s20 =	sshll.u32 s5, $0x1;
	s5 =	sadd.s32 s21, s3  }
0x9d: {  	[timem:s7], [sflag:s22] =	dma.local [hbm:s5], s20  }
0x9e: {  	_ =	swait.ge [sflag:s22], s20  }
0x9f: {  	s4 =	ssub.s32 $0x0, s20;
	[sflag:s22] =	ssyncset.done $0x0  }
0xa0: {  	[sflag:s22] =	ssyncadd.s32 s4;
	_ =	sdelay $0x1  }
0xa1: {  	s23 =	simm.s32 $0x1B8B  }
0xa2: {  	_ =	swait.ge [sflag:s23], $0x1  }
0xa3: {  	[sflag:s23] =	ssyncset.done $0x0  }
0xa4: {  	s25 =	simm.s32 $0x1B8E;
	s24 =	sld [smem:$0x3FFE];
	[sflag:s23] =	ssyncadd.s32 $0xFFFFFFFF  }
0xa5: {  	s26 =	simm.s32 $execute0_lowered;
	[smem:$0x3FD2] =	sst s25  }
0xa6: {  	s5 =	sshll.u32 s26, $0x1;
	_ =	strace $0x80000049;
	[dreg:$0x1] =	wrdreg $0xFFFFFFFF  }
0xa7: {  	s28 =	simm.s32 $_size_execute0_lowered;
	s3 =	sadd.s32 s3, s5;
	[dreg:$0x0] =	wrdreg $0x0  }
0xa8: {  	s5 =	sshll.u32 s28, $0x1;
	[dreg:$0x2] =	wrdreg s3  }
0xa9: {  	[dreg:$0x3] =	wrdreg s5  }
0xaa: {  	[dreg:$0x4] =	wrdreg $0xC0  }
0xab: {  	_ =	task [dreg:s7], $0x5FFFF  }
0xac: {  	[dreg:$0x1] =	wrdreg $0xFFFFFFFF  }
0xad: {  	[dreg:$0x0] =	wrdreg $0x60  }
0xae: {  	[dreg:$0x2] =	wrdreg s2  }
0xaf: {  	[dreg:$0x3] =	wrdreg s24  }
0xb0: {  	[dreg:$0x4] =	wrdreg $0xA8000  }
0xb1: {  	[dreg:$0x5] =	wrdreg $0x9  }
0xb2: {  	_ =	task.clear_ibuf [dreg:s7], $0x6FFFF;
	_ =	strace $0x90000049  }
0xb3: {  	s29 =	simm.s32 $0x9;
	_ =	strace $0x8000004B  }
0xb4: {  	_ =	swait.ge [sflag:s29], $0x1  }
0xb5: {  	[sflag:s29] =	ssyncadd.s32 $0xFFFFFFFF  }
0xb6: {  	_ =	strace $0x9000004B  }
0xb7: {  	_ =	sfence  }
0xb8: {  	s30 =	sld [smem:$0x0];
	_ =	sdelay $0x2  }
0xb9: {  	s31 =	sshll.u32 s1, $0xD;
	s1 =	sshrl.u32 s1, $0x2  }
0xba: {  	s3 =	sand.u32 $0x4000, s31;
	s1 =	sadd.s32 s1, s30  }
0xbb: {  	s0 =	sor.u32 s3, s0;
	s1 =	sshll.u32 s1, $0x11  }
0xbc: {  	s0 =	sor.u32 s1, s0  }
0xbd: {  	s0 =	sadd.s32 $0x8F2B, s0  }
0xbe: {  	[sflag:s0] =	ssyncadd.remote.s32 $0x1  }
0xbf: {  	_ =	sfence.sel $0xFFFF  }
0xc0: {  	[dreg:$0x0] =	wrdreg $0xFFFFFFFF;
	(pc) =	sbr.abs _section_cstart, $3  }
0xc1: {  	[dreg:$0x1] =	wrdreg $0xFFFFFFFF  }
0xc2: {  	_ =	task.clear_ibuf [dreg:s7], $0x2FFFF;
	_ =	strace $0x9FFFFFFF  }
0xc3: {  	(tm) =	ssettm $0x7FFFFFFF  }
tec
execute0_lowered:
.L_overlay_start_1:
0x0: {  	(tag) =	ssettag $0x1  }
0x1: {  	s1 =	rddreg [dreg:$0x0]  }
0x2: {  	s6 =	rddreg [dreg:$0x1]  }
0x3: {  	s0 =	srdreg.scid;
	s3 =	rddreg [dreg:$0x2]  }
0x4: {  	s4 =	simm.s32 $0x0;
	s15 =	simm.s32 $0x80;
	s16 =	simm.s32 $0x2800  }
0x5: {  	s17 =	simm.s32 $0x6800;
	s21 =	simm.s32 $0x1;
	s22 =	simm.s32 $0x2  }
0x6: {  	s23 =	simm.s32 $0x2700;
	s8 =	sand.u32 $0x1, s0;
	s0 =	stileid.u32  }
0x7: {  	s24 =	simm.s32 $0x2780;
	s25 =	simm.s32 $0x0;
	s11 =	smul.u32 $0x4E000, s0  }
0x8: {  	[smem:$0x7FF] =	sst s4;
	s12 =	sadd.s32 $0x1B000, s6;
	s29 =	smul.u32 $0x2700, s0  }
0x9: {  	s20 =	sadd.s32 $0x138000, s3;
	s2 =	sshll.u32 s8, $0x4;
	s14 =	smul.u32 $0x138800, s8  }
0xa: {  	s7 =	ssub.s32 $0x2, s8;
	s30 =	smul.u32 $0x27100, s8;
	p0 =	sne.s32 s0, $0xF  }
0xb: {  	s18 =	sshll.u32 s0, $0x6;
	s2 =	sor.u32 s0, s2;
	s10 =	sshrl.u32 s7, $0x1  }
0xc: {  	s18 =	sor.u32 $0x1C03, s18;
	s20 =	sshrl.u32 @!p0 s20, $0x3;
	s5 =	smul.u32 $0x2800, s2  }
0xd: {  	s2 =	rddreg [dreg:$0x3];
	_ =	strace $0x8000004A;
	s13 =	ssub.s32 s7, s10  }
0xe: {  	s11 =	sshrl.u32 s11, $0x2;
	s14 =	sshrl.u32 s14, $0x3;
	s10 =	sadd.s32 s29, s30  }
0xf: {  	s19 =	sadd.s32 s11, s3;
	s31 =	sadd.s32 s12, s14;
	s10 =	sadd.s32 s12, s10  }
0x10: {  	s12 =	smax.u32 s13, $0x1;
	s13 =	simm.s32 $0x3;
	s5 =	sshrl.u32 s5, $0x3  }
0x11: {  	s14 =	simm.s32 $0x1400;
	s11 =	sadd.s32 $0x27000, s31;
	s9 =	sadd.s32 s5, s6  }
0x12: {  	s19 =	sshrl.u32 s19, $0x3;
	s5 =	sadd.s32 $0x18800, s6;
	s6 =	sadd.s32 $0x4800, s9  }
0x13: {  	s7 =	sadd.s32 $0xE800, s9;
	s8 =	sadd.s32 $0x4A80, s9;
	s9 =	sadd.s32 $0xEA80, s9  }
.LBB2_1:
0x14: {  	[tilespmem:s4], [sflag:$0x3] =	stream.linear.gather [hbm4b:s6+s4], $0x1400, $0x38;
	[tilespmem:$0x1E280] =	vst v63  }
0x15: {  	_ =	swait.ge [sflag:s13], $0x1400  }
0x16: {  	[sflag:s13] =	ssyncset.done $0x0  }
0x17: {  	[sflag:s13] =	ssyncadd.s32 $0xFFFFEC00  }
0x18: {  	[tilespmem:s14], [sflag:$0x3] =	stream.linear.gather [hbm4b:s7+s4], $0x1400, $0x38;
	[tilespmem:$0x1E280] =	vst v63  }
0x19: {  	_ =	swait.ge [sflag:s13], $0x1400  }
0x1a: {  	[sflag:s13] =	ssyncset.done $0x0  }
0x1b: {  	[sflag:s13] =	ssyncadd.s32 $0xFFFFEC00  }
0x1c: {  	[tilespmem:s16], [sflag:$0x1] =	stream.indirect.gather [hbm4b:s1+s15], $0x80, s4, s15, $0xb8;
	[tilespmem:$0x1E280] =	vst v63  }
0x1d: {  	_ = 	snop  }
0x1e: {  	[tilespmem:s17], [sflag:$0x2] =	stream.indirect.gather [hbm4b:s1+s15], $0x80, s15, s15, $0xb8;
	[tilespmem:$0x1E280] =	vst v63  }
0x1f: {  	[spmem:s19], [sflag:s18] =	dma.local [hbm:s5], $0x2700  }
0x20: {  	_ =	swait.ge [sflag:s13], $0x2700  }
0x21: {  	[sflag:s13] =	ssyncset.done $0x0  }
0x22: {  	s26 =	simm.s32 @!p0 $0x3;
	[sflag:s13] =	ssyncadd.s32 $0xFFFFD900  }
0x23: {  	[spmem:s20], [sflag:s18] =	dma.local @!p0 [hbm:s5], $0x500  }
0x24: {  	_ =	swait.ge @!p0 [sflag:s26], $0x500  }
0x25: {  	[sflag:s26] =	ssyncset.done @!p0 $0x0  }
0x26: {  	[sflag:s26] =	ssyncadd.s32 @!p0 $0xFFFFFB00  }
0x27: {  	[bflag:$0x0] =	sbarrier.arrive $0xFFFF  }
0x28: {  	_ =	swait.ge [sflag:s21], $0x4000  }
0x29: {  	[sflag:s21] =	ssyncset.done $0x0  }
0x2a: {  	s29 =	simm.s32 $0x1400;
	[sflag:s21] =	ssyncadd.s32 $0xFFFFC000  }
0x2b: {  	[spmem:s3] =	stream.indirect.scatter.add.f32 [tilespmem:s16], [sflag:$0x3], $0x80, s29, s15, $0xb8;
	[tilespmem:$0x1E280] =	vst v63  }
0x2c: {  	_ =	swait.ge [sflag:s13], $0x4000  }
0x2d: {  	[sflag:s13] =	ssyncset.done $0x0  }
0x2e: {  	s30 =	simm.s32 $0x100;
	[sflag:s13] =	ssyncadd.s32 $0xFFFFC000  }
0x2f: {  	[tilespmem:s16], [sflag:$0x1] =	stream.indirect.gather [hbm4b:s1+s15], $0x80, s30, s15, $0xb8;
	[tilespmem:$0x1E280] =	vst v63  }
0x30: {  	_ =	swait.ge [sflag:s22], $0x4000  }
0x31: {  	[sflag:s22] =	ssyncset.done $0x0  }
0x32: {  	s31 =	simm.s32 $0x1480;
	[sflag:s22] =	ssyncadd.s32 $0xFFFFC000  }
0x33: {  	[spmem:s3] =	stream.indirect.scatter.add.f32 [tilespmem:s17], [sflag:$0x3], $0x80, s31, s15, $0xb8;
	[tilespmem:$0x1E280] =	vst v63  }
0x34: {  	_ =	swait.ge [sflag:s13], $0x4000  }
0x35: {  	[sflag:s13] =	ssyncset.done $0x0  }
0x36: {  	s28 =	simm.s32 $0x180;
	s26 =	simm.s32 $0x400;
	[sflag:s13] =	ssyncadd.s32 $0xFFFFC000  }
.LBB2_2:
0x37: {  	[tilespmem:s17], [sflag:$0x2] =	stream.indirect.gather [hbm4b:s1+s15], $0x80, s28, s15, $0xb8;
	[tilespmem:$0x1E280] =	vst v63  }
0x38: {  	s28 =	smov.u32 s26  }
0x39: {  	p1 =	sne.s32 s26, $0x4800;
	s26 =	sadd.s32 $0x400, s26;
	_ =	swait.ge [sflag:s21], $0x4000  }
0x3a: {  	s28 =	sshra.s32 s28, $0x2;
	[sflag:s21] =	ssyncset.done $0x0  }
0x3b: {  	s29 =	sadd.s32 $0x1400, s28;
	[sflag:s21] =	ssyncadd.s32 $0xFFFFC000  }
0x3c: {  	[spmem:s3] =	stream.indirect.scatter.add.f32 [tilespmem:s16], [sflag:$0x3], $0x80, s29, s15, $0xb8;
	[tilespmem:$0x1E280] =	vst v63  }
0x3d: {  	_ =	swait.ge [sflag:s13], $0x4000  }
0x3e: {  	[sflag:s13] =	ssyncset.done $0x0  }
0x3f: {  	s29 =	sadd.s32 $0x100, s28;
	[sflag:s13] =	ssyncadd.s32 $0xFFFFC000  }
0x40: {  	[tilespmem:s16], [sflag:$0x1] =	stream.indirect.gather [hbm4b:s1+s15], $0x80, s29, s15, $0xb8;
	[tilespmem:$0x1E280] =	vst v63  }
0x41: {  	_ =	swait.ge [sflag:s22], $0x4000  }
0x42: {  	[sflag:s22] =	ssyncset.done $0x0  }
.Ltmp0:
0x43: {  	s29 =	sadd.s32 $0x1480, s28;
	[sflag:s22] =	ssyncadd.s32 $0xFFFFC000;
	(pc) =	sbr.rel @p1 .LBB2_2-.Ltmp0, $4  }
0x44: {  	[spmem:s3] =	stream.indirect.scatter.add.f32 [tilespmem:s17], [sflag:$0x3], $0x80, s29, s15, $0xb8;
	[tilespmem:$0x1E280] =	vst v63  }
0x45: {  	_ =	swait.ge [sflag:s13], $0x4000  }
0x46: {  	[sflag:s13] =	ssyncset.done $0x0  }
0x47: {  	s28 =	sadd.s32 $0x180, s28;
	[sflag:s13] =	ssyncadd.s32 $0xFFFFC000  }
0x48: {  	[tilespmem:s17], [sflag:$0x2] =	stream.indirect.gather [hbm4b:s1+s15], $0x80, s28, s15, $0xb8;
	[tilespmem:$0x1E280] =	vst v63  }
0x49: {  	_ =	swait.ge [sflag:s21], $0x4000  }
0x4a: {  	[sflag:s21] =	ssyncset.done $0x0  }
0x4b: {  	[sflag:s21] =	ssyncadd.s32 $0xFFFFC000  }
0x4c: {  	[spmem:s3] =	stream.indirect.scatter.add.f32 [tilespmem:s16], [sflag:$0x3], $0x80, s23, s15, $0xb8;
	[tilespmem:$0x1E280] =	vst v63  }
0x4d: {  	_ =	swait.ge [sflag:s13], $0x4000  }
0x4e: {  	[sflag:s13] =	ssyncset.done $0x0  }
0x4f: {  	[sflag:s13] =	ssyncadd.s32 $0xFFFFC000  }
0x50: {  	_ =	swait.ge [sflag:s22], $0x4000  }
0x51: {  	[sflag:s22] =	ssyncset.done $0x0  }
0x52: {  	[sflag:s22] =	ssyncadd.s32 $0xFFFFC000  }
0x53: {  	[spmem:s3] =	stream.indirect.scatter.add.f32 [tilespmem:s17], [sflag:$0x3], $0x80, s24, s15, $0xb8;
	[tilespmem:$0x1E280] =	vst v63  }
0x54: {  	_ =	swait.ge [sflag:s13], $0x4000  }
0x55: {  	[sflag:s13] =	ssyncset.done $0x0  }
0x56: {  	s26 =	simm.s32 $0x0;
	[sflag:s13] =	ssyncadd.s32 $0xFFFFC000  }
0x57: {  	[tilespmem:s26], [sflag:$0x3] =	stream.linear.gather [hbm4b:s8+s26], $0x1400, $0x38;
	[tilespmem:$0x1E280] =	vst v63  }
0x58: {  	_ =	swait.ge [sflag:s13], $0x1400  }
0x59: {  	[sflag:s13] =	ssyncset.done $0x0  }
0x5a: {  	[sflag:s13] =	ssyncadd.s32 $0xFFFFEC00  }
0x5b: {  	[tilespmem:s14], [sflag:$0x3] =	stream.linear.gather [hbm4b:s9+s26], $0x1400, $0x38;
	[tilespmem:$0x1E280] =	vst v63  }
0x5c: {  	_ =	swait.ge [sflag:s13], $0x1400  }
0x5d: {  	[sflag:s13] =	ssyncset.done $0x0  }
0x5e: {  	[sflag:s13] =	ssyncadd.s32 $0xFFFFEC00  }
0x5f: {  	[tilespmem:s16], [sflag:$0x1] =	stream.indirect.gather [hbm4b:s1+s15], $0x80, s26, s15, $0xb8;
	[tilespmem:$0x1E280] =	vst v63  }
0x60: {  	_ = 	snop  }
0x61: {  	[tilespmem:s17], [sflag:$0x2] =	stream.indirect.gather [hbm4b:s1+s15], $0x80, s15, s15, $0xb8;
	[tilespmem:$0x1E280] =	vst v63  }
0x62: {  	_ =	swait.ge [sflag:s21], $0x4000  }
0x63: {  	[sflag:s21] =	ssyncset.done $0x0  }
0x64: {  	s29 =	simm.s32 $0x1400;
	[sflag:s21] =	ssyncadd.s32 $0xFFFFC000  }
0x65: {  	[spmem:s3] =	stream.indirect.scatter.add.f32 [tilespmem:s16], [sflag:$0x3], $0x80, s29, s15, $0xb8;
	[tilespmem:$0x1E280] =	vst v63  }
0x66: {  	_ =	swait.ge [sflag:s13], $0x4000  }
0x67: {  	[sflag:s13] =	ssyncset.done $0x0  }
0x68: {  	s30 =	simm.s32 $0x100;
	[sflag:s13] =	ssyncadd.s32 $0xFFFFC000  }
0x69: {  	[tilespmem:s16], [sflag:$0x1] =	stream.indirect.gather [hbm4b:s1+s15], $0x80, s30, s15, $0xb8;
	[tilespmem:$0x1E280] =	vst v63  }
0x6a: {  	_ =	swait.ge [sflag:s22], $0x4000  }
0x6b: {  	[sflag:s22] =	ssyncset.done $0x0  }
0x6c: {  	s31 =	simm.s32 $0x1480;
	[sflag:s22] =	ssyncadd.s32 $0xFFFFC000  }
0x6d: {  	[spmem:s3] =	stream.indirect.scatter.add.f32 [tilespmem:s17], [sflag:$0x3], $0x80, s31, s15, $0xb8;
	[tilespmem:$0x1E280] =	vst v63  }
0x6e: {  	_ =	swait.ge [sflag:s13], $0x4000  }
0x6f: {  	[sflag:s13] =	ssyncset.done $0x0  }
0x70: {  	s28 =	simm.s32 $0x180;
	s26 =	simm.s32 $0x400;
	[sflag:s13] =	ssyncadd.s32 $0xFFFFC000  }
.LBB2_4:
0x71: {  	[tilespmem:s17], [sflag:$0x2] =	stream.indirect.gather [hbm4b:s1+s15], $0x80, s28, s15, $0xb8;
	[tilespmem:$0x1E280] =	vst v63  }
0x72: {  	s28 =	smov.u32 s26  }
0x73: {  	p1 =	sne.s32 s26, $0x4800;
	s26 =	sadd.s32 $0x400, s26;
	_ =	swait.ge [sflag:s21], $0x4000  }
0x74: {  	s28 =	sshra.s32 s28, $0x2;
	[sflag:s21] =	ssyncset.done $0x0  }
0x75: {  	s29 =	sadd.s32 $0x1400, s28;
	[sflag:s21] =	ssyncadd.s32 $0xFFFFC000  }
0x76: {  	[spmem:s3] =	stream.indirect.scatter.add.f32 [tilespmem:s16], [sflag:$0x3], $0x80, s29, s15, $0xb8;
	[tilespmem:$0x1E280] =	vst v63  }
0x77: {  	_ =	swait.ge [sflag:s13], $0x4000  }
0x78: {  	[sflag:s13] =	ssyncset.done $0x0  }
0x79: {  	s29 =	sadd.s32 $0x100, s28;
	[sflag:s13] =	ssyncadd.s32 $0xFFFFC000  }
0x7a: {  	[tilespmem:s16], [sflag:$0x1] =	stream.indirect.gather [hbm4b:s1+s15], $0x80, s29, s15, $0xb8;
	[tilespmem:$0x1E280] =	vst v63  }
0x7b: {  	_ =	swait.ge [sflag:s22], $0x4000  }
0x7c: {  	[sflag:s22] =	ssyncset.done $0x0  }
.Ltmp1:
0x7d: {  	s29 =	sadd.s32 $0x1480, s28;
	[sflag:s22] =	ssyncadd.s32 $0xFFFFC000;
	(pc) =	sbr.rel @p1 .LBB2_4-.Ltmp1, $4  }
0x7e: {  	[spmem:s3] =	stream.indirect.scatter.add.f32 [tilespmem:s17], [sflag:$0x3], $0x80, s29, s15, $0xb8;
	[tilespmem:$0x1E280] =	vst v63  }
0x7f: {  	_ =	swait.ge [sflag:s13], $0x4000  }
0x80: {  	[sflag:s13] =	ssyncset.done $0x0  }
0x81: {  	s28 =	sadd.s32 $0x180, s28;
	[sflag:s13] =	ssyncadd.s32 $0xFFFFC000  }
0x82: {  	[tilespmem:s17], [sflag:$0x2] =	stream.indirect.gather [hbm4b:s1+s15], $0x80, s28, s15, $0xb8;
	[tilespmem:$0x1E280] =	vst v63  }
0x83: {  	_ =	swait.ge [sflag:s21], $0x4000  }
0x84: {  	[sflag:s21] =	ssyncset.done $0x0  }
0x85: {  	[sflag:s21] =	ssyncadd.s32 $0xFFFFC000  }
0x86: {  	[spmem:s3] =	stream.indirect.scatter.add.f32 [tilespmem:s16], [sflag:$0x3], $0x80, s23, s15, $0xb8;
	[tilespmem:$0x1E280] =	vst v63  }
0x87: {  	_ =	swait.ge [sflag:s13], $0x4000  }
0x88: {  	[sflag:s13] =	ssyncset.done $0x0  }
0x89: {  	[sflag:s13] =	ssyncadd.s32 $0xFFFFC000  }
0x8a: {  	_ =	swait.ge [sflag:s22], $0x4000  }
0x8b: {  	[sflag:s22] =	ssyncset.done $0x0  }
0x8c: {  	[sflag:s22] =	ssyncadd.s32 $0xFFFFC000  }
0x8d: {  	[spmem:s3] =	stream.indirect.scatter.add.f32 [tilespmem:s17], [sflag:$0x3], $0x80, s24, s15, $0xb8;
	[tilespmem:$0x1E280] =	vst v63  }
0x8e: {  	_ =	swait.ge [sflag:s13], $0x4000  }
0x8f: {  	[sflag:s13] =	ssyncset.done $0x0  }
0x90: {  	[sflag:s13] =	ssyncadd.s32 $0xFFFFC000  }
0x91: {  	[bflag:$0x0] =	sbarrier.arrive $0xFFFF  }
0x92: {  	[hbm:s10], [sflag:s18] =	dma.local [spmem:s19], $0x2700  }
0x93: {  	s25 =	sadd.s32 $0x1, s25;
	_ =	swait.ge [sflag:s13], $0x2700  }
0x94: {  	p1 =	sne.s32 s25, s12;
	[sflag:s13] =	ssyncset.done $0x0  }
.Ltmp2:
0x95: {  	s26 =	simm.s32 @!p0 $0x3;
	[sflag:s13] =	ssyncadd.s32 $0xFFFFD900;
	(pc) =	sbr.rel @p1 .LBB2_1-.Ltmp2, $4  }
0x96: {  	[hbm:s11], [sflag:s18] =	dma.local @!p0 [spmem:s20], $0x100  }
0x97: {  	_ =	swait.ge @!p0 [sflag:s26], $0x100  }
0x98: {  	[sflag:s26] =	ssyncset.done @!p0 $0x0  }
0x99: {  	[sflag:s26] =	ssyncadd.s32 @!p0 $0xFFFFFF00  }
0x9a: {  	_ =	sfence.sel $0x180000  }
0x9b: {  	[bflag:$0x0] =	sbarrier.arrive $0xFFFF  }
0x9c: {  	p0 =	sne.s32 s0, $0x0;
	_ =	strace $0x9000004A  }
0x9d: {  	s0 =	sadd.s32 @!p0 $0x100000, s2;
	[bflag:$0x2] =	sbarrier.arrive $0xFFFF  }
0x9e: {  	[sflag:s0] =	ssyncadd.tile.s32 @!p0 $0x1;
	_ =	shalt  }
.Lfunc_end2:
_tile_overlayer_lowered:
.L_overlay_start_2:
0x9f: {  	(tag) =	ssettag $0x2  }
0xa0: {  	s0 =	rddreg [dreg:$0x0];
	s2 =	stileid.u32  }
0xa1: {  	s1 =	rddreg [dreg:$0x1];
	p0 =	sne.s32 s2, $0x0  }
0xa2: {  	s3 =	rddreg [dreg:$0x2];
	[bflag:$0x3] =	sbarrier.arrive $0xFFFF;
	s2 =	simm.s32 @!p0 $0x1C03  }
0xa3: {  	[timem:s3], [sflag:s2] =	dma.local @!p0 [hbm:s0], s1  }
0xa4: {  	s0 =	simm.s32 @!p0 $0x3  }
0xa5: {  	_ =	swait.ge @!p0 [sflag:s0], s1  }
0xa6: {  	s1 =	ssub.s32 @!p0 $0x0, s1;
	[sflag:s0] =	ssyncset.done @!p0 $0x0  }
0xa7: {  	[sflag:s0] =	ssyncadd.s32 @!p0 s1  }
0xa8: {  	[bflag:$0x3] =	sbarrier.arrive $0xFFFF  }
0xa9: {  	_ =	shalt  }

// kernel: kernel.14.cloned.1.call-start
scs
__scs_entry_jumppad:
0x0: {  	(pc) =	sbr.rel $0x88, $3  }
0x1: {  	(tag) =	ssettag $0x0;
	lr =	simm.s32 $0x1  }
0x2: {  	[smem:$0x3F89] =	sst lr;
	_ =	strace $0xD0000000  }
0x3: {  	_ = 	snop  }
0x4: {  	_ = 	snop  }
0x5: {  	_ = 	snop  }
0x6: {  	_ = 	snop  }
0x7: {  	_ = 	snop  }
__scs_overlays_trampoline_lowered:
0x8: {  	[smem:$0x3F98] =	sst s0  }
0x9: {  	[smem:$0x3F99] =	sst s1  }
0xa: {  	[smem:$0x3F9A] =	sst s2  }
0xb: {  	[smem:$0x3F9B] =	sst s3  }
0xc: {  	[smem:$0x3F9C] =	sst s4  }
0xd: {  	[smem:$0x3F9D] =	sst s5  }
0xe: {  	[smem:$0x3F9E] =	sst s6  }
0xf: {  	[smem:$0x3F9F] =	sst s7  }
0x10: {  	[smem:$0x3FA0] =	sst s8  }
0x11: {  	[smem:$0x3FA1] =	sst s9;
	s0 =	simm.s32 @!p0 $0x0  }
0x12: {  	s1 =	sld [smem:$0x3F87];
	s0 =	simm.s32 @p0 $0x1  }
0x13: {  	[smem:$0x3FA2] =	sst s0;
	s0 =	simm.s32 @!p1 $0x0  }
0x14: {  	s2 =	sld [smem:$0x3F86];
	s0 =	simm.s32 @p1 $0x1  }
0x15: {  	[smem:$0x3FA3] =	sst s0;
	s0 =	simm.s32 @!p2 $0x0  }
0x16: {  	s3 =	sld [smem:$0x3FDB];
	s0 =	simm.s32 @p2 $0x1  }
0x17: {  	s4 =	simm.s32 $0x1BF5;
	[smem:$0x3FA5] =	sst s0  }
0x18: {  	s0 =	sld [smem:$0x3F88];
	_ =	swait.ge [sflag:s4], $0x0  }
0x19: {  	s7 =	sld [smem:$0x3F89]  }
0x1a: {  	s8 =	sadd.s32 $0xFFFFE003, lr  }
0x1b: {  	s9 =	sadd.s32 $0xFFFFFEF7, lr;
	s5 =	simm.s32 $0xFFFFFFFF;
	p2 =	slt.u32 s8, $0xFFFFF086  }
0x1c: {  	p1 =	slt.u32 s9, $0xF7A;
	s5 =	simm.s32 @!p2 $0x0  }
0x1d: {  	s5 =	simm.s32 @p1 $0x1;
	p0 =	seq.s32 s7, s2  }
0x1e: {  	s7 =	smul.u32 @!p0 $0xF7A, s2;
	p2 =	seq.s32 @!p0 s5, $0x0  }
0x1f: {  	s9 =	smul.u32 $0xF7A, s1;
	s8 =	simm.s32 @!p0 $0x1BF5;
	p2 =	por !p2, p0  }
0x20: {  	[sflag:s8] =	ssyncset.s32 @!p0 $0xFFFFF086;
	s6 =	sadd.s32 @!p0 s3, s7;
	s7 =	simm.s32 @!p0 $0x108  }
0x21: {  	s3 =	sadd.s32 s3, s9;
	s6 =	sadd.s32 @!p0 $0x88, s6;
	s7 =	simm.s32 @p2 $0x1082  }
0x22: {  	[simem:s7], [sflag:s8] =	dma.local @!p0 [hbm:s6], $0xF7A  }
0x23: {  	s9 =	sor.u32 $0xD0000000, s2;
	s6 =	simm.s32 $0x108;
	_ =	swait.ge @!p0 [sflag:s8], $0x0  }
0x24: {  	s3 =	sadd.s32 $0x88, s3;
	s6 =	simm.s32 @!p1 $0x1082;
	[sflag:s4] =	ssyncset.s32 $0xFFFFF086  }
0x25: {  	[simem:s6], [sflag:s4] =	dma.local [hbm:s3], $0xF7A  }
0x26: {  	[smem:$0x3F89] =	sst s1;
	(tag) =	ssettag s2;
	_ =	strace s9  }
0x27: {  	s1 =	sld [smem:$0x3F99]  }
0x28: {  	s2 =	sld [smem:$0x3F9A]  }
0x29: {  	s4 =	sld [smem:$0x3F9C]  }
0x2a: {  	p0 =	seq.s32 s5, $0x0;
	s5 =	sld [smem:$0x3F9D]  }
0x2b: {  	s6 =	sld [smem:$0x3F9E]  }
0x2c: {  	s7 =	sld [smem:$0x3F9F]  }
0x2d: {  	s3 =	simm.s32 $0x108;
	s8 =	sld [smem:$0x3FA0]  }
0x2e: {  	s3 =	simm.s32 @!p0 $0x1082;
	s9 =	sld [smem:$0x3FA1]  }
0x2f: {  	lr =	sadd.s32 s0, s3;
	s0 =	sld [smem:$0x3F98]  }
0x30: {  	s3 =	sld [smem:$0x3F9B]  }
0x31: {  	[smem:$0x3FA4] =	sst s10  }
0x32: {  	s10 =	sld [smem:$0x3FA2];
	_ =	sdelay $0x3  }
0x33: {  	p0 =	seq.s32 s10, $0x1;
	s10 =	sld [smem:$0x3FA4];
	_ =	sdelay $0x3  }
0x34: {  	[smem:$0x3FA4] =	sst s10  }
0x35: {  	s10 =	sld [smem:$0x3FA3];
	_ =	sdelay $0x3  }
0x36: {  	p1 =	seq.s32 s10, $0x1;
	s10 =	sld [smem:$0x3FA4];
	_ =	sdelay $0x3  }
0x37: {  	[smem:$0x3FA4] =	sst s10  }
0x38: {  	s10 =	sld [smem:$0x3FA5]  }
0x39: {  	_ = 	snop;
	(pc) =	sbr.ind lr, $3  }
0x3a: {  	_ = 	snop  }
0x3b: {  	_ = 	snop  }
0x3c: {  	p2 =	seq.s32 s10, $0x1;
	s10 =	sld [smem:$0x3FA4]  }
0x3d: {  	_ =	shalt  }
0x3e: {  	_ =	shalt  }
0x3f: {  	_ =	shalt  }
0x40: {  	_ =	shalt  }
0x41: {  	_ =	shalt  }
0x42: {  	_ =	shalt  }
0x43: {  	_ =	shalt  }
0x44: {  	_ =	shalt  }
0x45: {  	_ =	shalt  }
0x46: {  	_ =	shalt  }
0x47: {  	_ =	shalt  }
0x48: {  	_ =	shalt  }
0x49: {  	_ =	shalt  }
0x4a: {  	_ =	shalt  }
0x4b: {  	_ =	shalt  }
0x4c: {  	_ =	shalt  }
0x4d: {  	_ =	shalt  }
0x4e: {  	_ =	shalt  }
0x4f: {  	_ =	shalt  }
0x50: {  	_ =	shalt  }
0x51: {  	_ =	shalt  }
0x52: {  	_ =	shalt  }
0x53: {  	_ =	shalt  }
0x54: {  	_ =	shalt  }
0x55: {  	_ =	shalt  }
0x56: {  	_ =	shalt  }
0x57: {  	_ =	shalt  }
0x58: {  	_ =	shalt  }
0x59: {  	_ =	shalt  }
0x5a: {  	_ =	shalt  }
0x5b: {  	_ =	shalt  }
0x5c: {  	_ =	shalt  }
0x5d: {  	_ =	shalt  }
0x5e: {  	_ =	shalt  }
0x5f: {  	_ =	shalt  }
0x60: {  	_ =	shalt  }
0x61: {  	_ =	shalt  }
0x62: {  	_ =	shalt  }
0x63: {  	_ =	shalt  }
0x64: {  	_ =	shalt  }
0x65: {  	_ =	shalt  }
0x66: {  	_ =	shalt  }
0x67: {  	_ =	shalt  }
0x68: {  	_ =	shalt  }
0x69: {  	_ =	shalt  }
0x6a: {  	_ =	shalt  }
0x6b: {  	_ =	shalt  }
0x6c: {  	_ =	shalt  }
0x6d: {  	_ =	shalt  }
0x6e: {  	_ =	shalt  }
0x6f: {  	_ =	shalt  }
0x70: {  	_ =	shalt  }
0x71: {  	_ =	shalt  }
0x72: {  	_ =	shalt  }
0x73: {  	_ =	shalt  }
0x74: {  	_ =	shalt  }
0x75: {  	_ =	shalt  }
0x76: {  	_ =	shalt  }
0x77: {  	_ =	shalt  }
0x78: {  	_ =	shalt  }
0x79: {  	_ =	shalt  }
0x7a: {  	_ =	shalt  }
0x7b: {  	_ =	shalt  }
0x7c: {  	_ =	shalt  }
0x7d: {  	_ =	shalt  }
0x7e: {  	_ =	shalt  }
0x7f: {  	_ =	shalt  }
0x80: {  	_ =	shalt  }
0x81: {  	_ =	shalt  }
0x82: {  	_ =	shalt  }
0x83: {  	_ =	shalt  }
0x84: {  	_ =	shalt  }
0x85: {  	_ =	shalt  }
0x86: {  	_ =	shalt  }
0x87: {  	_ =	shalt  }
.Lfunc_end0:
.L_simem_size_0:
called_computation.2_lowered:
.L_overlay_start_0:
0x88: {  	s2 =	sld [smem:$0x3FD9]  }
0x89: {  	s3 =	sld [smem:$0x3FFE];
	_ =	sdelay $0x1  }
0x8a: {  	s1 =	srdreg.scid  }
0x8b: {  	s0 =	sand.u32 $0x1, s1  }
0x8c: {  	s17 =	sshll.u32 s0, $0xA;
	s2 =	sadd.s32 s3, s2  }
0x8d: {  	s2 =	sadd.s32 s2, s17  }
0x8e: {  	[smem:$0x3FB0] =	sst s2  }
0x8f: {  	_ = 	snop  }
0x90: {  	s2 =	sld [smem:$0x3FD0];
	(tm) =	ssettm $0x1  }
0x91: {  	s18 =	sld [smem:$0x3FFB];
	_ =	sdelay $0x3  }
0x92: {  	_ =	strace s18  }
0x93: {  	s3 =	sld [smem:$0x3FFC];
	_ =	sdelay $0x3  }
0x94: {  	_ =	strace s3  }
0x95: {  	s3 =	sld [smem:$0x3FFD];
	_ =	sdelay $0x3  }
0x96: {  	_ =	strace s3  }
0x97: {  	_ =	strace $0x8FFFFFFF  }
0x98: {  	s19 =	sld [smem:$0x3FDB];
	_ =	sdelay $0x1  }
0x99: {  	s4 =	simm.s32 $_scs_section_size  }
0x9a: {  	s5 =	simm.s32 $_size__tile_overlayer_lowered;
	s6 =	simm.s32 $_tile_overlayer_lowered  }
0x9b: {  	s22 =	simm.s32 $0x1BFF;
	s21 =	sshll.u32 s6, $0x1;
	s3 =	sadd.s32 s4, s19  }
0x9c: {  	s7 =	simm.s32 $0x0;
	s20 =	sshll.u32 s5, $0x1;
	s5 =	sadd.s32 s21, s3  }
0x9d: {  	[timem:s7], [sflag:s22] =	dma.local [hbm:s5], s20  }
0x9e: {  	_ =	swait.ge [sflag:s22], s20  }
0x9f: {  	s4 =	ssub.s32 $0x0, s20;
	[sflag:s22] =	ssyncset.done $0x0  }
0xa0: {  	[sflag:s22] =	ssyncadd.s32 s4;
	_ =	sdelay $0x1  }
0xa1: {  	s23 =	simm.s32 $0x1B8B  }
0xa2: {  	_ =	swait.ge [sflag:s23], $0x1  }
0xa3: {  	[sflag:s23] =	ssyncset.done $0x0  }
0xa4: {  	s25 =	simm.s32 $0x1B8E;
	s24 =	sld [smem:$0x3FFE];
	[sflag:s23] =	ssyncadd.s32 $0xFFFFFFFF  }
0xa5: {  	s26 =	simm.s32 $execute0_lowered;
	[smem:$0x3FD2] =	sst s25  }
0xa6: {  	s5 =	sshll.u32 s26, $0x1;
	_ =	strace $0x8000004C;
	[dreg:$0x1] =	wrdreg $0xFFFFFFFF  }
0xa7: {  	s28 =	simm.s32 $_size_execute0_lowered;
	s3 =	sadd.s32 s3, s5;
	[dreg:$0x0] =	wrdreg $0x0  }
0xa8: {  	s5 =	sshll.u32 s28, $0x1;
	[dreg:$0x2] =	wrdreg s3  }
0xa9: {  	[dreg:$0x3] =	wrdreg s5  }
0xaa: {  	[dreg:$0x4] =	wrdreg $0xC0  }
0xab: {  	_ =	task [dreg:s7], $0x5FFFF  }
0xac: {  	[dreg:$0x1] =	wrdreg $0xFFFFFFFF  }
0xad: {  	[dreg:$0x0] =	wrdreg $0x60  }
0xae: {  	[dreg:$0x2] =	wrdreg s2  }
0xaf: {  	[dreg:$0x3] =	wrdreg s24  }
0xb0: {  	[dreg:$0x4] =	wrdreg $0xA8000  }
0xb1: {  	[dreg:$0x5] =	wrdreg $0x9  }
0xb2: {  	_ =	task.clear_ibuf [dreg:s7], $0x6FFFF;
	_ =	strace $0x9000004C  }
0xb3: {  	s29 =	simm.s32 $0x9;
	_ =	strace $0x8000004E  }
0xb4: {  	_ =	swait.ge [sflag:s29], $0x1  }
0xb5: {  	[sflag:s29] =	ssyncadd.s32 $0xFFFFFFFF  }
0xb6: {  	_ =	strace $0x9000004E  }
0xb7: {  	_ =	sfence  }
0xb8: {  	s30 =	sld [smem:$0x0];
	_ =	sdelay $0x2  }
0xb9: {  	s31 =	sshll.u32 s1, $0xD;
	s1 =	sshrl.u32 s1, $0x2  }
0xba: {  	s3 =	sand.u32 $0x4000, s31;
	s1 =	sadd.s32 s1, s30  }
0xbb: {  	s0 =	sor.u32 s3, s0;
	s1 =	sshll.u32 s1, $0x11  }
0xbc: {  	s0 =	sor.u32 s1, s0  }
0xbd: {  	s0 =	sadd.s32 $0x8F2B, s0  }
0xbe: {  	[sflag:s0] =	ssyncadd.remote.s32 $0x1  }
0xbf: {  	_ =	sfence.sel $0xFFFF  }
0xc0: {  	[dreg:$0x0] =	wrdreg $0xFFFFFFFF;
	(pc) =	sbr.abs _section_cstart, $3  }
0xc1: {  	[dreg:$0x1] =	wrdreg $0xFFFFFFFF  }
0xc2: {  	_ =	task.clear_ibuf [dreg:s7], $0x2FFFF;
	_ =	strace $0x9FFFFFFF  }
0xc3: {  	(tm) =	ssettm $0x7FFFFFFF  }
tec
execute0_lowered:
.L_overlay_start_1:
0x0: {  	(tag) =	ssettag $0x1  }
0x1: {  	s1 =	rddreg [dreg:$0x0]  }
0x2: {  	s6 =	rddreg [dreg:$0x1]  }
0x3: {  	s0 =	srdreg.scid;
	s3 =	rddreg [dreg:$0x2]  }
0x4: {  	s4 =	simm.s32 $0x0;
	s15 =	simm.s32 $0x80;
	s16 =	simm.s32 $0x2800  }
0x5: {  	s17 =	simm.s32 $0x6800;
	s21 =	simm.s32 $0x1;
	s22 =	simm.s32 $0x2  }
0x6: {  	s23 =	simm.s32 $0x2700;
	s8 =	sand.u32 $0x1, s0;
	s0 =	stileid.u32  }
0x7: {  	s24 =	simm.s32 $0x2780;
	s25 =	simm.s32 $0x0;
	s11 =	smul.u32 $0x4E000, s0  }
0x8: {  	[smem:$0x7FF] =	sst s4;
	s12 =	sadd.s32 $0x1B000, s6;
	s29 =	smul.u32 $0x2700, s0  }
0x9: {  	s20 =	sadd.s32 $0x138000, s3;
	s2 =	sshll.u32 s8, $0x4;
	s14 =	smul.u32 $0x138800, s8  }
0xa: {  	s7 =	ssub.s32 $0x2, s8;
	s30 =	smul.u32 $0x27100, s8;
	p0 =	sne.s32 s0, $0xF  }
0xb: {  	s18 =	sshll.u32 s0, $0x6;
	s2 =	sor.u32 s0, s2;
	s10 =	sshrl.u32 s7, $0x1  }
0xc: {  	s18 =	sor.u32 $0x1C03, s18;
	s20 =	sshrl.u32 @!p0 s20, $0x3;
	s5 =	smul.u32 $0x2800, s2  }
0xd: {  	s2 =	rddreg [dreg:$0x3];
	_ =	strace $0x8000004D;
	s13 =	ssub.s32 s7, s10  }
0xe: {  	s11 =	sshrl.u32 s11, $0x2;
	s14 =	sshrl.u32 s14, $0x3;
	s10 =	sadd.s32 s29, s30  }
0xf: {  	s19 =	sadd.s32 s11, s3;
	s31 =	sadd.s32 s12, s14;
	s10 =	sadd.s32 s12, s10  }
0x10: {  	s12 =	smax.u32 s13, $0x1;
	s13 =	simm.s32 $0x3;
	s5 =	sshrl.u32 s5, $0x3  }
0x11: {  	s14 =	simm.s32 $0x1400;
	s11 =	sadd.s32 $0x27000, s31;
	s9 =	sadd.s32 s5, s6  }
0x12: {  	s19 =	sshrl.u32 s19, $0x3;
	s5 =	sadd.s32 $0x18800, s6;
	s6 =	sadd.s32 $0x4800, s9  }
0x13: {  	s7 =	sadd.s32 $0xE800, s9;
	s8 =	sadd.s32 $0x4A80, s9;
	s9 =	sadd.s32 $0xEA80, s9  }
.LBB2_1:
0x14: {  	[tilespmem:s4], [sflag:$0x3] =	stream.linear.gather [hbm4b:s6+s4], $0x1400, $0x38;
	[tilespmem:$0x1E280] =	vst v63  }
0x15: {  	_ =	swait.ge [sflag:s13], $0x1400  }
0x16: {  	[sflag:s13] =	ssyncset.done $0x0  }
0x17: {  	[sflag:s13] =	ssyncadd.s32 $0xFFFFEC00  }
0x18: {  	[tilespmem:s14], [sflag:$0x3] =	stream.linear.gather [hbm4b:s7+s4], $0x1400, $0x38;
	[tilespmem:$0x1E280] =	vst v63  }
0x19: {  	_ =	swait.ge [sflag:s13], $0x1400  }
0x1a: {  	[sflag:s13] =	ssyncset.done $0x0  }
0x1b: {  	[sflag:s13] =	ssyncadd.s32 $0xFFFFEC00  }
0x1c: {  	[tilespmem:s16], [sflag:$0x1] =	stream.indirect.gather [hbm4b:s1+s15], $0x80, s4, s15, $0xb8;
	[tilespmem:$0x1E280] =	vst v63  }
0x1d: {  	_ = 	snop  }
0x1e: {  	[tilespmem:s17], [sflag:$0x2] =	stream.indirect.gather [hbm4b:s1+s15], $0x80, s15, s15, $0xb8;
	[tilespmem:$0x1E280] =	vst v63  }
0x1f: {  	[spmem:s19], [sflag:s18] =	dma.local [hbm:s5], $0x2700  }
0x20: {  	_ =	swait.ge [sflag:s13], $0x2700  }
0x21: {  	[sflag:s13] =	ssyncset.done $0x0  }
0x22: {  	s26 =	simm.s32 @!p0 $0x3;
	[sflag:s13] =	ssyncadd.s32 $0xFFFFD900  }
0x23: {  	[spmem:s20], [sflag:s18] =	dma.local @!p0 [hbm:s5], $0x500  }
0x24: {  	_ =	swait.ge @!p0 [sflag:s26], $0x500  }
0x25: {  	[sflag:s26] =	ssyncset.done @!p0 $0x0  }
0x26: {  	[sflag:s26] =	ssyncadd.s32 @!p0 $0xFFFFFB00  }
0x27: {  	[bflag:$0x0] =	sbarrier.arrive $0xFFFF  }
0x28: {  	_ =	swait.ge [sflag:s21], $0x4000  }
0x29: {  	[sflag:s21] =	ssyncset.done $0x0  }
0x2a: {  	s29 =	simm.s32 $0x1400;
	[sflag:s21] =	ssyncadd.s32 $0xFFFFC000  }
0x2b: {  	[spmem:s3] =	stream.indirect.scatter.add.f32 [tilespmem:s16], [sflag:$0x3], $0x80, s29, s15, $0xb8;
	[tilespmem:$0x1E280] =	vst v63  }
0x2c: {  	_ =	swait.ge [sflag:s13], $0x4000  }
0x2d: {  	[sflag:s13] =	ssyncset.done $0x0  }
0x2e: {  	s30 =	simm.s32 $0x100;
	[sflag:s13] =	ssyncadd.s32 $0xFFFFC000  }
0x2f: {  	[tilespmem:s16], [sflag:$0x1] =	stream.indirect.gather [hbm4b:s1+s15], $0x80, s30, s15, $0xb8;
	[tilespmem:$0x1E280] =	vst v63  }
0x30: {  	_ =	swait.ge [sflag:s22], $0x4000  }
0x31: {  	[sflag:s22] =	ssyncset.done $0x0  }
0x32: {  	s31 =	simm.s32 $0x1480;
	[sflag:s22] =	ssyncadd.s32 $0xFFFFC000  }
0x33: {  	[spmem:s3] =	stream.indirect.scatter.add.f32 [tilespmem:s17], [sflag:$0x3], $0x80, s31, s15, $0xb8;
	[tilespmem:$0x1E280] =	vst v63  }
0x34: {  	_ =	swait.ge [sflag:s13], $0x4000  }
0x35: {  	[sflag:s13] =	ssyncset.done $0x0  }
0x36: {  	s28 =	simm.s32 $0x180;
	s26 =	simm.s32 $0x400;
	[sflag:s13] =	ssyncadd.s32 $0xFFFFC000  }
.LBB2_2:
0x37: {  	[tilespmem:s17], [sflag:$0x2] =	stream.indirect.gather [hbm4b:s1+s15], $0x80, s28, s15, $0xb8;
	[tilespmem:$0x1E280] =	vst v63  }
0x38: {  	s28 =	smov.u32 s26  }
0x39: {  	p1 =	sne.s32 s26, $0x4800;
	s26 =	sadd.s32 $0x400, s26;
	_ =	swait.ge [sflag:s21], $0x4000  }
0x3a: {  	s28 =	sshra.s32 s28, $0x2;
	[sflag:s21] =	ssyncset.done $0x0  }
0x3b: {  	s29 =	sadd.s32 $0x1400, s28;
	[sflag:s21] =	ssyncadd.s32 $0xFFFFC000  }
0x3c: {  	[spmem:s3] =	stream.indirect.scatter.add.f32 [tilespmem:s16], [sflag:$0x3], $0x80, s29, s15, $0xb8;
	[tilespmem:$0x1E280] =	vst v63  }
0x3d: {  	_ =	swait.ge [sflag:s13], $0x4000  }
0x3e: {  	[sflag:s13] =	ssyncset.done $0x0  }
0x3f: {  	s29 =	sadd.s32 $0x100, s28;
	[sflag:s13] =	ssyncadd.s32 $0xFFFFC000  }
0x40: {  	[tilespmem:s16], [sflag:$0x1] =	stream.indirect.gather [hbm4b:s1+s15], $0x80, s29, s15, $0xb8;
	[tilespmem:$0x1E280] =	vst v63  }
0x41: {  	_ =	swait.ge [sflag:s22], $0x4000  }
0x42: {  	[sflag:s22] =	ssyncset.done $0x0  }
.Ltmp0:
0x43: {  	s29 =	sadd.s32 $0x1480, s28;
	[sflag:s22] =	ssyncadd.s32 $0xFFFFC000;
	(pc) =	sbr.rel @p1 .LBB2_2-.Ltmp0, $4  }
0x44: {  	[spmem:s3] =	stream.indirect.scatter.add.f32 [tilespmem:s17], [sflag:$0x3], $0x80, s29, s15, $0xb8;
	[tilespmem:$0x1E280] =	vst v63  }
0x45: {  	_ =	swait.ge [sflag:s13], $0x4000  }
0x46: {  	[sflag:s13] =	ssyncset.done $0x0  }
0x47: {  	s28 =	sadd.s32 $0x180, s28;
	[sflag:s13] =	ssyncadd.s32 $0xFFFFC000  }
0x48: {  	[tilespmem:s17], [sflag:$0x2] =	stream.indirect.gather [hbm4b:s1+s15], $0x80, s28, s15, $0xb8;
	[tilespmem:$0x1E280] =	vst v63  }
0x49: {  	_ =	swait.ge [sflag:s21], $0x4000  }
0x4a: {  	[sflag:s21] =	ssyncset.done $0x0  }
0x4b: {  	[sflag:s21] =	ssyncadd.s32 $0xFFFFC000  }
0x4c: {  	[spmem:s3] =	stream.indirect.scatter.add.f32 [tilespmem:s16], [sflag:$0x3], $0x80, s23, s15, $0xb8;
	[tilespmem:$0x1E280] =	vst v63  }
0x4d: {  	_ =	swait.ge [sflag:s13], $0x4000  }
0x4e: {  	[sflag:s13] =	ssyncset.done $0x0  }
0x4f: {  	[sflag:s13] =	ssyncadd.s32 $0xFFFFC000  }
0x50: {  	_ =	swait.ge [sflag:s22], $0x4000  }
0x51: {  	[sflag:s22] =	ssyncset.done $0x0  }
0x52: {  	[sflag:s22] =	ssyncadd.s32 $0xFFFFC000  }
0x53: {  	[spmem:s3] =	stream.indirect.scatter.add.f32 [tilespmem:s17], [sflag:$0x3], $0x80, s24, s15, $0xb8;
	[tilespmem:$0x1E280] =	vst v63  }
0x54: {  	_ =	swait.ge [sflag:s13], $0x4000  }
0x55: {  	[sflag:s13] =	ssyncset.done $0x0  }
0x56: {  	s26 =	simm.s32 $0x0;
	[sflag:s13] =	ssyncadd.s32 $0xFFFFC000  }
0x57: {  	[tilespmem:s26], [sflag:$0x3] =	stream.linear.gather [hbm4b:s8+s26], $0x1400, $0x38;
	[tilespmem:$0x1E280] =	vst v63  }
0x58: {  	_ =	swait.ge [sflag:s13], $0x1400  }
0x59: {  	[sflag:s13] =	ssyncset.done $0x0  }
0x5a: {  	[sflag:s13] =	ssyncadd.s32 $0xFFFFEC00  }
0x5b: {  	[tilespmem:s14], [sflag:$0x3] =	stream.linear.gather [hbm4b:s9+s26], $0x1400, $0x38;
	[tilespmem:$0x1E280] =	vst v63  }
0x5c: {  	_ =	swait.ge [sflag:s13], $0x1400  }
0x5d: {  	[sflag:s13] =	ssyncset.done $0x0  }
0x5e: {  	[sflag:s13] =	ssyncadd.s32 $0xFFFFEC00  }
0x5f: {  	[tilespmem:s16], [sflag:$0x1] =	stream.indirect.gather [hbm4b:s1+s15], $0x80, s26, s15, $0xb8;
	[tilespmem:$0x1E280] =	vst v63  }
0x60: {  	_ = 	snop  }
0x61: {  	[tilespmem:s17], [sflag:$0x2] =	stream.indirect.gather [hbm4b:s1+s15], $0x80, s15, s15, $0xb8;
	[tilespmem:$0x1E280] =	vst v63  }
0x62: {  	_ =	swait.ge [sflag:s21], $0x4000  }
0x63: {  	[sflag:s21] =	ssyncset.done $0x0  }
0x64: {  	s29 =	simm.s32 $0x1400;
	[sflag:s21] =	ssyncadd.s32 $0xFFFFC000  }
0x65: {  	[spmem:s3] =	stream.indirect.scatter.add.f32 [tilespmem:s16], [sflag:$0x3], $0x80, s29, s15, $0xb8;
	[tilespmem:$0x1E280] =	vst v63  }
0x66: {  	_ =	swait.ge [sflag:s13], $0x4000  }
0x67: {  	[sflag:s13] =	ssyncset.done $0x0  }
0x68: {  	s30 =	simm.s32 $0x100;
	[sflag:s13] =	ssyncadd.s32 $0xFFFFC000  }
0x69: {  	[tilespmem:s16], [sflag:$0x1] =	stream.indirect.gather [hbm4b:s1+s15], $0x80, s30, s15, $0xb8;
	[tilespmem:$0x1E280] =	vst v63  }
0x6a: {  	_ =	swait.ge [sflag:s22], $0x4000  }
0x6b: {  	[sflag:s22] =	ssyncset.done $0x0  }
0x6c: {  	s31 =	simm.s32 $0x1480;
	[sflag:s22] =	ssyncadd.s32 $0xFFFFC000  }
0x6d: {  	[spmem:s3] =	stream.indirect.scatter.add.f32 [tilespmem:s17], [sflag:$0x3], $0x80, s31, s15, $0xb8;
	[tilespmem:$0x1E280] =	vst v63  }
0x6e: {  	_ =	swait.ge [sflag:s13], $0x4000  }
0x6f: {  	[sflag:s13] =	ssyncset.done $0x0  }
0x70: {  	s28 =	simm.s32 $0x180;
	s26 =	simm.s32 $0x400;
	[sflag:s13] =	ssyncadd.s32 $0xFFFFC000  }
.LBB2_4:
0x71: {  	[tilespmem:s17], [sflag:$0x2] =	stream.indirect.gather [hbm4b:s1+s15], $0x80, s28, s15, $0xb8;
	[tilespmem:$0x1E280] =	vst v63  }
0x72: {  	s28 =	smov.u32 s26  }
0x73: {  	p1 =	sne.s32 s26, $0x4800;
	s26 =	sadd.s32 $0x400, s26;
	_ =	swait.ge [sflag:s21], $0x4000  }
0x74: {  	s28 =	sshra.s32 s28, $0x2;
	[sflag:s21] =	ssyncset.done $0x0  }
0x75: {  	s29 =	sadd.s32 $0x1400, s28;
	[sflag:s21] =	ssyncadd.s32 $0xFFFFC000  }
0x76: {  	[spmem:s3] =	stream.indirect.scatter.add.f32 [tilespmem:s16], [sflag:$0x3], $0x80, s29, s15, $0xb8;
	[tilespmem:$0x1E280] =	vst v63  }
0x77: {  	_ =	swait.ge [sflag:s13], $0x4000  }
0x78: {  	[sflag:s13] =	ssyncset.done $0x0  }
0x79: {  	s29 =	sadd.s32 $0x100, s28;
	[sflag:s13] =	ssyncadd.s32 $0xFFFFC000  }
0x7a: {  	[tilespmem:s16], [sflag:$0x1] =	stream.indirect.gather [hbm4b:s1+s15], $0x80, s29, s15, $0xb8;
	[tilespmem:$0x1E280] =	vst v63  }
0x7b: {  	_ =	swait.ge [sflag:s22], $0x4000  }
0x7c: {  	[sflag:s22] =	ssyncset.done $0x0  }
.Ltmp1:
0x7d: {  	s29 =	sadd.s32 $0x1480, s28;
	[sflag:s22] =	ssyncadd.s32 $0xFFFFC000;
	(pc) =	sbr.rel @p1 .LBB2_4-.Ltmp1, $4  }
0x7e: {  	[spmem:s3] =	stream.indirect.scatter.add.f32 [tilespmem:s17], [sflag:$0x3], $0x80, s29, s15, $0xb8;
	[tilespmem:$0x1E280] =	vst v63  }
0x7f: {  	_ =	swait.ge [sflag:s13], $0x4000  }
0x80: {  	[sflag:s13] =	ssyncset.done $0x0  }
0x81: {  	s28 =	sadd.s32 $0x180, s28;
	[sflag:s13] =	ssyncadd.s32 $0xFFFFC000  }
0x82: {  	[tilespmem:s17], [sflag:$0x2] =	stream.indirect.gather [hbm4b:s1+s15], $0x80, s28, s15, $0xb8;
	[tilespmem:$0x1E280] =	vst v63  }
0x83: {  	_ =	swait.ge [sflag:s21], $0x4000  }
0x84: {  	[sflag:s21] =	ssyncset.done $0x0  }
0x85: {  	[sflag:s21] =	ssyncadd.s32 $0xFFFFC000  }
0x86: {  	[spmem:s3] =	stream.indirect.scatter.add.f32 [tilespmem:s16], [sflag:$0x3], $0x80, s23, s15, $0xb8;
	[tilespmem:$0x1E280] =	vst v63  }
0x87: {  	_ =	swait.ge [sflag:s13], $0x4000  }
0x88: {  	[sflag:s13] =	ssyncset.done $0x0  }
0x89: {  	[sflag:s13] =	ssyncadd.s32 $0xFFFFC000  }
0x8a: {  	_ =	swait.ge [sflag:s22], $0x4000  }
0x8b: {  	[sflag:s22] =	ssyncset.done $0x0  }
0x8c: {  	[sflag:s22] =	ssyncadd.s32 $0xFFFFC000  }
0x8d: {  	[spmem:s3] =	stream.indirect.scatter.add.f32 [tilespmem:s17], [sflag:$0x3], $0x80, s24, s15, $0xb8;
	[tilespmem:$0x1E280] =	vst v63  }
0x8e: {  	_ =	swait.ge [sflag:s13], $0x4000  }
0x8f: {  	[sflag:s13] =	ssyncset.done $0x0  }
0x90: {  	[sflag:s13] =	ssyncadd.s32 $0xFFFFC000  }
0x91: {  	[bflag:$0x0] =	sbarrier.arrive $0xFFFF  }
0x92: {  	[hbm:s10], [sflag:s18] =	dma.local [spmem:s19], $0x2700  }
0x93: {  	s25 =	sadd.s32 $0x1, s25;
	_ =	swait.ge [sflag:s13], $0x2700  }
0x94: {  	p1 =	sne.s32 s25, s12;
	[sflag:s13] =	ssyncset.done $0x0  }
.Ltmp2:
0x95: {  	s26 =	simm.s32 @!p0 $0x3;
	[sflag:s13] =	ssyncadd.s32 $0xFFFFD900;
	(pc) =	sbr.rel @p1 .LBB2_1-.Ltmp2, $4  }
0x96: {  	[hbm:s11], [sflag:s18] =	dma.local @!p0 [spmem:s20], $0x100  }
0x97: {  	_ =	swait.ge @!p0 [sflag:s26], $0x100  }
0x98: {  	[sflag:s26] =	ssyncset.done @!p0 $0x0  }
0x99: {  	[sflag:s26] =	ssyncadd.s32 @!p0 $0xFFFFFF00  }
0x9a: {  	_ =	sfence.sel $0x180000  }
0x9b: {  	[bflag:$0x0] =	sbarrier.arrive $0xFFFF  }
0x9c: {  	p0 =	sne.s32 s0, $0x0;
	_ =	strace $0x9000004D  }
0x9d: {  	s0 =	sadd.s32 @!p0 $0x100000, s2;
	[bflag:$0x2] =	sbarrier.arrive $0xFFFF  }
0x9e: {  	[sflag:s0] =	ssyncadd.tile.s32 @!p0 $0x1;
	_ =	shalt  }
.Lfunc_end2:
_tile_overlayer_lowered:
.L_overlay_start_2:
0x9f: {  	(tag) =	ssettag $0x2  }
0xa0: {  	s0 =	rddreg [dreg:$0x0];
	s2 =	stileid.u32  }
0xa1: {  	s1 =	rddreg [dreg:$0x1];
	p0 =	sne.s32 s2, $0x0  }
0xa2: {  	s3 =	rddreg [dreg:$0x2];
	[bflag:$0x3] =	sbarrier.arrive $0xFFFF;
	s2 =	simm.s32 @!p0 $0x1C03  }
0xa3: {  	[timem:s3], [sflag:s2] =	dma.local @!p0 [hbm:s0], s1  }
0xa4: {  	s0 =	simm.s32 @!p0 $0x3  }
0xa5: {  	_ =	swait.ge @!p0 [sflag:s0], s1  }
0xa6: {  	s1 =	ssub.s32 @!p0 $0x0, s1;
	[sflag:s0] =	ssyncset.done @!p0 $0x0  }
0xa7: {  	[sflag:s0] =	ssyncadd.s32 @!p0 s1  }
0xa8: {  	[bflag:$0x3] =	sbarrier.arrive $0xFFFF  }
0xa9: {  	_ =	shalt  }

// kernel: kernel.8.cloned.1.call-start
scs
__scs_entry_jumppad:
0x0: {  	(pc) =	sbr.rel $0x88, $3  }
0x1: {  	(tag) =	ssettag $0x0;
	lr =	simm.s32 $0x1  }
0x2: {  	[smem:$0x3F89] =	sst lr;
	_ =	strace $0xD0000000  }
0x3: {  	_ = 	snop  }
0x4: {  	_ = 	snop  }
0x5: {  	_ = 	snop  }
0x6: {  	_ = 	snop  }
0x7: {  	_ = 	snop  }
__scs_overlays_trampoline_lowered:
0x8: {  	[smem:$0x3F98] =	sst s0  }
0x9: {  	[smem:$0x3F99] =	sst s1  }
0xa: {  	[smem:$0x3F9A] =	sst s2  }
0xb: {  	[smem:$0x3F9B] =	sst s3  }
0xc: {  	[smem:$0x3F9C] =	sst s4  }
0xd: {  	[smem:$0x3F9D] =	sst s5  }
0xe: {  	[smem:$0x3F9E] =	sst s6  }
0xf: {  	[smem:$0x3F9F] =	sst s7  }
0x10: {  	[smem:$0x3FA0] =	sst s8  }
0x11: {  	[smem:$0x3FA1] =	sst s9;
	s0 =	simm.s32 @!p0 $0x0  }
0x12: {  	s1 =	sld [smem:$0x3F87];
	s0 =	simm.s32 @p0 $0x1  }
0x13: {  	[smem:$0x3FA2] =	sst s0;
	s0 =	simm.s32 @!p1 $0x0  }
0x14: {  	s2 =	sld [smem:$0x3F86];
	s0 =	simm.s32 @p1 $0x1  }
0x15: {  	[smem:$0x3FA3] =	sst s0;
	s0 =	simm.s32 @!p2 $0x0  }
0x16: {  	s3 =	sld [smem:$0x3FDB];
	s0 =	simm.s32 @p2 $0x1  }
0x17: {  	s4 =	simm.s32 $0x1BF5;
	[smem:$0x3FA5] =	sst s0  }
0x18: {  	s0 =	sld [smem:$0x3F88];
	_ =	swait.ge [sflag:s4], $0x0  }
0x19: {  	s7 =	sld [smem:$0x3F89]  }
0x1a: {  	s8 =	sadd.s32 $0xFFFFE003, lr  }
0x1b: {  	s9 =	sadd.s32 $0xFFFFFEF7, lr;
	s5 =	simm.s32 $0xFFFFFFFF;
	p2 =	slt.u32 s8, $0xFFFFF086  }
0x1c: {  	p1 =	slt.u32 s9, $0xF7A;
	s5 =	simm.s32 @!p2 $0x0  }
0x1d: {  	s5 =	simm.s32 @p1 $0x1;
	p0 =	seq.s32 s7, s2  }
0x1e: {  	s7 =	smul.u32 @!p0 $0xF7A, s2;
	p2 =	seq.s32 @!p0 s5, $0x0  }
0x1f: {  	s9 =	smul.u32 $0xF7A, s1;
	s8 =	simm.s32 @!p0 $0x1BF5;
	p2 =	por !p2, p0  }
0x20: {  	[sflag:s8] =	ssyncset.s32 @!p0 $0xFFFFF086;
	s6 =	sadd.s32 @!p0 s3, s7;
	s7 =	simm.s32 @!p0 $0x108  }
0x21: {  	s3 =	sadd.s32 s3, s9;
	s6 =	sadd.s32 @!p0 $0x88, s6;
	s7 =	simm.s32 @p2 $0x1082  }
0x22: {  	[simem:s7], [sflag:s8] =	dma.local @!p0 [hbm:s6], $0xF7A  }
0x23: {  	s9 =	sor.u32 $0xD0000000, s2;
	s6 =	simm.s32 $0x108;
	_ =	swait.ge @!p0 [sflag:s8], $0x0  }
0x24: {  	s3 =	sadd.s32 $0x88, s3;
	s6 =	simm.s32 @!p1 $0x1082;
	[sflag:s4] =	ssyncset.s32 $0xFFFFF086  }
0x25: {  	[simem:s6], [sflag:s4] =	dma.local [hbm:s3], $0xF7A  }
0x26: {  	[smem:$0x3F89] =	sst s1;
	(tag) =	ssettag s2;
	_ =	strace s9  }
0x27: {  	s1 =	sld [smem:$0x3F99]  }
0x28: {  	s2 =	sld [smem:$0x3F9A]  }
0x29: {  	s4 =	sld [smem:$0x3F9C]  }
0x2a: {  	p0 =	seq.s32 s5, $0x0;
	s5 =	sld [smem:$0x3F9D]  }
0x2b: {  	s6 =	sld [smem:$0x3F9E]  }
0x2c: {  	s7 =	sld [smem:$0x3F9F]  }
0x2d: {  	s3 =	simm.s32 $0x108;
	s8 =	sld [smem:$0x3FA0]  }
0x2e: {  	s3 =	simm.s32 @!p0 $0x1082;
	s9 =	sld [smem:$0x3FA1]  }
0x2f: {  	lr =	sadd.s32 s0, s3;
	s0 =	sld [smem:$0x3F98]  }
0x30: {  	s3 =	sld [smem:$0x3F9B]  }
0x31: {  	[smem:$0x3FA4] =	sst s10  }
0x32: {  	s10 =	sld [smem:$0x3FA2];
	_ =	sdelay $0x3  }
0x33: {  	p0 =	seq.s32 s10, $0x1;
	s10 =	sld [smem:$0x3FA4];
	_ =	sdelay $0x3  }
0x34: {  	[smem:$0x3FA4] =	sst s10  }
0x35: {  	s10 =	sld [smem:$0x3FA3];
	_ =	sdelay $0x3  }
0x36: {  	p1 =	seq.s32 s10, $0x1;
	s10 =	sld [smem:$0x3FA4];
	_ =	sdelay $0x3  }
0x37: {  	[smem:$0x3FA4] =	sst s10  }
0x38: {  	s10 =	sld [smem:$0x3FA5]  }
0x39: {  	_ = 	snop;
	(pc) =	sbr.ind lr, $3  }
0x3a: {  	_ = 	snop  }
0x3b: {  	_ = 	snop  }
0x3c: {  	p2 =	seq.s32 s10, $0x1;
	s10 =	sld [smem:$0x3FA4]  }
0x3d: {  	_ =	shalt  }
0x3e: {  	_ =	shalt  }
0x3f: {  	_ =	shalt  }
0x40: {  	_ =	shalt  }
0x41: {  	_ =	shalt  }
0x42: {  	_ =	shalt  }
0x43: {  	_ =	shalt  }
0x44: {  	_ =	shalt  }
0x45: {  	_ =	shalt  }
0x46: {  	_ =	shalt  }
0x47: {  	_ =	shalt  }
0x48: {  	_ =	shalt  }
0x49: {  	_ =	shalt  }
0x4a: {  	_ =	shalt  }
0x4b: {  	_ =	shalt  }
0x4c: {  	_ =	shalt  }
0x4d: {  	_ =	shalt  }
0x4e: {  	_ =	shalt  }
0x4f: {  	_ =	shalt  }
0x50: {  	_ =	shalt  }
0x51: {  	_ =	shalt  }
0x52: {  	_ =	shalt  }
0x53: {  	_ =	shalt  }
0x54: {  	_ =	shalt  }
0x55: {  	_ =	shalt  }
0x56: {  	_ =	shalt  }
0x57: {  	_ =	shalt  }
0x58: {  	_ =	shalt  }
0x59: {  	_ =	shalt  }
0x5a: {  	_ =	shalt  }
0x5b: {  	_ =	shalt  }
0x5c: {  	_ =	shalt  }
0x5d: {  	_ =	shalt  }
0x5e: {  	_ =	shalt  }
0x5f: {  	_ =	shalt  }
0x60: {  	_ =	shalt  }
0x61: {  	_ =	shalt  }
0x62: {  	_ =	shalt  }
0x63: {  	_ =	shalt  }
0x64: {  	_ =	shalt  }
0x65: {  	_ =	shalt  }
0x66: {  	_ =	shalt  }
0x67: {  	_ =	shalt  }
0x68: {  	_ =	shalt  }
0x69: {  	_ =	shalt  }
0x6a: {  	_ =	shalt  }
0x6b: {  	_ =	shalt  }
0x6c: {  	_ =	shalt  }
0x6d: {  	_ =	shalt  }
0x6e: {  	_ =	shalt  }
0x6f: {  	_ =	shalt  }
0x70: {  	_ =	shalt  }
0x71: {  	_ =	shalt  }
0x72: {  	_ =	shalt  }
0x73: {  	_ =	shalt  }
0x74: {  	_ =	shalt  }
0x75: {  	_ =	shalt  }
0x76: {  	_ =	shalt  }
0x77: {  	_ =	shalt  }
0x78: {  	_ =	shalt  }
0x79: {  	_ =	shalt  }
0x7a: {  	_ =	shalt  }
0x7b: {  	_ =	shalt  }
0x7c: {  	_ =	shalt  }
0x7d: {  	_ =	shalt  }
0x7e: {  	_ =	shalt  }
0x7f: {  	_ =	shalt  }
0x80: {  	_ =	shalt  }
0x81: {  	_ =	shalt  }
0x82: {  	_ =	shalt  }
0x83: {  	_ =	shalt  }
0x84: {  	_ =	shalt  }
0x85: {  	_ =	shalt  }
0x86: {  	_ =	shalt  }
0x87: {  	_ =	shalt  }
.Lfunc_end0:
.L_simem_size_0:
called_computation_lowered:
.L_overlay_start_0:
0x88: {  	s2 =	sld [smem:$0x3FD9]  }
0x89: {  	s3 =	sld [smem:$0x3FFE];
	_ =	sdelay $0x1  }
0x8a: {  	s1 =	srdreg.scid  }
0x8b: {  	s0 =	sand.u32 $0x1, s1  }
0x8c: {  	s17 =	sshll.u32 s0, $0xA;
	s2 =	sadd.s32 s3, s2  }
0x8d: {  	s2 =	sadd.s32 s2, s17  }
0x8e: {  	[smem:$0x3FB0] =	sst s2  }
0x8f: {  	_ = 	snop  }
0x90: {  	s2 =	sld [smem:$0x3FC9];
	(tm) =	ssettm $0x1  }
0x91: {  	s18 =	sld [smem:$0x3FFB];
	_ =	sdelay $0x3  }
0x92: {  	_ =	strace s18  }
0x93: {  	s3 =	sld [smem:$0x3FFC];
	_ =	sdelay $0x3  }
0x94: {  	_ =	strace s3  }
0x95: {  	s3 =	sld [smem:$0x3FFD];
	_ =	sdelay $0x3  }
0x96: {  	_ =	strace s3  }
0x97: {  	_ =	strace $0x8FFFFFFF  }
0x98: {  	s19 =	sld [smem:$0x3FDB];
	_ =	sdelay $0x1  }
0x99: {  	s4 =	simm.s32 $_scs_section_size  }
0x9a: {  	s5 =	simm.s32 $_size__tile_overlayer_lowered;
	s6 =	simm.s32 $_tile_overlayer_lowered  }
0x9b: {  	s22 =	simm.s32 $0x1BFF;
	s21 =	sshll.u32 s6, $0x1;
	s3 =	sadd.s32 s4, s19  }
0x9c: {  	s7 =	simm.s32 $0x0;
	s20 =	sshll.u32 s5, $0x1;
	s5 =	sadd.s32 s21, s3  }
0x9d: {  	[timem:s7], [sflag:s22] =	dma.local [hbm:s5], s20  }
0x9e: {  	_ =	swait.ge [sflag:s22], s20  }
0x9f: {  	s4 =	ssub.s32 $0x0, s20;
	[sflag:s22] =	ssyncset.done $0x0  }
0xa0: {  	[sflag:s22] =	ssyncadd.s32 s4;
	_ =	sdelay $0x1  }
0xa1: {  	s23 =	simm.s32 $0x1B8B  }
0xa2: {  	_ =	swait.ge [sflag:s23], $0x1  }
0xa3: {  	[sflag:s23] =	ssyncset.done $0x0  }
0xa4: {  	s25 =	simm.s32 $0x1B8E;
	s24 =	sld [smem:$0x3FFE];
	[sflag:s23] =	ssyncadd.s32 $0xFFFFFFFF  }
0xa5: {  	s26 =	simm.s32 $execute0_lowered;
	[smem:$0x3FD2] =	sst s25  }
0xa6: {  	s5 =	sshll.u32 s26, $0x1;
	_ =	strace $0x80000046;
	[dreg:$0x1] =	wrdreg $0xFFFFFFFF  }
0xa7: {  	s28 =	simm.s32 $_size_execute0_lowered;
	s3 =	sadd.s32 s3, s5;
	[dreg:$0x0] =	wrdreg $0x0  }
0xa8: {  	s5 =	sshll.u32 s28, $0x1;
	[dreg:$0x2] =	wrdreg s3  }
0xa9: {  	[dreg:$0x3] =	wrdreg s5  }
0xaa: {  	[dreg:$0x4] =	wrdreg $0xC0  }
0xab: {  	_ =	task [dreg:s7], $0x5FFFF  }
0xac: {  	[dreg:$0x1] =	wrdreg $0xFFFFFFFF  }
0xad: {  	[dreg:$0x0] =	wrdreg $0x60  }
0xae: {  	[dreg:$0x2] =	wrdreg s2  }
0xaf: {  	[dreg:$0x3] =	wrdreg s24  }
0xb0: {  	[dreg:$0x4] =	wrdreg $0xA8000  }
0xb1: {  	[dreg:$0x5] =	wrdreg $0x9  }
0xb2: {  	_ =	task.clear_ibuf [dreg:s7], $0x6FFFF;
	_ =	strace $0x90000046  }
0xb3: {  	s29 =	simm.s32 $0x9;
	_ =	strace $0x80000048  }
0xb4: {  	_ =	swait.ge [sflag:s29], $0x1  }
0xb5: {  	[sflag:s29] =	ssyncadd.s32 $0xFFFFFFFF  }
0xb6: {  	_ =	strace $0x90000048  }
0xb7: {  	_ =	sfence  }
0xb8: {  	s30 =	sld [smem:$0x0];
	_ =	sdelay $0x2  }
0xb9: {  	s31 =	sshll.u32 s1, $0xD;
	s1 =	sshrl.u32 s1, $0x2  }
0xba: {  	s3 =	sand.u32 $0x4000, s31;
	s1 =	sadd.s32 s1, s30  }
0xbb: {  	s0 =	sor.u32 s3, s0;
	s1 =	sshll.u32 s1, $0x11  }
0xbc: {  	s0 =	sor.u32 s1, s0  }
0xbd: {  	s0 =	sadd.s32 $0x8F2B, s0  }
0xbe: {  	[sflag:s0] =	ssyncadd.remote.s32 $0x1  }
0xbf: {  	_ =	sfence.sel $0xFFFF  }
0xc0: {  	[dreg:$0x0] =	wrdreg $0xFFFFFFFF;
	(pc) =	sbr.abs _section_cstart, $3  }
0xc1: {  	[dreg:$0x1] =	wrdreg $0xFFFFFFFF  }
0xc2: {  	_ =	task.clear_ibuf [dreg:s7], $0x2FFFF;
	_ =	strace $0x9FFFFFFF  }
0xc3: {  	(tm) =	ssettm $0x7FFFFFFF  }
tec
execute0_lowered:
.L_overlay_start_1:
0x0: {  	(tag) =	ssettag $0x1  }
0x1: {  	s1 =	rddreg [dreg:$0x0]  }
0x2: {  	s6 =	rddreg [dreg:$0x1]  }
0x3: {  	s0 =	srdreg.scid;
	s3 =	rddreg [dreg:$0x2]  }
0x4: {  	s4 =	simm.s32 $0x0;
	s15 =	simm.s32 $0x80;
	s16 =	simm.s32 $0x2800  }
0x5: {  	s17 =	simm.s32 $0x6800;
	s21 =	simm.s32 $0x1;
	s22 =	simm.s32 $0x2  }
0x6: {  	s23 =	simm.s32 $0x2700;
	s8 =	sand.u32 $0x1, s0;
	s0 =	stileid.u32  }
0x7: {  	s24 =	simm.s32 $0x2780;
	s25 =	simm.s32 $0x0;
	s11 =	smul.u32 $0x4E000, s0  }
0x8: {  	[smem:$0x7FF] =	sst s4;
	s12 =	sadd.s32 $0x1B000, s6;
	s29 =	smul.u32 $0x2700, s0  }
0x9: {  	s20 =	sadd.s32 $0x138000, s3;
	s2 =	sshll.u32 s8, $0x4;
	s14 =	smul.u32 $0x138800, s8  }
0xa: {  	s7 =	ssub.s32 $0x2, s8;
	s30 =	smul.u32 $0x27100, s8;
	p0 =	sne.s32 s0, $0xF  }
0xb: {  	s18 =	sshll.u32 s0, $0x6;
	s2 =	sor.u32 s0, s2;
	s10 =	sshrl.u32 s7, $0x1  }
0xc: {  	s18 =	sor.u32 $0x1C03, s18;
	s20 =	sshrl.u32 @!p0 s20, $0x3;
	s5 =	smul.u32 $0x2800, s2  }
0xd: {  	s2 =	rddreg [dreg:$0x3];
	_ =	strace $0x80000047;
	s13 =	ssub.s32 s7, s10  }
0xe: {  	s11 =	sshrl.u32 s11, $0x2;
	s14 =	sshrl.u32 s14, $0x3;
	s10 =	sadd.s32 s29, s30  }
0xf: {  	s19 =	sadd.s32 s11, s3;
	s31 =	sadd.s32 s12, s14;
	s10 =	sadd.s32 s12, s10  }
0x10: {  	s12 =	smax.u32 s13, $0x1;
	s13 =	simm.s32 $0x3;
	s5 =	sshrl.u32 s5, $0x3  }
0x11: {  	s14 =	simm.s32 $0x1400;
	s11 =	sadd.s32 $0x27000, s31;
	s9 =	sadd.s32 s5, s6  }
0x12: {  	s19 =	sshrl.u32 s19, $0x3;
	s5 =	sadd.s32 $0x18800, s6;
	s6 =	sadd.s32 $0x4800, s9  }
0x13: {  	s7 =	sadd.s32 $0xE800, s9;
	s8 =	sadd.s32 $0x4A80, s9;
	s9 =	sadd.s32 $0xEA80, s9  }
.LBB2_1:
0x14: {  	[tilespmem:s4], [sflag:$0x3] =	stream.linear.gather [hbm4b:s6+s4], $0x1400, $0x38;
	[tilespmem:$0x1E280] =	vst v63  }
0x15: {  	_ =	swait.ge [sflag:s13], $0x1400  }
0x16: {  	[sflag:s13] =	ssyncset.done $0x0  }
0x17: {  	[sflag:s13] =	ssyncadd.s32 $0xFFFFEC00  }
0x18: {  	[tilespmem:s14], [sflag:$0x3] =	stream.linear.gather [hbm4b:s7+s4], $0x1400, $0x38;
	[tilespmem:$0x1E280] =	vst v63  }
0x19: {  	_ =	swait.ge [sflag:s13], $0x1400  }
0x1a: {  	[sflag:s13] =	ssyncset.done $0x0  }
0x1b: {  	[sflag:s13] =	ssyncadd.s32 $0xFFFFEC00  }
0x1c: {  	[tilespmem:s16], [sflag:$0x1] =	stream.indirect.gather [hbm4b:s1+s15], $0x80, s4, s15, $0xb8;
	[tilespmem:$0x1E280] =	vst v63  }
0x1d: {  	_ = 	snop  }
0x1e: {  	[tilespmem:s17], [sflag:$0x2] =	stream.indirect.gather [hbm4b:s1+s15], $0x80, s15, s15, $0xb8;
	[tilespmem:$0x1E280] =	vst v63  }
0x1f: {  	[spmem:s19], [sflag:s18] =	dma.local [hbm:s5], $0x2700  }
0x20: {  	_ =	swait.ge [sflag:s13], $0x2700  }
0x21: {  	[sflag:s13] =	ssyncset.done $0x0  }
0x22: {  	s26 =	simm.s32 @!p0 $0x3;
	[sflag:s13] =	ssyncadd.s32 $0xFFFFD900  }
0x23: {  	[spmem:s20], [sflag:s18] =	dma.local @!p0 [hbm:s5], $0x500  }
0x24: {  	_ =	swait.ge @!p0 [sflag:s26], $0x500  }
0x25: {  	[sflag:s26] =	ssyncset.done @!p0 $0x0  }
0x26: {  	[sflag:s26] =	ssyncadd.s32 @!p0 $0xFFFFFB00  }
0x27: {  	[bflag:$0x0] =	sbarrier.arrive $0xFFFF  }
0x28: {  	_ =	swait.ge [sflag:s21], $0x4000  }
0x29: {  	[sflag:s21] =	ssyncset.done $0x0  }
0x2a: {  	s29 =	simm.s32 $0x1400;
	[sflag:s21] =	ssyncadd.s32 $0xFFFFC000  }
0x2b: {  	[spmem:s3] =	stream.indirect.scatter.add.f32 [tilespmem:s16], [sflag:$0x3], $0x80, s29, s15, $0xb8;
	[tilespmem:$0x1E280] =	vst v63  }
0x2c: {  	_ =	swait.ge [sflag:s13], $0x4000  }
0x2d: {  	[sflag:s13] =	ssyncset.done $0x0  }
0x2e: {  	s30 =	simm.s32 $0x100;
	[sflag:s13] =	ssyncadd.s32 $0xFFFFC000  }
0x2f: {  	[tilespmem:s16], [sflag:$0x1] =	stream.indirect.gather [hbm4b:s1+s15], $0x80, s30, s15, $0xb8;
	[tilespmem:$0x1E280] =	vst v63  }
0x30: {  	_ =	swait.ge [sflag:s22], $0x4000  }
0x31: {  	[sflag:s22] =	ssyncset.done $0x0  }
0x32: {  	s31 =	simm.s32 $0x1480;
	[sflag:s22] =	ssyncadd.s32 $0xFFFFC000  }
0x33: {  	[spmem:s3] =	stream.indirect.scatter.add.f32 [tilespmem:s17], [sflag:$0x3], $0x80, s31, s15, $0xb8;
	[tilespmem:$0x1E280] =	vst v63  }
0x34: {  	_ =	swait.ge [sflag:s13], $0x4000  }
0x35: {  	[sflag:s13] =	ssyncset.done $0x0  }
0x36: {  	s28 =	simm.s32 $0x180;
	s26 =	simm.s32 $0x400;
	[sflag:s13] =	ssyncadd.s32 $0xFFFFC000  }
.LBB2_2:
0x37: {  	[tilespmem:s17], [sflag:$0x2] =	stream.indirect.gather [hbm4b:s1+s15], $0x80, s28, s15, $0xb8;
	[tilespmem:$0x1E280] =	vst v63  }
0x38: {  	s28 =	smov.u32 s26  }
0x39: {  	p1 =	sne.s32 s26, $0x4800;
	s26 =	sadd.s32 $0x400, s26;
	_ =	swait.ge [sflag:s21], $0x4000  }
0x3a: {  	s28 =	sshra.s32 s28, $0x2;
	[sflag:s21] =	ssyncset.done $0x0  }
0x3b: {  	s29 =	sadd.s32 $0x1400, s28;
	[sflag:s21] =	ssyncadd.s32 $0xFFFFC000  }
0x3c: {  	[spmem:s3] =	stream.indirect.scatter.add.f32 [tilespmem:s16], [sflag:$0x3], $0x80, s29, s15, $0xb8;
	[tilespmem:$0x1E280] =	vst v63  }
0x3d: {  	_ =	swait.ge [sflag:s13], $0x4000  }
0x3e: {  	[sflag:s13] =	ssyncset.done $0x0  }
0x3f: {  	s29 =	sadd.s32 $0x100, s28;
	[sflag:s13] =	ssyncadd.s32 $0xFFFFC000  }
0x40: {  	[tilespmem:s16], [sflag:$0x1] =	stream.indirect.gather [hbm4b:s1+s15], $0x80, s29, s15, $0xb8;
	[tilespmem:$0x1E280] =	vst v63  }
0x41: {  	_ =	swait.ge [sflag:s22], $0x4000  }
0x42: {  	[sflag:s22] =	ssyncset.done $0x0  }
.Ltmp0:
0x43: {  	s29 =	sadd.s32 $0x1480, s28;
	[sflag:s22] =	ssyncadd.s32 $0xFFFFC000;
	(pc) =	sbr.rel @p1 .LBB2_2-.Ltmp0, $4  }
0x44: {  	[spmem:s3] =	stream.indirect.scatter.add.f32 [tilespmem:s17], [sflag:$0x3], $0x80, s29, s15, $0xb8;
	[tilespmem:$0x1E280] =	vst v63  }
0x45: {  	_ =	swait.ge [sflag:s13], $0x4000  }
0x46: {  	[sflag:s13] =	ssyncset.done $0x0  }
0x47: {  	s28 =	sadd.s32 $0x180, s28;
	[sflag:s13] =	ssyncadd.s32 $0xFFFFC000  }
0x48: {  	[tilespmem:s17], [sflag:$0x2] =	stream.indirect.gather [hbm4b:s1+s15], $0x80, s28, s15, $0xb8;
	[tilespmem:$0x1E280] =	vst v63  }
0x49: {  	_ =	swait.ge [sflag:s21], $0x4000  }
0x4a: {  	[sflag:s21] =	ssyncset.done $0x0  }
0x4b: {  	[sflag:s21] =	ssyncadd.s32 $0xFFFFC000  }
0x4c: {  	[spmem:s3] =	stream.indirect.scatter.add.f32 [tilespmem:s16], [sflag:$0x3], $0x80, s23, s15, $0xb8;
	[tilespmem:$0x1E280] =	vst v63  }
0x4d: {  	_ =	swait.ge [sflag:s13], $0x4000  }
0x4e: {  	[sflag:s13] =	ssyncset.done $0x0  }
0x4f: {  	[sflag:s13] =	ssyncadd.s32 $0xFFFFC000  }
0x50: {  	_ =	swait.ge [sflag:s22], $0x4000  }
0x51: {  	[sflag:s22] =	ssyncset.done $0x0  }
0x52: {  	[sflag:s22] =	ssyncadd.s32 $0xFFFFC000  }
0x53: {  	[spmem:s3] =	stream.indirect.scatter.add.f32 [tilespmem:s17], [sflag:$0x3], $0x80, s24, s15, $0xb8;
	[tilespmem:$0x1E280] =	vst v63  }
0x54: {  	_ =	swait.ge [sflag:s13], $0x4000  }
0x55: {  	[sflag:s13] =	ssyncset.done $0x0  }
0x56: {  	s26 =	simm.s32 $0x0;
	[sflag:s13] =	ssyncadd.s32 $0xFFFFC000  }
0x57: {  	[tilespmem:s26], [sflag:$0x3] =	stream.linear.gather [hbm4b:s8+s26], $0x1400, $0x38;
	[tilespmem:$0x1E280] =	vst v63  }
0x58: {  	_ =	swait.ge [sflag:s13], $0x1400  }
0x59: {  	[sflag:s13] =	ssyncset.done $0x0  }
0x5a: {  	[sflag:s13] =	ssyncadd.s32 $0xFFFFEC00  }
0x5b: {  	[tilespmem:s14], [sflag:$0x3] =	stream.linear.gather [hbm4b:s9+s26], $0x1400, $0x38;
	[tilespmem:$0x1E280] =	vst v63  }
0x5c: {  	_ =	swait.ge [sflag:s13], $0x1400  }
0x5d: {  	[sflag:s13] =	ssyncset.done $0x0  }
0x5e: {  	[sflag:s13] =	ssyncadd.s32 $0xFFFFEC00  }
0x5f: {  	[tilespmem:s16], [sflag:$0x1] =	stream.indirect.gather [hbm4b:s1+s15], $0x80, s26, s15, $0xb8;
	[tilespmem:$0x1E280] =	vst v63  }
0x60: {  	_ = 	snop  }
0x61: {  	[tilespmem:s17], [sflag:$0x2] =	stream.indirect.gather [hbm4b:s1+s15], $0x80, s15, s15, $0xb8;
	[tilespmem:$0x1E280] =	vst v63  }
0x62: {  	_ =	swait.ge [sflag:s21], $0x4000  }
0x63: {  	[sflag:s21] =	ssyncset.done $0x0  }
0x64: {  	s29 =	simm.s32 $0x1400;
	[sflag:s21] =	ssyncadd.s32 $0xFFFFC000  }
0x65: {  	[spmem:s3] =	stream.indirect.scatter.add.f32 [tilespmem:s16], [sflag:$0x3], $0x80, s29, s15, $0xb8;
	[tilespmem:$0x1E280] =	vst v63  }
0x66: {  	_ =	swait.ge [sflag:s13], $0x4000  }
0x67: {  	[sflag:s13] =	ssyncset.done $0x0  }
0x68: {  	s30 =	simm.s32 $0x100;
	[sflag:s13] =	ssyncadd.s32 $0xFFFFC000  }
0x69: {  	[tilespmem:s16], [sflag:$0x1] =	stream.indirect.gather [hbm4b:s1+s15], $0x80, s30, s15, $0xb8;
	[tilespmem:$0x1E280] =	vst v63  }
0x6a: {  	_ =	swait.ge [sflag:s22], $0x4000  }
0x6b: {  	[sflag:s22] =	ssyncset.done $0x0  }
0x6c: {  	s31 =	simm.s32 $0x1480;
	[sflag:s22] =	ssyncadd.s32 $0xFFFFC000  }
0x6d: {  	[spmem:s3] =	stream.indirect.scatter.add.f32 [tilespmem:s17], [sflag:$0x3], $0x80, s31, s15, $0xb8;
	[tilespmem:$0x1E280] =	vst v63  }
0x6e: {  	_ =	swait.ge [sflag:s13], $0x4000  }
0x6f: {  	[sflag:s13] =	ssyncset.done $0x0  }
0x70: {  	s28 =	simm.s32 $0x180;
	s26 =	simm.s32 $0x400;
	[sflag:s13] =	ssyncadd.s32 $0xFFFFC000  }
.LBB2_4:
0x71: {  	[tilespmem:s17], [sflag:$0x2] =	stream.indirect.gather [hbm4b:s1+s15], $0x80, s28, s15, $0xb8;
	[tilespmem:$0x1E280] =	vst v63  }
0x72: {  	s28 =	smov.u32 s26  }
0x73: {  	p1 =	sne.s32 s26, $0x4800;
	s26 =	sadd.s32 $0x400, s26;
	_ =	swait.ge [sflag:s21], $0x4000  }
0x74: {  	s28 =	sshra.s32 s28, $0x2;
	[sflag:s21] =	ssyncset.done $0x0  }
0x75: {  	s29 =	sadd.s32 $0x1400, s28;
	[sflag:s21] =	ssyncadd.s32 $0xFFFFC000  }
0x76: {  	[spmem:s3] =	stream.indirect.scatter.add.f32 [tilespmem:s16], [sflag:$0x3], $0x80, s29, s15, $0xb8;
	[tilespmem:$0x1E280] =	vst v63  }
0x77: {  	_ =	swait.ge [sflag:s13], $0x4000  }
0x78: {  	[sflag:s13] =	ssyncset.done $0x0  }
0x79: {  	s29 =	sadd.s32 $0x100, s28;
	[sflag:s13] =	ssyncadd.s32 $0xFFFFC000  }
0x7a: {  	[tilespmem:s16], [sflag:$0x1] =	stream.indirect.gather [hbm4b:s1+s15], $0x80, s29, s15, $0xb8;
	[tilespmem:$0x1E280] =	vst v63  }
0x7b: {  	_ =	swait.ge [sflag:s22], $0x4000  }
0x7c: {  	[sflag:s22] =	ssyncset.done $0x0  }
.Ltmp1:
0x7d: {  	s29 =	sadd.s32 $0x1480, s28;
	[sflag:s22] =	ssyncadd.s32 $0xFFFFC000;
	(pc) =	sbr.rel @p1 .LBB2_4-.Ltmp1, $4  }
0x7e: {  	[spmem:s3] =	stream.indirect.scatter.add.f32 [tilespmem:s17], [sflag:$0x3], $0x80, s29, s15, $0xb8;
	[tilespmem:$0x1E280] =	vst v63  }
0x7f: {  	_ =	swait.ge [sflag:s13], $0x4000  }
0x80: {  	[sflag:s13] =	ssyncset.done $0x0  }
0x81: {  	s28 =	sadd.s32 $0x180, s28;
	[sflag:s13] =	ssyncadd.s32 $0xFFFFC000  }
0x82: {  	[tilespmem:s17], [sflag:$0x2] =	stream.indirect.gather [hbm4b:s1+s15], $0x80, s28, s15, $0xb8;
	[tilespmem:$0x1E280] =	vst v63  }
0x83: {  	_ =	swait.ge [sflag:s21], $0x4000  }
0x84: {  	[sflag:s21] =	ssyncset.done $0x0  }
0x85: {  	[sflag:s21] =	ssyncadd.s32 $0xFFFFC000  }
0x86: {  	[spmem:s3] =	stream.indirect.scatter.add.f32 [tilespmem:s16], [sflag:$0x3], $0x80, s23, s15, $0xb8;
	[tilespmem:$0x1E280] =	vst v63  }
0x87: {  	_ =	swait.ge [sflag:s13], $0x4000  }
0x88: {  	[sflag:s13] =	ssyncset.done $0x0  }
0x89: {  	[sflag:s13] =	ssyncadd.s32 $0xFFFFC000  }
0x8a: {  	_ =	swait.ge [sflag:s22], $0x4000  }
0x8b: {  	[sflag:s22] =	ssyncset.done $0x0  }
0x8c: {  	[sflag:s22] =	ssyncadd.s32 $0xFFFFC000  }
0x8d: {  	[spmem:s3] =	stream.indirect.scatter.add.f32 [tilespmem:s17], [sflag:$0x3], $0x80, s24, s15, $0xb8;
	[tilespmem:$0x1E280] =	vst v63  }
0x8e: {  	_ =	swait.ge [sflag:s13], $0x4000  }
0x8f: {  	[sflag:s13] =	ssyncset.done $0x0  }
0x90: {  	[sflag:s13] =	ssyncadd.s32 $0xFFFFC000  }
0x91: {  	[bflag:$0x0] =	sbarrier.arrive $0xFFFF  }
0x92: {  	[hbm:s10], [sflag:s18] =	dma.local [spmem:s19], $0x2700  }
0x93: {  	s25 =	sadd.s32 $0x1, s25;
	_ =	swait.ge [sflag:s13], $0x2700  }
0x94: {  	p1 =	sne.s32 s25, s12;
	[sflag:s13] =	ssyncset.done $0x0  }
.Ltmp2:
0x95: {  	s26 =	simm.s32 @!p0 $0x3;
	[sflag:s13] =	ssyncadd.s32 $0xFFFFD900;
	(pc) =	sbr.rel @p1 .LBB2_1-.Ltmp2, $4  }
0x96: {  	[hbm:s11], [sflag:s18] =	dma.local @!p0 [spmem:s20], $0x100  }
0x97: {  	_ =	swait.ge @!p0 [sflag:s26], $0x100  }
0x98: {  	[sflag:s26] =	ssyncset.done @!p0 $0x0  }
0x99: {  	[sflag:s26] =	ssyncadd.s32 @!p0 $0xFFFFFF00  }
0x9a: {  	_ =	sfence.sel $0x180000  }
0x9b: {  	[bflag:$0x0] =	sbarrier.arrive $0xFFFF  }
0x9c: {  	p0 =	sne.s32 s0, $0x0;
	_ =	strace $0x90000047  }
0x9d: {  	s0 =	sadd.s32 @!p0 $0x100000, s2;
	[bflag:$0x2] =	sbarrier.arrive $0xFFFF  }
0x9e: {  	[sflag:s0] =	ssyncadd.tile.s32 @!p0 $0x1;
	_ =	shalt  }
.Lfunc_end2:
_tile_overlayer_lowered:
.L_overlay_start_2:
0x9f: {  	(tag) =	ssettag $0x2  }
0xa0: {  	s0 =	rddreg [dreg:$0x0];
	s2 =	stileid.u32  }
0xa1: {  	s1 =	rddreg [dreg:$0x1];
	p0 =	sne.s32 s2, $0x0  }
0xa2: {  	s3 =	rddreg [dreg:$0x2];
	[bflag:$0x3] =	sbarrier.arrive $0xFFFF;
	s2 =	simm.s32 @!p0 $0x1C03  }
0xa3: {  	[timem:s3], [sflag:s2] =	dma.local @!p0 [hbm:s0], s1  }
0xa4: {  	s0 =	simm.s32 @!p0 $0x3  }
0xa5: {  	_ =	swait.ge @!p0 [sflag:s0], s1  }
0xa6: {  	s1 =	ssub.s32 @!p0 $0x0, s1;
	[sflag:s0] =	ssyncset.done @!p0 $0x0  }
0xa7: {  	[sflag:s0] =	ssyncadd.s32 @!p0 s1  }
0xa8: {  	[bflag:$0x3] =	sbarrier.arrive $0xFFFF  }
0xa9: {  	_ =	shalt  }

</sc_bundles>
